<compile_context>
chip_gen: v7x
topology: tpu7x:2x2x1
jax: 0.10.2.dev20260603
libtpu: 0.0.44.dev20260713+nightly
codegen_flags: <defaults>
</compile_context>

<pallas_src>
import functools

import jax
import jax.numpy as jnp
import numpy as np
from jax import lax
from jax.experimental import pallas as pl
from jax.experimental.pallas import tpu as pltpu
from jax.experimental.pallas import tpu_sc as plsc

D = 256
NF = 19
N_ACTIVE = 12288
N_SIDE = 6144
N_TOTAL = N_ACTIVE + N_SIDE
KPAD = 128

_B = 512

_NC, _NS, _L = 2, 16, 16
_NW = _NC * _NS
_CW = N_TOTAL // _NW
_C = 16
_G = 3 * _C
_SUB = _CW // _C

_EQ_SEGS = ((3, 3, 18), (4, 7, 21), (5, 2, 28), (6, 2, 30), (7, 2, 32),
            (8, 8, 34), (9, 4, 42), (10, 2, 46), (11, 16, 48))
_SEL = np.zeros((NF, KPAD), np.float32)
_TGT = np.full((KPAD, 1), -1.0, np.float32)
for _f, _n, _base in _EQ_SEGS:
    for _t in range(_n):
        _SEL[_f, _base + _t] = 1.0
        _TGT[_base + _t, 0] = float(_t)
_SELT = np.ascontiguousarray(_SEL.T)


def _tc_body(featst_ref, g_ref, wcat_ref, bias_ref, selt_ref, tgt_ref,
             out_ref):
    feats = featst_ref[...]
    featsf = feats.astype(jnp.float32)
    fsel = jnp.dot(selt_ref[...], featsf,
                   preferred_element_type=jnp.float32)
    hp = featsf[0:1, :]
    maxhp = jnp.maximum(featsf[1:2, :], 1.0)
    ratio = jnp.clip(hp / maxhp, 0.0, 1.0)
    token = (1023.0 * ratio).astype(jnp.int32)
    lvl = feats[2:3, :]
    m0 = featsf[15:16, :]
    m1 = featsf[16:17, :]
    m2 = featsf[17:18, :]

    c = lax.broadcasted_iota(jnp.int32, (KPAD, _B), 0)
    bitsrc = jnp.where(c < 10, token, lvl)
    sh = jnp.clip(jnp.where(c < 10, c, c - 11), 0, 31)
    bits = (lax.shift_right_logical(bitsrc, sh) & 1).astype(jnp.float32)
    eq = (jnp.abs(fsel - tgt_ref[...]) < 0.5).astype(jnp.float32)
    cm = (c - 64).astype(jnp.float32)
    mv = (((m0 == cm) | (m1 == cm) | (m2 == cm)) & (c < 68)).astype(jnp.float32)
    code = jnp.where(c == 10, ratio,
                     jnp.where(c < 18, bits,
                               jnp.where(c < 64, eq, mv)))
    gi = g_ref[...]
    glo = lax.bitcast_convert_type(gi << 16, jnp.float32)
    ghi = lax.bitcast_convert_type(gi & jnp.int32(-65536), jnp.float32)
    out_ref[...] = (lax.dot_general(code, wcat_ref[...],
                                    (((0,), (0,)), ((), ())),
                                    preferred_element_type=jnp.float32)
                    + bias_ref[...]
                    + jnp.concatenate([glo, ghi], axis=1))


def _tc_call(featst, g, wcat, bias, nrows, block_off):
    grid = nrows // _B
    return pl.pallas_call(
        _tc_body,
        grid=(grid,),
        in_specs=[
            pl.BlockSpec((NF, _B), lambda i: (0, i + block_off)),
            pl.BlockSpec((_B, D // 2), lambda i: (i + block_off, 0)),
            pl.BlockSpec((KPAD, D), lambda i: (0, 0)),
            pl.BlockSpec((1, D), lambda i: (0, 0)),
            pl.BlockSpec((KPAD, NF), lambda i: (0, 0)),
            pl.BlockSpec((KPAD, 1), lambda i: (0, 0)),
        ],
        out_specs=pl.BlockSpec((_B, D), lambda i: (i, 0)),
        out_shape=jax.ShapeDtypeStruct((nrows, D), jnp.float32),
    )(featst, g, wcat, bias, jnp.asarray(_SELT), jnp.asarray(_TGT))


_TROWS = 2688


@functools.cache
def _sc_gather():
    mesh = plsc.VectorSubcoreMesh(core_axis_name="c", subcore_axis_name="s",
                                  num_cores=_NC)

    @functools.partial(
        pl.kernel,
        mesh=mesh,
        out_type=jax.ShapeDtypeStruct((N_TOTAL, D // 2), jnp.int32),
        scratch_types=[
            pltpu.VMEM((_SUB, _G), jnp.int32),
            pltpu.VMEM((_G, D // 2), jnp.int32),
            pltpu.VMEM((_G, D // 2), jnp.int32),
            pltpu.VMEM((_C, D // 2), jnp.int32),
            pltpu.VMEM((_C, D // 2), jnp.int32),
            pltpu.SemaphoreType.DMA,
            pltpu.SemaphoreType.DMA,
        ],
    )
    def sc_fn(table_hbm, idx_hbm, g_hbm, idxv, rA, rB, oA, oB,
              gsem, wsem):
        sid = lax.axis_index("s")
        w = sid * _NC + lax.axis_index("c")
        row0 = w * _CW
        pltpu.sync_copy(idx_hbm.at[w], idxv)
        rbufs = (rA, rB)
        obufs = (oA, oB)
        pltpu.async_copy(table_hbm.at[idxv.at[0]], rA, gsem)
        pltpu.async_copy(table_hbm.at[idxv.at[1]], rB, gsem)

        @pl.loop(0, _SUB, step=2)
        def chunk_loop(g):
            for b in range(2):
                k = g + b
                r = rbufs[b]
                o = obufs[b]
                pltpu.make_async_copy(table_hbm.at[idxv.at[0]], r, gsem).wait()
                @pl.when(g > 0)
                def _():
                    pltpu.make_async_copy(
                        o, g_hbm.at[pl.ds(row0, _C)], wsem).wait()

                @plsc.parallel_loop(0, _C)
                def add_rows(i):
                    msk = jnp.int32(-65536)
                    for j in range(D // (2 * _L)):
                        sl = pl.ds(j * _L, _L)
                        x0 = r[3 * i, sl]
                        x1 = r[3 * i + 1, sl]
                        x2 = r[3 * i + 2, sl]
                        def _f(v):
                            return lax.bitcast_convert_type(v, jnp.float32)
                        lo = (_f(x0 << 16) + _f(x1 << 16) + _f(x2 << 16))
                        hi = (_f(x0 & msk) + _f(x1 & msk) + _f(x2 & msk))
                        lo_i = lax.bitcast_convert_type(lo, jnp.int32)
                        hi_i = lax.bitcast_convert_type(hi, jnp.int32)
                        o[i, sl] = (lax.shift_right_logical(lo_i, 16)
                                    | (hi_i & msk))

                pltpu.async_copy(
                    o, g_hbm.at[pl.ds(row0 + k * _C, _C)], wsem)
                @pl.when(k + 2 < _SUB)
                def _():
                    pltpu.async_copy(table_hbm.at[idxv.at[k + 2]], r, gsem)

        pltpu.make_async_copy(oA, g_hbm.at[pl.ds(row0, _C)], wsem).wait()
        pltpu.make_async_copy(oB, g_hbm.at[pl.ds(row0, _C)], wsem).wait()

    return sc_fn


def kernel(active_entities, side_entities, W_onehot, b_onehot, W_species,
           b_species, W_ability, b_ability, W_item, b_item, W_moveset,
           b_moveset):
    featst = jnp.concatenate(
        [active_entities.reshape(N_ACTIVE, NF).T, side_entities.T], axis=1)
    wcat = jnp.concatenate(
        [W_onehot, W_moveset, jnp.zeros((KPAD - 68, D), jnp.float32)], axis=0)
    bias = (b_onehot + b_species + b_ability + b_item + b_moveset).reshape(1, D)
    tb = jnp.concatenate(
        [W_species, W_ability, jnp.zeros((64, D), jnp.float32),
         W_item], axis=0).astype(jnp.bfloat16)
    table = lax.bitcast_convert_type(
        jnp.stack([tb[:, :D // 2], tb[:, D // 2:]], axis=-1), jnp.int32)
    spec = featst[12, :]
    abil = featst[13, :]
    idx = jnp.stack([
        spec,
        jnp.where(abil < 320, abil + 1280, 1600 + (spec & 63)),
        featst[14, :] + 1664,
    ], axis=1).astype(jnp.int32).reshape(_NW, _SUB, _G)
    g = _sc_gather()(table, idx)
    out1 = _tc_call(featst, g, wcat, bias, N_ACTIVE, 0)
    out2 = _tc_call(featst, g, wcat, bias, N_SIDE, N_ACTIVE // _B)
    return out1.reshape(1024, 12, D), out2

# --- scband reference (transcript-rebuilt; emitter-appended) ---
"""Pipeline reference for scband-entity-encoder-41747082117631 (READ-ONLY COPY).

The authoritative reference and input builder live on the scoring server;
editing this copy changes nothing except your own understanding.
"""

import jax, jax.numpy as jnp
import numpy as np

ENTITY_SIZE = 256
NUM_GENDERS = 3
NUM_STATUS = 7
NUM_ITEM_EFFECTS = 16
NUM_SPECIES = 1280
NUM_ABILITIES = 320
NUM_ITEMS = 1024
HP, MAXHP, LEVEL, GENDER, STATUS = 0, 1, 2, 3, 4
BEING_CALLED_BACK, TRAPPED, NEWLY_SWITCHED = 5, 6, 7
TOXIC_TURNS, SLEEP_TURNS, FAINTED, ITEM_EFFECT = 8, 9, 10, 11
SPECIES, ABILITY, ITEM = 12, 13, 14
MOVEID0, MOVEID3 = 15, 18
NUM_FEATURES = 19
BOOL_CODE_DIM = 10 + 1 + 7 + NUM_GENDERS + NUM_STATUS + 2 + 2 + 2 + 8 + 4 + 2 + NUM_ITEM_EFFECTS


def _binary_scale_embedding(to_encode, world_dim):
    num_bits = (world_dim - 1).bit_length()
    bit_mask = jnp.asarray(1 << np.arange(num_bits), dtype=jnp.int32)
    pos = jnp.broadcast_to(to_encode[jnp.newaxis], (num_bits,))
    return jnp.not_equal(jnp.bitwise_and(pos, bit_mask), 0).astype(jnp.float32)


def _encode_multi_onehot(x, num_classes):
    result = jnp.zeros(num_classes)
    result = result.at[x].set(1)
    return result


def _dense(x, W, b):
    return x @ W + b


def _encode_entity(entity, params):
    hp = entity[HP]
    maxhp = jnp.maximum(entity[MAXHP], 1)
    hp_ratio = jnp.clip(hp / maxhp, 0.0, 1.0)
    hp_token = (1023 * hp_ratio).astype(jnp.int32)
    embeddings = [
        _binary_scale_embedding(hp_token, 1024),
        hp_ratio[jnp.newaxis],
        _binary_scale_embedding(entity[LEVEL], 101),
        jax.nn.one_hot(entity[GENDER], NUM_GENDERS),
        jax.nn.one_hot(entity[STATUS], NUM_STATUS),
        jax.nn.one_hot(entity[BEING_CALLED_BACK], 2),
        jax.nn.one_hot(entity[TRAPPED], 2),
        jax.nn.one_hot(entity[NEWLY_SWITCHED], 2),
        jax.nn.one_hot(entity[TOXIC_TURNS], 8),
        jax.nn.one_hot(entity[SLEEP_TURNS], 4),
        jax.nn.one_hot(entity[FAINTED], 2),
        jax.nn.one_hot(entity[ITEM_EFFECT], NUM_ITEM_EFFECTS),
    ]
    boolean_code = jnp.concatenate(embeddings, axis=0)
    moveset_onehot = _encode_multi_onehot(entity[MOVEID0:MOVEID3], 4)
    outs = [
        _dense(boolean_code.astype(jnp.float32), params['W_onehot'], params['b_onehot']),
        _dense(jax.nn.one_hot(entity[SPECIES], NUM_SPECIES), params['W_species'], params['b_species']),
        _dense(jax.nn.one_hot(entity[ABILITY], NUM_ABILITIES), params['W_ability'], params['b_ability']),
        _dense(jax.nn.one_hot(entity[ITEM], NUM_ITEMS), params['W_item'], params['b_item']),
        _dense(moveset_onehot, params['W_moveset'], params['b_moveset']),
    ]
    return jnp.stack(outs).sum(0)


def setup_inputs(seed: int = 0) -> dict:
    key = jax.random.key(seed)
    ks = jax.random.split(key, 8)
    active_entities = jax.random.randint(ks[0], (1024, 12, NUM_FEATURES), 0, 1024, dtype=jnp.int32)
    side_entities = jax.random.randint(ks[1], (6144, NUM_FEATURES), 0, 1024, dtype=jnp.int32)

    def init_w(k, fan_in):
        return (jax.random.normal(k, (fan_in, ENTITY_SIZE), dtype=jnp.float32) / np.sqrt(fan_in)).astype(jnp.float32)

    return {
        'active_entities': active_entities,
        'side_entities': side_entities,
        'W_onehot': init_w(ks[2], BOOL_CODE_DIM), 'b_onehot': jnp.zeros((ENTITY_SIZE,), jnp.float32),
        'W_species': init_w(ks[3], NUM_SPECIES), 'b_species': jnp.zeros((ENTITY_SIZE,), jnp.float32),
        'W_ability': init_w(ks[4], NUM_ABILITIES), 'b_ability': jnp.zeros((ENTITY_SIZE,), jnp.float32),
        'W_item': init_w(ks[5], NUM_ITEMS), 'b_item': jnp.zeros((ENTITY_SIZE,), jnp.float32),
        'W_moveset': init_w(ks[6], 4), 'b_moveset': jnp.zeros((ENTITY_SIZE,), jnp.float32),
    }


def reference(active_entities, side_entities, W_onehot, b_onehot, W_species, b_species, W_ability, b_ability, W_item, b_item, W_moveset, b_moveset):
    params = {
        'W_onehot': W_onehot, 'b_onehot': b_onehot,
        'W_species': W_species, 'b_species': b_species,
        'W_ability': W_ability, 'b_ability': b_ability,
        'W_item': W_item, 'b_item': b_item,
        'W_moveset': W_moveset, 'b_moveset': b_moveset,
    }
    _encode = jax.vmap(lambda e: _encode_entity(e, params))
    active_embeddings = jax.vmap(_encode)(active_entities)
    side_embedding = _encode(side_entities)
    return (active_embeddings, side_embedding)

if __name__ == "__main__":
    import jax
    _d = setup_inputs()
    print(jax.jit(kernel)(*tuple(_d.values())))

</pallas_src>

<mosaic_0001>
#map = affine_map<(d0, d1) -> (0, 0)>
#map1 = affine_map<(d0, d1) -> (0, 0, 0)>
module attributes {stable_mosaic.version = 14 : i64} {
  func.func @sc_fn(%arg0: i32, %arg1: i32, %arg2: memref<2688x128xi32, #tpu.memory_space<hbm>>, %arg3: memref<32x36x48xi32, #tpu.memory_space<hbm>>, %arg4: memref<18432x128xi32, #tpu.memory_space<hbm>>, %arg5: memref<36x48xi32, #tpu.memory_space<vmem>>, %arg6: memref<48x128xi32, #tpu.memory_space<vmem>>, %arg7: memref<48x128xi32, #tpu.memory_space<vmem>>, %arg8: memref<16x128xi32, #tpu.memory_space<vmem>>, %arg9: memref<16x128xi32, #tpu.memory_space<vmem>>, %arg10: memref<!tpu.dma_semaphore, #tpu.memory_space<semaphore_mem>>, %arg11: memref<!tpu.dma_semaphore, #tpu.memory_space<semaphore_mem>>) attributes {dimension_semantics = [#tpu.dimension_semantics<core_parallel>, #tpu.dimension_semantics<subcore_parallel>], iteration_bounds = array<i64: 2, 16>, scalar_prefetch = 0 : i64, scratch_operands = 7 : i64, tpu.core_type = #tpu.core_type<sc_vector_subcore>, window_params = [{transform_indices = #map}, {transform_indices = #map1}, {transform_indices = #map}]} {
    %mul3A = arith.constant 2 : i32
    %mul3A_0 = arith.muli %arg1, %mul3A : i32
    %add3A = arith.addi %mul3A_0, %arg0 : i32
    %mul3A_1 = arith.constant 576 : i32
    %mul3A_2 = arith.muli %add3A, %mul3A_1 : i32
    "tpu.region"() ({
      %run_scoped3A = tpu.sem_alloc : memref<!tpu.dma_semaphore, #tpu.memory_space<semaphore_mem>>
      %dma_start3A_27 = arith.constant 0 : i32
      %dma_start3A_28 = arith.constant 0 : i32
      %dma_start3A_29 = tpu.memref_slice %arg3[%add3A, %dma_start3A_27, %dma_start3A_28] : memref<32x36x48xi32, #tpu.memory_space<hbm>> -> memref<1x36x48xi32, #tpu.memory_space<hbm>>
      %dma_start3A_30 = tpu.memref_squeeze %dma_start3A_29 : memref<1x36x48xi32, #tpu.memory_space<hbm>> -> memref<36x48xi32, #tpu.memory_space<hbm>>
      %dma_start3A_31 = arith.constant 0 : i32
      %dma_start3A_32 = arith.constant 0 : i32
      %dma_start3A_33 = tpu.memref_slice %arg3[%add3A, %dma_start3A_31, %dma_start3A_32] : memref<32x36x48xi32, #tpu.memory_space<hbm>> -> memref<1x36x48xi32, #tpu.memory_space<hbm>>
      %dma_start3A_34 = tpu.memref_squeeze %dma_start3A_33 : memref<1x36x48xi32, #tpu.memory_space<hbm>> -> memref<36x48xi32, #tpu.memory_space<hbm>>
      tpu.enqueue_dma source(%dma_start3A_34 : memref<36x48xi32, #tpu.memory_space<hbm>>) target(%arg5 : memref<36x48xi32, #tpu.memory_space<vmem>>) target_semaphore(%run_scoped3A : memref<!tpu.dma_semaphore, #tpu.memory_space<semaphore_mem>>)
      %dma_wait3A_35 = arith.constant 0 : i32
      %dma_wait3A_36 = arith.constant 0 : i32
      %dma_wait3A_37 = tpu.memref_slice %arg3[%add3A, %dma_wait3A_35, %dma_wait3A_36] : memref<32x36x48xi32, #tpu.memory_space<hbm>> -> memref<1x36x48xi32, #tpu.memory_space<hbm>>
      %dma_wait3A_38 = tpu.memref_squeeze %dma_wait3A_37 : memref<1x36x48xi32, #tpu.memory_space<hbm>> -> memref<36x48xi32, #tpu.memory_space<hbm>>
      %dma_wait3A_39 = arith.constant 0 : i32
      %dma_wait3A_40 = arith.constant 0 : i32
      %dma_wait3A_41 = tpu.memref_slice %arg3[%add3A, %dma_wait3A_39, %dma_wait3A_40] : memref<32x36x48xi32, #tpu.memory_space<hbm>> -> memref<1x36x48xi32, #tpu.memory_space<hbm>>
      %dma_wait3A_42 = tpu.memref_squeeze %dma_wait3A_41 : memref<1x36x48xi32, #tpu.memory_space<hbm>> -> memref<36x48xi32, #tpu.memory_space<hbm>>
      tpu.wait_dma2 semaphore(%run_scoped3A : memref<!tpu.dma_semaphore, #tpu.memory_space<semaphore_mem>>) src(%dma_wait3A_42 : memref<36x48xi32, #tpu.memory_space<hbm>>) dst(%arg5 : memref<36x48xi32, #tpu.memory_space<vmem>>)
      tpu.yield
    }) : () -> ()
    %dma_start3A = arith.constant 0 : i32
    %dma_start3A_3 = arith.constant 0 : i32
    %dma_start3A_4 = tpu.memref_slice %arg5[%dma_start3A, %dma_start3A_3] : memref<36x48xi32, #tpu.memory_space<vmem>> -> memref<1x48xi32, #tpu.memory_space<vmem>>
    %dma_start3A_5 = tpu.memref_squeeze %dma_start3A_4 : memref<1x48xi32, #tpu.memory_space<vmem>> -> memref<48xi32, #tpu.memory_space<vmem>>
    %dma_start3A_6 = arith.constant 0 : i32
    %dma_start3A_7 = arith.constant 0 : i32
    %dma_start3A_8 = tpu.memref_slice %arg2[%dma_start3A_6, %dma_start3A_7] : memref<2688x128xi32, #tpu.memory_space<hbm>> -> memref<2688x128xi32, #tpu.memory_space<hbm>>
    tpu.enqueue_indirect_dma source(%dma_start3A_8 : memref<2688x128xi32, #tpu.memory_space<hbm>>) target(%arg6 : memref<48x128xi32, #tpu.memory_space<vmem>>) offsets(%dma_start3A_5 : memref<48xi32, #tpu.memory_space<vmem>>) semaphore(%arg10 : memref<!tpu.dma_semaphore, #tpu.memory_space<semaphore_mem>>)
    %dma_start3A_9 = arith.constant 1 : i32
    %dma_start3A_10 = arith.constant 0 : i32
    %dma_start3A_11 = tpu.memref_slice %arg5[%dma_start3A_9, %dma_start3A_10] : memref<36x48xi32, #tpu.memory_space<vmem>> -> memref<1x48xi32, #tpu.memory_space<vmem>>
    %dma_start3A_12 = tpu.memref_squeeze %dma_start3A_11 : memref<1x48xi32, #tpu.memory_space<vmem>> -> memref<48xi32, #tpu.memory_space<vmem>>
    %dma_start3A_13 = arith.constant 0 : i32
    %dma_start3A_14 = arith.constant 0 : i32
    %dma_start3A_15 = tpu.memref_slice %arg2[%dma_start3A_13, %dma_start3A_14] : memref<2688x128xi32, #tpu.memory_space<hbm>> -> memref<2688x128xi32, #tpu.memory_space<hbm>>
    tpu.enqueue_indirect_dma source(%dma_start3A_15 : memref<2688x128xi32, #tpu.memory_space<hbm>>) target(%arg7 : memref<48x128xi32, #tpu.memory_space<vmem>>) offsets(%dma_start3A_12 : memref<48xi32, #tpu.memory_space<vmem>>) semaphore(%arg10 : memref<!tpu.dma_semaphore, #tpu.memory_space<semaphore_mem>>)
    %scan3A = arith.constant 0 : i32
    %scan3A_16 = arith.constant 18 : i32
    %scan3A_17 = arith.addi %scan3A, %scan3A_16 : i32
    %scan3A_18 = arith.constant 1 : i32
    scf.for %scan3A_27 = %scan3A to %scan3A_17 step %scan3A_18  : i32 {
      %mul3A_28 = arith.constant 2 : i32
      %mul3A_29 = arith.muli %scan3A_27, %mul3A_28 : i32
      %add3A_30 = arith.constant 0 : i32
      %add3A_31 = arith.addi %add3A_30, %mul3A_29 : i32
      %add3A_32 = arith.constant 0 : i32
      %add3A_33 = arith.addi %add3A_31, %add3A_32 : i32
      %dma_wait3A_34 = arith.constant 0 : i32
      %dma_wait3A_35 = arith.constant 0 : i32
      %dma_wait3A_36 = tpu.memref_slice %arg5[%dma_wait3A_34, %dma_wait3A_35] : memref<36x48xi32, #tpu.memory_space<vmem>> -> memref<1x48xi32, #tpu.memory_space<vmem>>
      %dma_wait3A_37 = tpu.memref_squeeze %dma_wait3A_36 : memref<1x48xi32, #tpu.memory_space<vmem>> -> memref<48xi32, #tpu.memory_space<vmem>>
      %dma_wait3A_38 = arith.constant 0 : i32
      %dma_wait3A_39 = arith.constant 0 : i32
      %dma_wait3A_40 = tpu.memref_slice %arg2[%dma_wait3A_38, %dma_wait3A_39] : memref<2688x128xi32, #tpu.memory_space<hbm>> -> memref<2688x128xi32, #tpu.memory_space<hbm>>
      tpu.wait_indirect_dma semaphore(%arg10 : memref<!tpu.dma_semaphore, #tpu.memory_space<semaphore_mem>>) src(%dma_wait3A_40 : memref<2688x128xi32, #tpu.memory_space<hbm>>) dst(%arg6 : memref<48x128xi32, #tpu.memory_space<vmem>>)
      %gt3A = arith.constant 0 : i32
      %gt3A_41 = arith.cmpi sgt, %add3A_31, %gt3A : i32
      %convert_element_type3A = arith.extui %gt3A_41 : i1 to i32
      %cond3A = arith.constant 0 : i32
      %cond3A_42 = arith.cmpi ne, %convert_element_type3A, %cond3A : i32
      scf.if %cond3A_42 {
        %dma_wait3A_89 = arith.constant 0 : i32
        %dma_wait3A_90 = tpu.memref_slice %arg4[%mul3A_2, %dma_wait3A_89] : memref<18432x128xi32, #tpu.memory_space<hbm>> -> memref<16x128xi32, #tpu.memory_space<hbm>>
        %dma_wait3A_91 = arith.constant 0 : i32
        %dma_wait3A_92 = tpu.memref_slice %arg4[%mul3A_2, %dma_wait3A_91] : memref<18432x128xi32, #tpu.memory_space<hbm>> -> memref<16x128xi32, #tpu.memory_space<hbm>>
        tpu.wait_dma2 semaphore(%arg11 : memref<!tpu.dma_semaphore, #tpu.memory_space<semaphore_mem>>) src(%arg8 : memref<16x128xi32, #tpu.memory_space<vmem>>) dst(%dma_wait3A_92 : memref<16x128xi32, #tpu.memory_space<hbm>>)
      } else {
      }
      %parallel_loop3A = arith.constant 0 : i32
      %parallel_loop3A_43 = arith.constant 16 : i32
      %parallel_loop3A_44 = arith.constant 1 : i32
      scf.for %parallel_loop3A_89 = %parallel_loop3A to %parallel_loop3A_43 step %parallel_loop3A_44  : i32 {
        %parallel_loop3A_90 = arith.constant 3 : i32
        %parallel_loop3A_91 = arith.muli %parallel_loop3A_90, %parallel_loop3A_89 : i32
        %parallel_loop3A_92 = arith.index_cast %parallel_loop3A_91 : i32 to index
        %parallel_loop3A_93 = arith.constant 0 : index
        %parallel_loop3A_94 = tpu.vector_load %arg6[%parallel_loop3A_92, %parallel_loop3A_93] {strides = array<i32>} : memref<48x128xi32, #tpu.memory_space<vmem>>, vector<1x16xi32>,
        %parallel_loop3A_95 = vector.shape_cast %parallel_loop3A_94 : vector<1x16xi32> to vector<16xi32>
        %parallel_loop3A_96 = arith.constant 3 : i32
        %parallel_loop3A_97 = arith.muli %parallel_loop3A_96, %parallel_loop3A_89 : i32
        %parallel_loop3A_98 = arith.constant 1 : i32
        %parallel_loop3A_99 = arith.addi %parallel_loop3A_97, %parallel_loop3A_98 : i32
        %parallel_loop3A_100 = arith.index_cast %parallel_loop3A_99 : i32 to index
        %parallel_loop3A_101 = arith.constant 0 : index
        %parallel_loop3A_102 = tpu.vector_load %arg6[%parallel_loop3A_100, %parallel_loop3A_101] {strides = array<i32>} : memref<48x128xi32, #tpu.memory_space<vmem>>, vector<1x16xi32>,
        %parallel_loop3A_103 = vector.shape_cast %parallel_loop3A_102 : vector<1x16xi32> to vector<16xi32>
        %parallel_loop3A_104 = arith.constant 3 : i32
        %parallel_loop3A_105 = arith.muli %parallel_loop3A_104, %parallel_loop3A_89 : i32
        %parallel_loop3A_106 = arith.constant 2 : i32
        %parallel_loop3A_107 = arith.addi %parallel_loop3A_105, %parallel_loop3A_106 : i32
        %parallel_loop3A_108 = arith.index_cast %parallel_loop3A_107 : i32 to index
        %parallel_loop3A_109 = arith.constant 0 : index
        %parallel_loop3A_110 = tpu.vector_load %arg6[%parallel_loop3A_108, %parallel_loop3A_109] {strides = array<i32>} : memref<48x128xi32, #tpu.memory_space<vmem>>, vector<1x16xi32>,
        %parallel_loop3A_111 = vector.shape_cast %parallel_loop3A_110 : vector<1x16xi32> to vector<16xi32>
        %parallel_loop3A_112 = arith.constant 16 : i32
        %parallel_loop3A_113 = vector.broadcast %parallel_loop3A_112 : i32 to vector<16xi32>
        %parallel_loop3A_114 = arith.shli %parallel_loop3A_95, %parallel_loop3A_113 : vector<16xi32>
        %parallel_loop3A_115 = tpu.bitcast %parallel_loop3A_114 : vector<16xi32> -> vector<16xf32>
        %parallel_loop3A_116 = arith.constant 16 : i32
        %parallel_loop3A_117 = vector.broadcast %parallel_loop3A_116 : i32 to vector<16xi32>
        %parallel_loop3A_118 = arith.shli %parallel_loop3A_103, %parallel_loop3A_117 : vector<16xi32>
        %parallel_loop3A_119 = tpu.bitcast %parallel_loop3A_118 : vector<16xi32> -> vector<16xf32>
        %parallel_loop3A_120 = arith.addf %parallel_loop3A_115, %parallel_loop3A_119 : vector<16xf32>
        %parallel_loop3A_121 = arith.constant 16 : i32
        %parallel_loop3A_122 = vector.broadcast %parallel_loop3A_121 : i32 to vector<16xi32>
        %parallel_loop3A_123 = arith.shli %parallel_loop3A_111, %parallel_loop3A_122 : vector<16xi32>
        %parallel_loop3A_124 = tpu.bitcast %parallel_loop3A_123 : vector<16xi32> -> vector<16xf32>
        %parallel_loop3A_125 = arith.addf %parallel_loop3A_120, %parallel_loop3A_124 : vector<16xf32>
        %parallel_loop3A_126 = arith.constant -65536 : i32
        %parallel_loop3A_127 = vector.broadcast %parallel_loop3A_126 : i32 to vector<16xi32>
        %parallel_loop3A_128 = arith.andi %parallel_loop3A_95, %parallel_loop3A_127 : vector<16xi32>
        %parallel_loop3A_129 = tpu.bitcast %parallel_loop3A_128 : vector<16xi32> -> vector<16xf32>
        %parallel_loop3A_130 = arith.constant -65536 : i32
        %parallel_loop3A_131 = vector.broadcast %parallel_loop3A_130 : i32 to vector<16xi32>
        %parallel_loop3A_132 = arith.andi %parallel_loop3A_103, %parallel_loop3A_131 : vector<16xi32>
        %parallel_loop3A_133 = tpu.bitcast %parallel_loop3A_132 : vector<16xi32> -> vector<16xf32>
        %parallel_loop3A_134 = arith.addf %parallel_loop3A_129, %parallel_loop3A_133 : vector<16xf32>
        %parallel_loop3A_135 = arith.constant -65536 : i32
        %parallel_loop3A_136 = vector.broadcast %parallel_loop3A_135 : i32 to vector<16xi32>
        %parallel_loop3A_137 = arith.andi %parallel_loop3A_111, %parallel_loop3A_136 : vector<16xi32>
        %parallel_loop3A_138 = tpu.bitcast %parallel_loop3A_137 : vector<16xi32> -> vector<16xf32>
        %parallel_loop3A_139 = arith.addf %parallel_loop3A_134, %parallel_loop3A_138 : vector<16xf32>
        %parallel_loop3A_140 = tpu.bitcast %parallel_loop3A_125 : vector<16xf32> -> vector<16xi32>
        %parallel_loop3A_141 = tpu.bitcast %parallel_loop3A_139 : vector<16xf32> -> vector<16xi32>
        %parallel_loop3A_142 = arith.constant 16 : i32
        %parallel_loop3A_143 = vector.broadcast %parallel_loop3A_142 : i32 to vector<16xi32>
        %parallel_loop3A_144 = arith.shrui %parallel_loop3A_140, %parallel_loop3A_143 : vector<16xi32>
        %parallel_loop3A_145 = arith.constant -65536 : i32
        %parallel_loop3A_146 = vector.broadcast %parallel_loop3A_145 : i32 to vector<16xi32>
        %parallel_loop3A_147 = arith.andi %parallel_loop3A_141, %parallel_loop3A_146 : vector<16xi32>
        %parallel_loop3A_148 = arith.ori %parallel_loop3A_144, %parallel_loop3A_147 : vector<16xi32>
        %parallel_loop3A_149 = arith.index_cast %parallel_loop3A_89 : i32 to index
        %parallel_loop3A_150 = arith.constant 0 : index
        %parallel_loop3A_151 = tpu.vector_load %arg8[%parallel_loop3A_149, %parallel_loop3A_150] {strides = array<i32>} : memref<16x128xi32, #tpu.memory_space<vmem>>, vector<1x16xi32>,
        %parallel_loop3A_152 = vector.shape_cast %parallel_loop3A_151 : vector<1x16xi32> to vector<16xi32>
        %parallel_loop3A_153 = vector.shape_cast %parallel_loop3A_148 : vector<16xi32> to vector<1x16xi32>
        tpu.vector_store %arg8[%parallel_loop3A_149, %parallel_loop3A_150], %parallel_loop3A_153 {strides = array<i32>} : memref<16x128xi32, #tpu.memory_space<vmem>>, vector<1x16xi32>,
        %parallel_loop3A_154 = arith.constant 3 : i32
        %parallel_loop3A_155 = arith.muli %parallel_loop3A_154, %parallel_loop3A_89 : i32
        %parallel_loop3A_156 = arith.index_cast %parallel_loop3A_155 : i32 to index
        %parallel_loop3A_157 = arith.constant 16 : index
        %parallel_loop3A_158 = tpu.vector_load %arg6[%parallel_loop3A_156, %parallel_loop3A_157] {strides = array<i32>} : memref<48x128xi32, #tpu.memory_space<vmem>>, vector<1x16xi32>,
        %parallel_loop3A_159 = vector.shape_cast %parallel_loop3A_158 : vector<1x16xi32> to vector<16xi32>
        %parallel_loop3A_160 = arith.constant 3 : i32
        %parallel_loop3A_161 = arith.muli %parallel_loop3A_160, %parallel_loop3A_89 : i32
        %parallel_loop3A_162 = arith.constant 1 : i32
        %parallel_loop3A_163 = arith.addi %parallel_loop3A_161, %parallel_loop3A_162 : i32
        %parallel_loop3A_164 = arith.index_cast %parallel_loop3A_163 : i32 to index
        %parallel_loop3A_165 = arith.constant 16 : index
        %parallel_loop3A_166 = tpu.vector_load %arg6[%parallel_loop3A_164, %parallel_loop3A_165] {strides = array<i32>} : memref<48x128xi32, #tpu.memory_space<vmem>>, vector<1x16xi32>,
        %parallel_loop3A_167 = vector.shape_cast %parallel_loop3A_166 : vector<1x16xi32> to vector<16xi32>
        %parallel_loop3A_168 = arith.constant 3 : i32
        %parallel_loop3A_169 = arith.muli %parallel_loop3A_168, %parallel_loop3A_89 : i32
        %parallel_loop3A_170 = arith.constant 2 : i32
        %parallel_loop3A_171 = arith.addi %parallel_loop3A_169, %parallel_loop3A_170 : i32
        %parallel_loop3A_172 = arith.index_cast %parallel_loop3A_171 : i32 to index
        %parallel_loop3A_173 = arith.constant 16 : index
        %parallel_loop3A_174 = tpu.vector_load %arg6[%parallel_loop3A_172, %parallel_loop3A_173] {strides = array<i32>} : memref<48x128xi32, #tpu.memory_space<vmem>>, vector<1x16xi32>,
        %parallel_loop3A_175 = vector.shape_cast %parallel_loop3A_174 : vector<1x16xi32> to vector<16xi32>
        %parallel_loop3A_176 = arith.constant 16 : i32
        %parallel_loop3A_177 = vector.broadcast %parallel_loop3A_176 : i32 to vector<16xi32>
        %parallel_loop3A_178 = arith.shli %parallel_loop3A_159, %parallel_loop3A_177 : vector<16xi32>
        %parallel_loop3A_179 = tpu.bitcast %parallel_loop3A_178 : vector<16xi32> -> vector<16xf32>
        %parallel_loop3A_180 = arith.constant 16 : i32
        %parallel_loop3A_181 = vector.broadcast %parallel_loop3A_180 : i32 to vector<16xi32>
        %parallel_loop3A_182 = arith.shli %parallel_loop3A_167, %parallel_loop3A_181 : vector<16xi32>
        %parallel_loop3A_183 = tpu.bitcast %parallel_loop3A_182 : vector<16xi32> -> vector<16xf32>
        %parallel_loop3A_184 = arith.addf %parallel_loop3A_179, %parallel_loop3A_183 : vector<16xf32>
        %parallel_loop3A_185 = arith.constant 16 : i32
        %parallel_loop3A_186 = vector.broadcast %parallel_loop3A_185 : i32 to vector<16xi32>
        %parallel_loop3A_187 = arith.shli %parallel_loop3A_175, %parallel_loop3A_186 : vector<16xi32>
        %parallel_loop3A_188 = tpu.bitcast %parallel_loop3A_187 : vector<16xi32> -> vector<16xf32>
        %parallel_loop3A_189 = arith.addf %parallel_loop3A_184, %parallel_loop3A_188 : vector<16xf32>
        %parallel_loop3A_190 = arith.constant -65536 : i32
        %parallel_loop3A_191 = vector.broadcast %parallel_loop3A_190 : i32 to vector<16xi32>
        %parallel_loop3A_192 = arith.andi %parallel_loop3A_159, %parallel_loop3A_191 : vector<16xi32>
        %parallel_loop3A_193 = tpu.bitcast %parallel_loop3A_192 : vector<16xi32> -> vector<16xf32>
        %parallel_loop3A_194 = arith.constant -65536 : i32
        %parallel_loop3A_195 = vector.broadcast %parallel_loop3A_194 : i32 to vector<16xi32>
        %parallel_loop3A_196 = arith.andi %parallel_loop3A_167, %parallel_loop3A_195 : vector<16xi32>
        %parallel_loop3A_197 = tpu.bitcast %parallel_loop3A_196 : vector<16xi32> -> vector<16xf32>
        %parallel_loop3A_198 = arith.addf %parallel_loop3A_193, %parallel_loop3A_197 : vector<16xf32>
        %parallel_loop3A_199 = arith.constant -65536 : i32
        %parallel_loop3A_200 = vector.broadcast %parallel_loop3A_199 : i32 to vector<16xi32>
        %parallel_loop3A_201 = arith.andi %parallel_loop3A_175, %parallel_loop3A_200 : vector<16xi32>
        %parallel_loop3A_202 = tpu.bitcast %parallel_loop3A_201 : vector<16xi32> -> vector<16xf32>
        %parallel_loop3A_203 = arith.addf %parallel_loop3A_198, %parallel_loop3A_202 : vector<16xf32>
        %parallel_loop3A_204 = tpu.bitcast %parallel_loop3A_189 : vector<16xf32> -> vector<16xi32>
        %parallel_loop3A_205 = tpu.bitcast %parallel_loop3A_203 : vector<16xf32> -> vector<16xi32>
        %parallel_loop3A_206 = arith.constant 16 : i32
        %parallel_loop3A_207 = vector.broadcast %parallel_loop3A_206 : i32 to vector<16xi32>
        %parallel_loop3A_208 = arith.shrui %parallel_loop3A_204, %parallel_loop3A_207 : vector<16xi32>
        %parallel_loop3A_209 = arith.constant -65536 : i32
        %parallel_loop3A_210 = vector.broadcast %parallel_loop3A_209 : i32 to vector<16xi32>
        %parallel_loop3A_211 = arith.andi %parallel_loop3A_205, %parallel_loop3A_210 : vector<16xi32>
        %parallel_loop3A_212 = arith.ori %parallel_loop3A_208, %parallel_loop3A_211 : vector<16xi32>
        %parallel_loop3A_213 = arith.index_cast %parallel_loop3A_89 : i32 to index
        %parallel_loop3A_214 = arith.constant 16 : index
        %parallel_loop3A_215 = tpu.vector_load %arg8[%parallel_loop3A_213, %parallel_loop3A_214] {strides = array<i32>} : memref<16x128xi32, #tpu.memory_space<vmem>>, vector<1x16xi32>,
        %parallel_loop3A_216 = vector.shape_cast %parallel_loop3A_215 : vector<1x16xi32> to vector<16xi32>
        %parallel_loop3A_217 = vector.shape_cast %parallel_loop3A_212 : vector<16xi32> to vector<1x16xi32>
        tpu.vector_store %arg8[%parallel_loop3A_213, %parallel_loop3A_214], %parallel_loop3A_217 {strides = array<i32>} : memref<16x128xi32, #tpu.memory_space<vmem>>, vector<1x16xi32>,
        %parallel_loop3A_218 = arith.constant 3 : i32
        %parallel_loop3A_219 = arith.muli %parallel_loop3A_218, %parallel_loop3A_89 : i32
        %parallel_loop3A_220 = arith.index_cast %parallel_loop3A_219 : i32 to index
        %parallel_loop3A_221 = arith.constant 32 : index
        %parallel_loop3A_222 = tpu.vector_load %arg6[%parallel_loop3A_220, %parallel_loop3A_221] {strides = array<i32>} : memref<48x128xi32, #tpu.memory_space<vmem>>, vector<1x16xi32>,
        %parallel_loop3A_223 = vector.shape_cast %parallel_loop3A_222 : vector<1x16xi32> to vector<16xi32>
        %parallel_loop3A_224 = arith.constant 3 : i32
        %parallel_loop3A_225 = arith.muli %parallel_loop3A_224, %parallel_loop3A_89 : i32
        %parallel_loop3A_226 = arith.constant 1 : i32
        %parallel_loop3A_227 = arith.addi %parallel_loop3A_225, %parallel_loop3A_226 : i32
        %parallel_loop3A_228 = arith.index_cast %parallel_loop3A_227 : i32 to index
        %parallel_loop3A_229 = arith.constant 32 : index
        %parallel_loop3A_230 = tpu.vector_load %arg6[%parallel_loop3A_228, %parallel_loop3A_229] {strides = array<i32>} : memref<48x128xi32, #tpu.memory_space<vmem>>, vector<1x16xi32>,
        %parallel_loop3A_231 = vector.shape_cast %parallel_loop3A_230 : vector<1x16xi32> to vector<16xi32>
        %parallel_loop3A_232 = arith.constant 3 : i32
        %parallel_loop3A_233 = arith.muli %parallel_loop3A_232, %parallel_loop3A_89 : i32
        %parallel_loop3A_234 = arith.constant 2 : i32
        %parallel_loop3A_235 = arith.addi %parallel_loop3A_233, %parallel_loop3A_234 : i32
        %parallel_loop3A_236 = arith.index_cast %parallel_loop3A_235 : i32 to index
        %parallel_loop3A_237 = arith.constant 32 : index
        %parallel_loop3A_238 = tpu.vector_load %arg6[%parallel_loop3A_236, %parallel_loop3A_237] {strides = array<i32>} : memref<48x128xi32, #tpu.memory_space<vmem>>, vector<1x16xi32>,
        %parallel_loop3A_239 = vector.shape_cast %parallel_loop3A_238 : vector<1x16xi32> to vector<16xi32>
        %parallel_loop3A_240 = arith.constant 16 : i32
        %parallel_loop3A_241 = vector.broadcast %parallel_loop3A_240 : i32 to vector<16xi32>
        %parallel_loop3A_242 = arith.shli %parallel_loop3A_223, %parallel_loop3A_241 : vector<16xi32>
        %parallel_loop3A_243 = tpu.bitcast %parallel_loop3A_242 : vector<16xi32> -> vector<16xf32>
        %parallel_loop3A_244 = arith.constant 16 : i32
        %parallel_loop3A_245 = vector.broadcast %parallel_loop3A_244 : i32 to vector<16xi32>
        %parallel_loop3A_246 = arith.shli %parallel_loop3A_231, %parallel_loop3A_245 : vector<16xi32>
        %parallel_loop3A_247 = tpu.bitcast %parallel_loop3A_246 : vector<16xi32> -> vector<16xf32>
        %parallel_loop3A_248 = arith.addf %parallel_loop3A_243, %parallel_loop3A_247 : vector<16xf32>
        %parallel_loop3A_249 = arith.constant 16 : i32
        %parallel_loop3A_250 = vector.broadcast %parallel_loop3A_249 : i32 to vector<16xi32>
        %parallel_loop3A_251 = arith.shli %parallel_loop3A_239, %parallel_loop3A_250 : vector<16xi32>
        %parallel_loop3A_252 = tpu.bitcast %parallel_loop3A_251 : vector<16xi32> -> vector<16xf32>
        %parallel_loop3A_253 = arith.addf %parallel_loop3A_248, %parallel_loop3A_252 : vector<16xf32>
        %parallel_loop3A_254 = arith.constant -65536 : i32
        %parallel_loop3A_255 = vector.broadcast %parallel_loop3A_254 : i32 to vector<16xi32>
        %parallel_loop3A_256 = arith.andi %parallel_loop3A_223, %parallel_loop3A_255 : vector<16xi32>
        %parallel_loop3A_257 = tpu.bitcast %parallel_loop3A_256 : vector<16xi32> -> vector<16xf32>
        %parallel_loop3A_258 = arith.constant -65536 : i32
        %parallel_loop3A_259 = vector.broadcast %parallel_loop3A_258 : i32 to vector<16xi32>
        %parallel_loop3A_260 = arith.andi %parallel_loop3A_231, %parallel_loop3A_259 : vector<16xi32>
        %parallel_loop3A_261 = tpu.bitcast %parallel_loop3A_260 : vector<16xi32> -> vector<16xf32>
        %parallel_loop3A_262 = arith.addf %parallel_loop3A_257, %parallel_loop3A_261 : vector<16xf32>
        %parallel_loop3A_263 = arith.constant -65536 : i32
        %parallel_loop3A_264 = vector.broadcast %parallel_loop3A_263 : i32 to vector<16xi32>
        %parallel_loop3A_265 = arith.andi %parallel_loop3A_239, %parallel_loop3A_264 : vector<16xi32>
        %parallel_loop3A_266 = tpu.bitcast %parallel_loop3A_265 : vector<16xi32> -> vector<16xf32>
        %parallel_loop3A_267 = arith.addf %parallel_loop3A_262, %parallel_loop3A_266 : vector<16xf32>
        %parallel_loop3A_268 = tpu.bitcast %parallel_loop3A_253 : vector<16xf32> -> vector<16xi32>
        %parallel_loop3A_269 = tpu.bitcast %parallel_loop3A_267 : vector<16xf32> -> vector<16xi32>
        %parallel_loop3A_270 = arith.constant 16 : i32
        %parallel_loop3A_271 = vector.broadcast %parallel_loop3A_270 : i32 to vector<16xi32>
        %parallel_loop3A_272 = arith.shrui %parallel_loop3A_268, %parallel_loop3A_271 : vector<16xi32>
        %parallel_loop3A_273 = arith.constant -65536 : i32
        %parallel_loop3A_274 = vector.broadcast %parallel_loop3A_273 : i32 to vector<16xi32>
        %parallel_loop3A_275 = arith.andi %parallel_loop3A_269, %parallel_loop3A_274 : vector<16xi32>
        %parallel_loop3A_276 = arith.ori %parallel_loop3A_272, %parallel_loop3A_275 : vector<16xi32>
        %parallel_loop3A_277 = arith.index_cast %parallel_loop3A_89 : i32 to index
        %parallel_loop3A_278 = arith.constant 32 : index
        %parallel_loop3A_279 = tpu.vector_load %arg8[%parallel_loop3A_277, %parallel_loop3A_278] {strides = array<i32>} : memref<16x128xi32, #tpu.memory_space<vmem>>, vector<1x16xi32>,
        %parallel_loop3A_280 = vector.shape_cast %parallel_loop3A_279 : vector<1x16xi32> to vector<16xi32>
        %parallel_loop3A_281 = vector.shape_cast %parallel_loop3A_276 : vector<16xi32> to vector<1x16xi32>
        tpu.vector_store %arg8[%parallel_loop3A_277, %parallel_loop3A_278], %parallel_loop3A_281 {strides = array<i32>} : memref<16x128xi32, #tpu.memory_space<vmem>>, vector<1x16xi32>,
        %parallel_loop3A_282 = arith.constant 3 : i32
        %parallel_loop3A_283 = arith.muli %parallel_loop3A_282, %parallel_loop3A_89 : i32
        %parallel_loop3A_284 = arith.index_cast %parallel_loop3A_283 : i32 to index
        %parallel_loop3A_285 = arith.constant 48 : index
        %parallel_loop3A_286 = tpu.vector_load %arg6[%parallel_loop3A_284, %parallel_loop3A_285] {strides = array<i32>} : memref<48x128xi32, #tpu.memory_space<vmem>>, vector<1x16xi32>,
        %parallel_loop3A_287 = vector.shape_cast %parallel_loop3A_286 : vector<1x16xi32> to vector<16xi32>
        %parallel_loop3A_288 = arith.constant 3 : i32
        %parallel_loop3A_289 = arith.muli %parallel_loop3A_288, %parallel_loop3A_89 : i32
        %parallel_loop3A_290 = arith.constant 1 : i32
        %parallel_loop3A_291 = arith.addi %parallel_loop3A_289, %parallel_loop3A_290 : i32
        %parallel_loop3A_292 = arith.index_cast %parallel_loop3A_291 : i32 to index
        %parallel_loop3A_293 = arith.constant 48 : index
        %parallel_loop3A_294 = tpu.vector_load %arg6[%parallel_loop3A_292, %parallel_loop3A_293] {strides = array<i32>} : memref<48x128xi32, #tpu.memory_space<vmem>>, vector<1x16xi32>,
        %parallel_loop3A_295 = vector.shape_cast %parallel_loop3A_294 : vector<1x16xi32> to vector<16xi32>
        %parallel_loop3A_296 = arith.constant 3 : i32
        %parallel_loop3A_297 = arith.muli %parallel_loop3A_296, %parallel_loop3A_89 : i32
        %parallel_loop3A_298 = arith.constant 2 : i32
        %parallel_loop3A_299 = arith.addi %parallel_loop3A_297, %parallel_loop3A_298 : i32
        %parallel_loop3A_300 = arith.index_cast %parallel_loop3A_299 : i32 to index
        %parallel_loop3A_301 = arith.constant 48 : index
        %parallel_loop3A_302 = tpu.vector_load %arg6[%parallel_loop3A_300, %parallel_loop3A_301] {strides = array<i32>} : memref<48x128xi32, #tpu.memory_space<vmem>>, vector<1x16xi32>,
        %parallel_loop3A_303 = vector.shape_cast %parallel_loop3A_302 : vector<1x16xi32> to vector<16xi32>
        %parallel_loop3A_304 = arith.constant 16 : i32
        %parallel_loop3A_305 = vector.broadcast %parallel_loop3A_304 : i32 to vector<16xi32>
        %parallel_loop3A_306 = arith.shli %parallel_loop3A_287, %parallel_loop3A_305 : vector<16xi32>
        %parallel_loop3A_307 = tpu.bitcast %parallel_loop3A_306 : vector<16xi32> -> vector<16xf32>
        %parallel_loop3A_308 = arith.constant 16 : i32
        %parallel_loop3A_309 = vector.broadcast %parallel_loop3A_308 : i32 to vector<16xi32>
        %parallel_loop3A_310 = arith.shli %parallel_loop3A_295, %parallel_loop3A_309 : vector<16xi32>
        %parallel_loop3A_311 = tpu.bitcast %parallel_loop3A_310 : vector<16xi32> -> vector<16xf32>
        %parallel_loop3A_312 = arith.addf %parallel_loop3A_307, %parallel_loop3A_311 : vector<16xf32>
        %parallel_loop3A_313 = arith.constant 16 : i32
        %parallel_loop3A_314 = vector.broadcast %parallel_loop3A_313 : i32 to vector<16xi32>
        %parallel_loop3A_315 = arith.shli %parallel_loop3A_303, %parallel_loop3A_314 : vector<16xi32>
        %parallel_loop3A_316 = tpu.bitcast %parallel_loop3A_315 : vector<16xi32> -> vector<16xf32>
        %parallel_loop3A_317 = arith.addf %parallel_loop3A_312, %parallel_loop3A_316 : vector<16xf32>
        %parallel_loop3A_318 = arith.constant -65536 : i32
        %parallel_loop3A_319 = vector.broadcast %parallel_loop3A_318 : i32 to vector<16xi32>
        %parallel_loop3A_320 = arith.andi %parallel_loop3A_287, %parallel_loop3A_319 : vector<16xi32>
        %parallel_loop3A_321 = tpu.bitcast %parallel_loop3A_320 : vector<16xi32> -> vector<16xf32>
        %parallel_loop3A_322 = arith.constant -65536 : i32
        %parallel_loop3A_323 = vector.broadcast %parallel_loop3A_322 : i32 to vector<16xi32>
        %parallel_loop3A_324 = arith.andi %parallel_loop3A_295, %parallel_loop3A_323 : vector<16xi32>
        %parallel_loop3A_325 = tpu.bitcast %parallel_loop3A_324 : vector<16xi32> -> vector<16xf32>
        %parallel_loop3A_326 = arith.addf %parallel_loop3A_321, %parallel_loop3A_325 : vector<16xf32>
        %parallel_loop3A_327 = arith.constant -65536 : i32
        %parallel_loop3A_328 = vector.broadcast %parallel_loop3A_327 : i32 to vector<16xi32>
        %parallel_loop3A_329 = arith.andi %parallel_loop3A_303, %parallel_loop3A_328 : vector<16xi32>
        %parallel_loop3A_330 = tpu.bitcast %parallel_loop3A_329 : vector<16xi32> -> vector<16xf32>
        %parallel_loop3A_331 = arith.addf %parallel_loop3A_326, %parallel_loop3A_330 : vector<16xf32>
        %parallel_loop3A_332 = tpu.bitcast %parallel_loop3A_317 : vector<16xf32> -> vector<16xi32>
        %parallel_loop3A_333 = tpu.bitcast %parallel_loop3A_331 : vector<16xf32> -> vector<16xi32>
        %parallel_loop3A_334 = arith.constant 16 : i32
        %parallel_loop3A_335 = vector.broadcast %parallel_loop3A_334 : i32 to vector<16xi32>
        %parallel_loop3A_336 = arith.shrui %parallel_loop3A_332, %parallel_loop3A_335 : vector<16xi32>
        %parallel_loop3A_337 = arith.constant -65536 : i32
        %parallel_loop3A_338 = vector.broadcast %parallel_loop3A_337 : i32 to vector<16xi32>
        %parallel_loop3A_339 = arith.andi %parallel_loop3A_333, %parallel_loop3A_338 : vector<16xi32>
        %parallel_loop3A_340 = arith.ori %parallel_loop3A_336, %parallel_loop3A_339 : vector<16xi32>
        %parallel_loop3A_341 = arith.index_cast %parallel_loop3A_89 : i32 to index
        %parallel_loop3A_342 = arith.constant 48 : index
        %parallel_loop3A_343 = tpu.vector_load %arg8[%parallel_loop3A_341, %parallel_loop3A_342] {strides = array<i32>} : memref<16x128xi32, #tpu.memory_space<vmem>>, vector<1x16xi32>,
        %parallel_loop3A_344 = vector.shape_cast %parallel_loop3A_343 : vector<1x16xi32> to vector<16xi32>
        %parallel_loop3A_345 = vector.shape_cast %parallel_loop3A_340 : vector<16xi32> to vector<1x16xi32>
        tpu.vector_store %arg8[%parallel_loop3A_341, %parallel_loop3A_342], %parallel_loop3A_345 {strides = array<i32>} : memref<16x128xi32, #tpu.memory_space<vmem>>, vector<1x16xi32>,
        %parallel_loop3A_346 = arith.constant 3 : i32
        %parallel_loop3A_347 = arith.muli %parallel_loop3A_346, %parallel_loop3A_89 : i32
        %parallel_loop3A_348 = arith.index_cast %parallel_loop3A_347 : i32 to index
        %parallel_loop3A_349 = arith.constant 64 : index
        %parallel_loop3A_350 = tpu.vector_load %arg6[%parallel_loop3A_348, %parallel_loop3A_349] {strides = array<i32>} : memref<48x128xi32, #tpu.memory_space<vmem>>, vector<1x16xi32>,
        %parallel_loop3A_351 = vector.shape_cast %parallel_loop3A_350 : vector<1x16xi32> to vector<16xi32>
        %parallel_loop3A_352 = arith.constant 3 : i32
        %parallel_loop3A_353 = arith.muli %parallel_loop3A_352, %parallel_loop3A_89 : i32
        %parallel_loop3A_354 = arith.constant 1 : i32
        %parallel_loop3A_355 = arith.addi %parallel_loop3A_353, %parallel_loop3A_354 : i32
        %parallel_loop3A_356 = arith.index_cast %parallel_loop3A_355 : i32 to index
        %parallel_loop3A_357 = arith.constant 64 : index
        %parallel_loop3A_358 = tpu.vector_load %arg6[%parallel_loop3A_356, %parallel_loop3A_357] {strides = array<i32>} : memref<48x128xi32, #tpu.memory_space<vmem>>, vector<1x16xi32>,
        %parallel_loop3A_359 = vector.shape_cast %parallel_loop3A_358 : vector<1x16xi32> to vector<16xi32>
        %parallel_loop3A_360 = arith.constant 3 : i32
        %parallel_loop3A_361 = arith.muli %parallel_loop3A_360, %parallel_loop3A_89 : i32
        %parallel_loop3A_362 = arith.constant 2 : i32
        %parallel_loop3A_363 = arith.addi %parallel_loop3A_361, %parallel_loop3A_362 : i32
        %parallel_loop3A_364 = arith.index_cast %parallel_loop3A_363 : i32 to index
        %parallel_loop3A_365 = arith.constant 64 : index
        %parallel_loop3A_366 = tpu.vector_load %arg6[%parallel_loop3A_364, %parallel_loop3A_365] {strides = array<i32>} : memref<48x128xi32, #tpu.memory_space<vmem>>, vector<1x16xi32>,
        %parallel_loop3A_367 = vector.shape_cast %parallel_loop3A_366 : vector<1x16xi32> to vector<16xi32>
        %parallel_loop3A_368 = arith.constant 16 : i32
        %parallel_loop3A_369 = vector.broadcast %parallel_loop3A_368 : i32 to vector<16xi32>
        %parallel_loop3A_370 = arith.shli %parallel_loop3A_351, %parallel_loop3A_369 : vector<16xi32>
        %parallel_loop3A_371 = tpu.bitcast %parallel_loop3A_370 : vector<16xi32> -> vector<16xf32>
        %parallel_loop3A_372 = arith.constant 16 : i32
        %parallel_loop3A_373 = vector.broadcast %parallel_loop3A_372 : i32 to vector<16xi32>
        %parallel_loop3A_374 = arith.shli %parallel_loop3A_359, %parallel_loop3A_373 : vector<16xi32>
        %parallel_loop3A_375 = tpu.bitcast %parallel_loop3A_374 : vector<16xi32> -> vector<16xf32>
        %parallel_loop3A_376 = arith.addf %parallel_loop3A_371, %parallel_loop3A_375 : vector<16xf32>
        %parallel_loop3A_377 = arith.constant 16 : i32
        %parallel_loop3A_378 = vector.broadcast %parallel_loop3A_377 : i32 to vector<16xi32>
        %parallel_loop3A_379 = arith.shli %parallel_loop3A_367, %parallel_loop3A_378 : vector<16xi32>
        %parallel_loop3A_380 = tpu.bitcast %parallel_loop3A_379 : vector<16xi32> -> vector<16xf32>
        %parallel_loop3A_381 = arith.addf %parallel_loop3A_376, %parallel_loop3A_380 : vector<16xf32>
        %parallel_loop3A_382 = arith.constant -65536 : i32
        %parallel_loop3A_383 = vector.broadcast %parallel_loop3A_382 : i32 to vector<16xi32>
        %parallel_loop3A_384 = arith.andi %parallel_loop3A_351, %parallel_loop3A_383 : vector<16xi32>
        %parallel_loop3A_385 = tpu.bitcast %parallel_loop3A_384 : vector<16xi32> -> vector<16xf32>
        %parallel_loop3A_386 = arith.constant -65536 : i32
        %parallel_loop3A_387 = vector.broadcast %parallel_loop3A_386 : i32 to vector<16xi32>
        %parallel_loop3A_388 = arith.andi %parallel_loop3A_359, %parallel_loop3A_387 : vector<16xi32>
        %parallel_loop3A_389 = tpu.bitcast %parallel_loop3A_388 : vector<16xi32> -> vector<16xf32>
        %parallel_loop3A_390 = arith.addf %parallel_loop3A_385, %parallel_loop3A_389 : vector<16xf32>
        %parallel_loop3A_391 = arith.constant -65536 : i32
        %parallel_loop3A_392 = vector.broadcast %parallel_loop3A_391 : i32 to vector<16xi32>
        %parallel_loop3A_393 = arith.andi %parallel_loop3A_367, %parallel_loop3A_392 : vector<16xi32>
        %parallel_loop3A_394 = tpu.bitcast %parallel_loop3A_393 : vector<16xi32> -> vector<16xf32>
        %parallel_loop3A_395 = arith.addf %parallel_loop3A_390, %parallel_loop3A_394 : vector<16xf32>
        %parallel_loop3A_396 = tpu.bitcast %parallel_loop3A_381 : vector<16xf32> -> vector<16xi32>
        %parallel_loop3A_397 = tpu.bitcast %parallel_loop3A_395 : vector<16xf32> -> vector<16xi32>
        %parallel_loop3A_398 = arith.constant 16 : i32
        %parallel_loop3A_399 = vector.broadcast %parallel_loop3A_398 : i32 to vector<16xi32>
        %parallel_loop3A_400 = arith.shrui %parallel_loop3A_396, %parallel_loop3A_399 : vector<16xi32>
        %parallel_loop3A_401 = arith.constant -65536 : i32
        %parallel_loop3A_402 = vector.broadcast %parallel_loop3A_401 : i32 to vector<16xi32>
        %parallel_loop3A_403 = arith.andi %parallel_loop3A_397, %parallel_loop3A_402 : vector<16xi32>
        %parallel_loop3A_404 = arith.ori %parallel_loop3A_400, %parallel_loop3A_403 : vector<16xi32>
        %parallel_loop3A_405 = arith.index_cast %parallel_loop3A_89 : i32 to index
        %parallel_loop3A_406 = arith.constant 64 : index
        %parallel_loop3A_407 = tpu.vector_load %arg8[%parallel_loop3A_405, %parallel_loop3A_406] {strides = array<i32>} : memref<16x128xi32, #tpu.memory_space<vmem>>, vector<1x16xi32>,
        %parallel_loop3A_408 = vector.shape_cast %parallel_loop3A_407 : vector<1x16xi32> to vector<16xi32>
        %parallel_loop3A_409 = vector.shape_cast %parallel_loop3A_404 : vector<16xi32> to vector<1x16xi32>
        tpu.vector_store %arg8[%parallel_loop3A_405, %parallel_loop3A_406], %parallel_loop3A_409 {strides = array<i32>} : memref<16x128xi32, #tpu.memory_space<vmem>>, vector<1x16xi32>,
        %parallel_loop3A_410 = arith.constant 3 : i32
        %parallel_loop3A_411 = arith.muli %parallel_loop3A_410, %parallel_loop3A_89 : i32
        %parallel_loop3A_412 = arith.index_cast %parallel_loop3A_411 : i32 to index
        %parallel_loop3A_413 = arith.constant 80 : index
        %parallel_loop3A_414 = tpu.vector_load %arg6[%parallel_loop3A_412, %parallel_loop3A_413] {strides = array<i32>} : memref<48x128xi32, #tpu.memory_space<vmem>>, vector<1x16xi32>,
        %parallel_loop3A_415 = vector.shape_cast %parallel_loop3A_414 : vector<1x16xi32> to vector<16xi32>
        %parallel_loop3A_416 = arith.constant 3 : i32
        %parallel_loop3A_417 = arith.muli %parallel_loop3A_416, %parallel_loop3A_89 : i32
        %parallel_loop3A_418 = arith.constant 1 : i32
        %parallel_loop3A_419 = arith.addi %parallel_loop3A_417, %parallel_loop3A_418 : i32
        %parallel_loop3A_420 = arith.index_cast %parallel_loop3A_419 : i32 to index
        %parallel_loop3A_421 = arith.constant 80 : index
        %parallel_loop3A_422 = tpu.vector_load %arg6[%parallel_loop3A_420, %parallel_loop3A_421] {strides = array<i32>} : memref<48x128xi32, #tpu.memory_space<vmem>>, vector<1x16xi32>,
        %parallel_loop3A_423 = vector.shape_cast %parallel_loop3A_422 : vector<1x16xi32> to vector<16xi32>
        %parallel_loop3A_424 = arith.constant 3 : i32
        %parallel_loop3A_425 = arith.muli %parallel_loop3A_424, %parallel_loop3A_89 : i32
        %parallel_loop3A_426 = arith.constant 2 : i32
        %parallel_loop3A_427 = arith.addi %parallel_loop3A_425, %parallel_loop3A_426 : i32
        %parallel_loop3A_428 = arith.index_cast %parallel_loop3A_427 : i32 to index
        %parallel_loop3A_429 = arith.constant 80 : index
        %parallel_loop3A_430 = tpu.vector_load %arg6[%parallel_loop3A_428, %parallel_loop3A_429] {strides = array<i32>} : memref<48x128xi32, #tpu.memory_space<vmem>>, vector<1x16xi32>,
        %parallel_loop3A_431 = vector.shape_cast %parallel_loop3A_430 : vector<1x16xi32> to vector<16xi32>
        %parallel_loop3A_432 = arith.constant 16 : i32
        %parallel_loop3A_433 = vector.broadcast %parallel_loop3A_432 : i32 to vector<16xi32>
        %parallel_loop3A_434 = arith.shli %parallel_loop3A_415, %parallel_loop3A_433 : vector<16xi32>
        %parallel_loop3A_435 = tpu.bitcast %parallel_loop3A_434 : vector<16xi32> -> vector<16xf32>
        %parallel_loop3A_436 = arith.constant 16 : i32
        %parallel_loop3A_437 = vector.broadcast %parallel_loop3A_436 : i32 to vector<16xi32>
        %parallel_loop3A_438 = arith.shli %parallel_loop3A_423, %parallel_loop3A_437 : vector<16xi32>
        %parallel_loop3A_439 = tpu.bitcast %parallel_loop3A_438 : vector<16xi32> -> vector<16xf32>
        %parallel_loop3A_440 = arith.addf %parallel_loop3A_435, %parallel_loop3A_439 : vector<16xf32>
        %parallel_loop3A_441 = arith.constant 16 : i32
        %parallel_loop3A_442 = vector.broadcast %parallel_loop3A_441 : i32 to vector<16xi32>
        %parallel_loop3A_443 = arith.shli %parallel_loop3A_431, %parallel_loop3A_442 : vector<16xi32>
        %parallel_loop3A_444 = tpu.bitcast %parallel_loop3A_443 : vector<16xi32> -> vector<16xf32>
        %parallel_loop3A_445 = arith.addf %parallel_loop3A_440, %parallel_loop3A_444 : vector<16xf32>
        %parallel_loop3A_446 = arith.constant -65536 : i32
        %parallel_loop3A_447 = vector.broadcast %parallel_loop3A_446 : i32 to vector<16xi32>
        %parallel_loop3A_448 = arith.andi %parallel_loop3A_415, %parallel_loop3A_447 : vector<16xi32>
        %parallel_loop3A_449 = tpu.bitcast %parallel_loop3A_448 : vector<16xi32> -> vector<16xf32>
        %parallel_loop3A_450 = arith.constant -65536 : i32
        %parallel_loop3A_451 = vector.broadcast %parallel_loop3A_450 : i32 to vector<16xi32>
        %parallel_loop3A_452 = arith.andi %parallel_loop3A_423, %parallel_loop3A_451 : vector<16xi32>
        %parallel_loop3A_453 = tpu.bitcast %parallel_loop3A_452 : vector<16xi32> -> vector<16xf32>
        %parallel_loop3A_454 = arith.addf %parallel_loop3A_449, %parallel_loop3A_453 : vector<16xf32>
        %parallel_loop3A_455 = arith.constant -65536 : i32
        %parallel_loop3A_456 = vector.broadcast %parallel_loop3A_455 : i32 to vector<16xi32>
        %parallel_loop3A_457 = arith.andi %parallel_loop3A_431, %parallel_loop3A_456 : vector<16xi32>
        %parallel_loop3A_458 = tpu.bitcast %parallel_loop3A_457 : vector<16xi32> -> vector<16xf32>
        %parallel_loop3A_459 = arith.addf %parallel_loop3A_454, %parallel_loop3A_458 : vector<16xf32>
        %parallel_loop3A_460 = tpu.bitcast %parallel_loop3A_445 : vector<16xf32> -> vector<16xi32>
        %parallel_loop3A_461 = tpu.bitcast %parallel_loop3A_459 : vector<16xf32> -> vector<16xi32>
        %parallel_loop3A_462 = arith.constant 16 : i32
        %parallel_loop3A_463 = vector.broadcast %parallel_loop3A_462 : i32 to vector<16xi32>
        %parallel_loop3A_464 = arith.shrui %parallel_loop3A_460, %parallel_loop3A_463 : vector<16xi32>
        %parallel_loop3A_465 = arith.constant -65536 : i32
        %parallel_loop3A_466 = vector.broadcast %parallel_loop3A_465 : i32 to vector<16xi32>
        %parallel_loop3A_467 = arith.andi %parallel_loop3A_461, %parallel_loop3A_466 : vector<16xi32>
        %parallel_loop3A_468 = arith.ori %parallel_loop3A_464, %parallel_loop3A_467 : vector<16xi32>
        %parallel_loop3A_469 = arith.index_cast %parallel_loop3A_89 : i32 to index
        %parallel_loop3A_470 = arith.constant 80 : index
        %parallel_loop3A_471 = tpu.vector_load %arg8[%parallel_loop3A_469, %parallel_loop3A_470] {strides = array<i32>} : memref<16x128xi32, #tpu.memory_space<vmem>>, vector<1x16xi32>,
        %parallel_loop3A_472 = vector.shape_cast %parallel_loop3A_471 : vector<1x16xi32> to vector<16xi32>
        %parallel_loop3A_473 = vector.shape_cast %parallel_loop3A_468 : vector<16xi32> to vector<1x16xi32>
        tpu.vector_store %arg8[%parallel_loop3A_469, %parallel_loop3A_470], %parallel_loop3A_473 {strides = array<i32>} : memref<16x128xi32, #tpu.memory_space<vmem>>, vector<1x16xi32>,
        %parallel_loop3A_474 = arith.constant 3 : i32
        %parallel_loop3A_475 = arith.muli %parallel_loop3A_474, %parallel_loop3A_89 : i32
        %parallel_loop3A_476 = arith.index_cast %parallel_loop3A_475 : i32 to index
        %parallel_loop3A_477 = arith.constant 96 : index
        %parallel_loop3A_478 = tpu.vector_load %arg6[%parallel_loop3A_476, %parallel_loop3A_477] {strides = array<i32>} : memref<48x128xi32, #tpu.memory_space<vmem>>, vector<1x16xi32>,
        %parallel_loop3A_479 = vector.shape_cast %parallel_loop3A_478 : vector<1x16xi32> to vector<16xi32>
        %parallel_loop3A_480 = arith.constant 3 : i32
        %parallel_loop3A_481 = arith.muli %parallel_loop3A_480, %parallel_loop3A_89 : i32
        %parallel_loop3A_482 = arith.constant 1 : i32
        %parallel_loop3A_483 = arith.addi %parallel_loop3A_481, %parallel_loop3A_482 : i32
        %parallel_loop3A_484 = arith.index_cast %parallel_loop3A_483 : i32 to index
        %parallel_loop3A_485 = arith.constant 96 : index
        %parallel_loop3A_486 = tpu.vector_load %arg6[%parallel_loop3A_484, %parallel_loop3A_485] {strides = array<i32>} : memref<48x128xi32, #tpu.memory_space<vmem>>, vector<1x16xi32>,
        %parallel_loop3A_487 = vector.shape_cast %parallel_loop3A_486 : vector<1x16xi32> to vector<16xi32>
        %parallel_loop3A_488 = arith.constant 3 : i32
        %parallel_loop3A_489 = arith.muli %parallel_loop3A_488, %parallel_loop3A_89 : i32
        %parallel_loop3A_490 = arith.constant 2 : i32
        %parallel_loop3A_491 = arith.addi %parallel_loop3A_489, %parallel_loop3A_490 : i32
        %parallel_loop3A_492 = arith.index_cast %parallel_loop3A_491 : i32 to index
        %parallel_loop3A_493 = arith.constant 96 : index
        %parallel_loop3A_494 = tpu.vector_load %arg6[%parallel_loop3A_492, %parallel_loop3A_493] {strides = array<i32>} : memref<48x128xi32, #tpu.memory_space<vmem>>, vector<1x16xi32>,
        %parallel_loop3A_495 = vector.shape_cast %parallel_loop3A_494 : vector<1x16xi32> to vector<16xi32>
        %parallel_loop3A_496 = arith.constant 16 : i32
        %parallel_loop3A_497 = vector.broadcast %parallel_loop3A_496 : i32 to vector<16xi32>
        %parallel_loop3A_498 = arith.shli %parallel_loop3A_479, %parallel_loop3A_497 : vector<16xi32>
        %parallel_loop3A_499 = tpu.bitcast %parallel_loop3A_498 : vector<16xi32> -> vector<16xf32>
        %parallel_loop3A_500 = arith.constant 16 : i32
        %parallel_loop3A_501 = vector.broadcast %parallel_loop3A_500 : i32 to vector<16xi32>
        %parallel_loop3A_502 = arith.shli %parallel_loop3A_487, %parallel_loop3A_501 : vector<16xi32>
        %parallel_loop3A_503 = tpu.bitcast %parallel_loop3A_502 : vector<16xi32> -> vector<16xf32>
        %parallel_loop3A_504 = arith.addf %parallel_loop3A_499, %parallel_loop3A_503 : vector<16xf32>
        %parallel_loop3A_505 = arith.constant 16 : i32
        %parallel_loop3A_506 = vector.broadcast %parallel_loop3A_505 : i32 to vector<16xi32>
        %parallel_loop3A_507 = arith.shli %parallel_loop3A_495, %parallel_loop3A_506 : vector<16xi32>
        %parallel_loop3A_508 = tpu.bitcast %parallel_loop3A_507 : vector<16xi32> -> vector<16xf32>
        %parallel_loop3A_509 = arith.addf %parallel_loop3A_504, %parallel_loop3A_508 : vector<16xf32>
        %parallel_loop3A_510 = arith.constant -65536 : i32
        %parallel_loop3A_511 = vector.broadcast %parallel_loop3A_510 : i32 to vector<16xi32>
        %parallel_loop3A_512 = arith.andi %parallel_loop3A_479, %parallel_loop3A_511 : vector<16xi32>
        %parallel_loop3A_513 = tpu.bitcast %parallel_loop3A_512 : vector<16xi32> -> vector<16xf32>
        %parallel_loop3A_514 = arith.constant -65536 : i32
        %parallel_loop3A_515 = vector.broadcast %parallel_loop3A_514 : i32 to vector<16xi32>
        %parallel_loop3A_516 = arith.andi %parallel_loop3A_487, %parallel_loop3A_515 : vector<16xi32>
        %parallel_loop3A_517 = tpu.bitcast %parallel_loop3A_516 : vector<16xi32> -> vector<16xf32>
        %parallel_loop3A_518 = arith.addf %parallel_loop3A_513, %parallel_loop3A_517 : vector<16xf32>
        %parallel_loop3A_519 = arith.constant -65536 : i32
        %parallel_loop3A_520 = vector.broadcast %parallel_loop3A_519 : i32 to vector<16xi32>
        %parallel_loop3A_521 = arith.andi %parallel_loop3A_495, %parallel_loop3A_520 : vector<16xi32>
        %parallel_loop3A_522 = tpu.bitcast %parallel_loop3A_521 : vector<16xi32> -> vector<16xf32>
        %parallel_loop3A_523 = arith.addf %parallel_loop3A_518, %parallel_loop3A_522 : vector<16xf32>
        %parallel_loop3A_524 = tpu.bitcast %parallel_loop3A_509 : vector<16xf32> -> vector<16xi32>
        %parallel_loop3A_525 = tpu.bitcast %parallel_loop3A_523 : vector<16xf32> -> vector<16xi32>
        %parallel_loop3A_526 = arith.constant 16 : i32
        %parallel_loop3A_527 = vector.broadcast %parallel_loop3A_526 : i32 to vector<16xi32>
        %parallel_loop3A_528 = arith.shrui %parallel_loop3A_524, %parallel_loop3A_527 : vector<16xi32>
        %parallel_loop3A_529 = arith.constant -65536 : i32
        %parallel_loop3A_530 = vector.broadcast %parallel_loop3A_529 : i32 to vector<16xi32>
        %parallel_loop3A_531 = arith.andi %parallel_loop3A_525, %parallel_loop3A_530 : vector<16xi32>
        %parallel_loop3A_532 = arith.ori %parallel_loop3A_528, %parallel_loop3A_531 : vector<16xi32>
        %parallel_loop3A_533 = arith.index_cast %parallel_loop3A_89 : i32 to index
        %parallel_loop3A_534 = arith.constant 96 : index
        %parallel_loop3A_535 = tpu.vector_load %arg8[%parallel_loop3A_533, %parallel_loop3A_534] {strides = array<i32>} : memref<16x128xi32, #tpu.memory_space<vmem>>, vector<1x16xi32>,
        %parallel_loop3A_536 = vector.shape_cast %parallel_loop3A_535 : vector<1x16xi32> to vector<16xi32>
        %parallel_loop3A_537 = vector.shape_cast %parallel_loop3A_532 : vector<16xi32> to vector<1x16xi32>
        tpu.vector_store %arg8[%parallel_loop3A_533, %parallel_loop3A_534], %parallel_loop3A_537 {strides = array<i32>} : memref<16x128xi32, #tpu.memory_space<vmem>>, vector<1x16xi32>,
        %parallel_loop3A_538 = arith.constant 3 : i32
        %parallel_loop3A_539 = arith.muli %parallel_loop3A_538, %parallel_loop3A_89 : i32
        %parallel_loop3A_540 = arith.index_cast %parallel_loop3A_539 : i32 to index
        %parallel_loop3A_541 = arith.constant 112 : index
        %parallel_loop3A_542 = tpu.vector_load %arg6[%parallel_loop3A_540, %parallel_loop3A_541] {strides = array<i32>} : memref<48x128xi32, #tpu.memory_space<vmem>>, vector<1x16xi32>,
        %parallel_loop3A_543 = vector.shape_cast %parallel_loop3A_542 : vector<1x16xi32> to vector<16xi32>
        %parallel_loop3A_544 = arith.constant 3 : i32
        %parallel_loop3A_545 = arith.muli %parallel_loop3A_544, %parallel_loop3A_89 : i32
        %parallel_loop3A_546 = arith.constant 1 : i32
        %parallel_loop3A_547 = arith.addi %parallel_loop3A_545, %parallel_loop3A_546 : i32
        %parallel_loop3A_548 = arith.index_cast %parallel_loop3A_547 : i32 to index
        %parallel_loop3A_549 = arith.constant 112 : index
        %parallel_loop3A_550 = tpu.vector_load %arg6[%parallel_loop3A_548, %parallel_loop3A_549] {strides = array<i32>} : memref<48x128xi32, #tpu.memory_space<vmem>>, vector<1x16xi32>,
        %parallel_loop3A_551 = vector.shape_cast %parallel_loop3A_550 : vector<1x16xi32> to vector<16xi32>
        %parallel_loop3A_552 = arith.constant 3 : i32
        %parallel_loop3A_553 = arith.muli %parallel_loop3A_552, %parallel_loop3A_89 : i32
        %parallel_loop3A_554 = arith.constant 2 : i32
        %parallel_loop3A_555 = arith.addi %parallel_loop3A_553, %parallel_loop3A_554 : i32
        %parallel_loop3A_556 = arith.index_cast %parallel_loop3A_555 : i32 to index
        %parallel_loop3A_557 = arith.constant 112 : index
        %parallel_loop3A_558 = tpu.vector_load %arg6[%parallel_loop3A_556, %parallel_loop3A_557] {strides = array<i32>} : memref<48x128xi32, #tpu.memory_space<vmem>>, vector<1x16xi32>,
        %parallel_loop3A_559 = vector.shape_cast %parallel_loop3A_558 : vector<1x16xi32> to vector<16xi32>
        %parallel_loop3A_560 = arith.constant 16 : i32
        %parallel_loop3A_561 = vector.broadcast %parallel_loop3A_560 : i32 to vector<16xi32>
        %parallel_loop3A_562 = arith.shli %parallel_loop3A_543, %parallel_loop3A_561 : vector<16xi32>
        %parallel_loop3A_563 = tpu.bitcast %parallel_loop3A_562 : vector<16xi32> -> vector<16xf32>
        %parallel_loop3A_564 = arith.constant 16 : i32
        %parallel_loop3A_565 = vector.broadcast %parallel_loop3A_564 : i32 to vector<16xi32>
        %parallel_loop3A_566 = arith.shli %parallel_loop3A_551, %parallel_loop3A_565 : vector<16xi32>
        %parallel_loop3A_567 = tpu.bitcast %parallel_loop3A_566 : vector<16xi32> -> vector<16xf32>
        %parallel_loop3A_568 = arith.addf %parallel_loop3A_563, %parallel_loop3A_567 : vector<16xf32>
        %parallel_loop3A_569 = arith.constant 16 : i32
        %parallel_loop3A_570 = vector.broadcast %parallel_loop3A_569 : i32 to vector<16xi32>
        %parallel_loop3A_571 = arith.shli %parallel_loop3A_559, %parallel_loop3A_570 : vector<16xi32>
        %parallel_loop3A_572 = tpu.bitcast %parallel_loop3A_571 : vector<16xi32> -> vector<16xf32>
        %parallel_loop3A_573 = arith.addf %parallel_loop3A_568, %parallel_loop3A_572 : vector<16xf32>
        %parallel_loop3A_574 = arith.constant -65536 : i32
        %parallel_loop3A_575 = vector.broadcast %parallel_loop3A_574 : i32 to vector<16xi32>
        %parallel_loop3A_576 = arith.andi %parallel_loop3A_543, %parallel_loop3A_575 : vector<16xi32>
        %parallel_loop3A_577 = tpu.bitcast %parallel_loop3A_576 : vector<16xi32> -> vector<16xf32>
        %parallel_loop3A_578 = arith.constant -65536 : i32
        %parallel_loop3A_579 = vector.broadcast %parallel_loop3A_578 : i32 to vector<16xi32>
        %parallel_loop3A_580 = arith.andi %parallel_loop3A_551, %parallel_loop3A_579 : vector<16xi32>
        %parallel_loop3A_581 = tpu.bitcast %parallel_loop3A_580 : vector<16xi32> -> vector<16xf32>
        %parallel_loop3A_582 = arith.addf %parallel_loop3A_577, %parallel_loop3A_581 : vector<16xf32>
        %parallel_loop3A_583 = arith.constant -65536 : i32
        %parallel_loop3A_584 = vector.broadcast %parallel_loop3A_583 : i32 to vector<16xi32>
        %parallel_loop3A_585 = arith.andi %parallel_loop3A_559, %parallel_loop3A_584 : vector<16xi32>
        %parallel_loop3A_586 = tpu.bitcast %parallel_loop3A_585 : vector<16xi32> -> vector<16xf32>
        %parallel_loop3A_587 = arith.addf %parallel_loop3A_582, %parallel_loop3A_586 : vector<16xf32>
        %parallel_loop3A_588 = tpu.bitcast %parallel_loop3A_573 : vector<16xf32> -> vector<16xi32>
        %parallel_loop3A_589 = tpu.bitcast %parallel_loop3A_587 : vector<16xf32> -> vector<16xi32>
        %parallel_loop3A_590 = arith.constant 16 : i32
        %parallel_loop3A_591 = vector.broadcast %parallel_loop3A_590 : i32 to vector<16xi32>
        %parallel_loop3A_592 = arith.shrui %parallel_loop3A_588, %parallel_loop3A_591 : vector<16xi32>
        %parallel_loop3A_593 = arith.constant -65536 : i32
        %parallel_loop3A_594 = vector.broadcast %parallel_loop3A_593 : i32 to vector<16xi32>
        %parallel_loop3A_595 = arith.andi %parallel_loop3A_589, %parallel_loop3A_594 : vector<16xi32>
        %parallel_loop3A_596 = arith.ori %parallel_loop3A_592, %parallel_loop3A_595 : vector<16xi32>
        %parallel_loop3A_597 = arith.index_cast %parallel_loop3A_89 : i32 to index
        %parallel_loop3A_598 = arith.constant 112 : index
        %parallel_loop3A_599 = tpu.vector_load %arg8[%parallel_loop3A_597, %parallel_loop3A_598] {strides = array<i32>} : memref<16x128xi32, #tpu.memory_space<vmem>>, vector<1x16xi32>,
        %parallel_loop3A_600 = vector.shape_cast %parallel_loop3A_599 : vector<1x16xi32> to vector<16xi32>
        %parallel_loop3A_601 = vector.shape_cast %parallel_loop3A_596 : vector<16xi32> to vector<1x16xi32>
        tpu.vector_store %arg8[%parallel_loop3A_597, %parallel_loop3A_598], %parallel_loop3A_601 {strides = array<i32>} : memref<16x128xi32, #tpu.memory_space<vmem>>, vector<1x16xi32>,
      } {sc.loop_unroll_factor = 1 : i64, sc.parallel_access}
      %mul3A_45 = arith.constant 16 : i32
      %mul3A_46 = arith.muli %add3A_33, %mul3A_45 : i32
      %add3A_47 = arith.addi %mul3A_2, %mul3A_46 : i32
      %dma_start3A_48 = arith.constant 0 : i32
      %dma_start3A_49 = tpu.memref_slice %arg4[%add3A_47, %dma_start3A_48] : memref<18432x128xi32, #tpu.memory_space<hbm>> -> memref<16x128xi32, #tpu.memory_space<hbm>>
      %dma_start3A_50 = arith.constant 0 : i32
      %dma_start3A_51 = tpu.memref_slice %arg4[%add3A_47, %dma_start3A_50] : memref<18432x128xi32, #tpu.memory_space<hbm>> -> memref<16x128xi32, #tpu.memory_space<hbm>>
      tpu.enqueue_dma source(%arg8 : memref<16x128xi32, #tpu.memory_space<vmem>>) target(%dma_start3A_51 : memref<16x128xi32, #tpu.memory_space<hbm>>) target_semaphore(%arg11 : memref<!tpu.dma_semaphore, #tpu.memory_space<semaphore_mem>>)
      %add3A_52 = arith.constant 2 : i32
      %add3A_53 = arith.addi %add3A_33, %add3A_52 : i32
      %lt3A = arith.constant 36 : i32
      %lt3A_54 = arith.cmpi slt, %add3A_53, %lt3A : i32
      %convert_element_type3A_55 = arith.extui %lt3A_54 : i1 to i32
      %cond3A_56 = arith.constant 0 : i32
      %cond3A_57 = arith.cmpi ne, %convert_element_type3A_55, %cond3A_56 : i32
      scf.if %cond3A_57 {
        %add3A_89 = arith.constant 2 : i32
        %add3A_90 = arith.addi %add3A_33, %add3A_89 : i32
        %dma_start3A_91 = arith.constant 0 : i32
        %dma_start3A_92 = tpu.memref_slice %arg5[%add3A_90, %dma_start3A_91] : memref<36x48xi32, #tpu.memory_space<vmem>> -> memref<1x48xi32, #tpu.memory_space<vmem>>
        %dma_start3A_93 = tpu.memref_squeeze %dma_start3A_92 : memref<1x48xi32, #tpu.memory_space<vmem>> -> memref<48xi32, #tpu.memory_space<vmem>>
        %dma_start3A_94 = arith.constant 0 : i32
        %dma_start3A_95 = arith.constant 0 : i32
        %dma_start3A_96 = tpu.memref_slice %arg2[%dma_start3A_94, %dma_start3A_95] : memref<2688x128xi32, #tpu.memory_space<hbm>> -> memref<2688x128xi32, #tpu.memory_space<hbm>>
        tpu.enqueue_indirect_dma source(%dma_start3A_96 : memref<2688x128xi32, #tpu.memory_space<hbm>>) target(%arg6 : memref<48x128xi32, #tpu.memory_space<vmem>>) offsets(%dma_start3A_93 : memref<48xi32, #tpu.memory_space<vmem>>) semaphore(%arg10 : memref<!tpu.dma_semaphore, #tpu.memory_space<semaphore_mem>>)
      } else {
      }
      %add3A_58 = arith.constant 1 : i32
      %add3A_59 = arith.addi %add3A_31, %add3A_58 : i32
      %dma_wait3A_60 = arith.constant 0 : i32
      %dma_wait3A_61 = arith.constant 0 : i32
      %dma_wait3A_62 = tpu.memref_slice %arg5[%dma_wait3A_60, %dma_wait3A_61] : memref<36x48xi32, #tpu.memory_space<vmem>> -> memref<1x48xi32, #tpu.memory_space<vmem>>
      %dma_wait3A_63 = tpu.memref_squeeze %dma_wait3A_62 : memref<1x48xi32, #tpu.memory_space<vmem>> -> memref<48xi32, #tpu.memory_space<vmem>>
      %dma_wait3A_64 = arith.constant 0 : i32
      %dma_wait3A_65 = arith.constant 0 : i32
      %dma_wait3A_66 = tpu.memref_slice %arg2[%dma_wait3A_64, %dma_wait3A_65] : memref<2688x128xi32, #tpu.memory_space<hbm>> -> memref<2688x128xi32, #tpu.memory_space<hbm>>
      tpu.wait_indirect_dma semaphore(%arg10 : memref<!tpu.dma_semaphore, #tpu.memory_space<semaphore_mem>>) src(%dma_wait3A_66 : memref<2688x128xi32, #tpu.memory_space<hbm>>) dst(%arg7 : memref<48x128xi32, #tpu.memory_space<vmem>>)
      %gt3A_67 = arith.constant 0 : i32
      %gt3A_68 = arith.cmpi sgt, %add3A_31, %gt3A_67 : i32
      %convert_element_type3A_69 = arith.extui %gt3A_68 : i1 to i32
      %cond3A_70 = arith.constant 0 : i32
      %cond3A_71 = arith.cmpi ne, %convert_element_type3A_69, %cond3A_70 : i32
      scf.if %cond3A_71 {
        %dma_wait3A_89 = arith.constant 0 : i32
        %dma_wait3A_90 = tpu.memref_slice %arg4[%mul3A_2, %dma_wait3A_89] : memref<18432x128xi32, #tpu.memory_space<hbm>> -> memref<16x128xi32, #tpu.memory_space<hbm>>
        %dma_wait3A_91 = arith.constant 0 : i32
        %dma_wait3A_92 = tpu.memref_slice %arg4[%mul3A_2, %dma_wait3A_91] : memref<18432x128xi32, #tpu.memory_space<hbm>> -> memref<16x128xi32, #tpu.memory_space<hbm>>
        tpu.wait_dma2 semaphore(%arg11 : memref<!tpu.dma_semaphore, #tpu.memory_space<semaphore_mem>>) src(%arg9 : memref<16x128xi32, #tpu.memory_space<vmem>>) dst(%dma_wait3A_92 : memref<16x128xi32, #tpu.memory_space<hbm>>)
      } else {
      }
      %parallel_loop3A_72 = arith.constant 0 : i32
      %parallel_loop3A_73 = arith.constant 16 : i32
      %parallel_loop3A_74 = arith.constant 1 : i32
      scf.for %parallel_loop3A_89 = %parallel_loop3A_72 to %parallel_loop3A_73 step %parallel_loop3A_74  : i32 {
        %parallel_loop3A_90 = arith.constant 3 : i32
        %parallel_loop3A_91 = arith.muli %parallel_loop3A_90, %parallel_loop3A_89 : i32
        %parallel_loop3A_92 = arith.index_cast %parallel_loop3A_91 : i32 to index
        %parallel_loop3A_93 = arith.constant 0 : index
        %parallel_loop3A_94 = tpu.vector_load %arg7[%parallel_loop3A_92, %parallel_loop3A_93] {strides = array<i32>} : memref<48x128xi32, #tpu.memory_space<vmem>>, vector<1x16xi32>,
        %parallel_loop3A_95 = vector.shape_cast %parallel_loop3A_94 : vector<1x16xi32> to vector<16xi32>
        %parallel_loop3A_96 = arith.constant 3 : i32
        %parallel_loop3A_97 = arith.muli %parallel_loop3A_96, %parallel_loop3A_89 : i32
        %parallel_loop3A_98 = arith.constant 1 : i32
        %parallel_loop3A_99 = arith.addi %parallel_loop3A_97, %parallel_loop3A_98 : i32
        %parallel_loop3A_100 = arith.index_cast %parallel_loop3A_99 : i32 to index
        %parallel_loop3A_101 = arith.constant 0 : index
        %parallel_loop3A_102 = tpu.vector_load %arg7[%parallel_loop3A_100, %parallel_loop3A_101] {strides = array<i32>} : memref<48x128xi32, #tpu.memory_space<vmem>>, vector<1x16xi32>,
        %parallel_loop3A_103 = vector.shape_cast %parallel_loop3A_102 : vector<1x16xi32> to vector<16xi32>
        %parallel_loop3A_104 = arith.constant 3 : i32
        %parallel_loop3A_105 = arith.muli %parallel_loop3A_104, %parallel_loop3A_89 : i32
        %parallel_loop3A_106 = arith.constant 2 : i32
        %parallel_loop3A_107 = arith.addi %parallel_loop3A_105, %parallel_loop3A_106 : i32
        %parallel_loop3A_108 = arith.index_cast %parallel_loop3A_107 : i32 to index
        %parallel_loop3A_109 = arith.constant 0 : index
        %parallel_loop3A_110 = tpu.vector_load %arg7[%parallel_loop3A_108, %parallel_loop3A_109] {strides = array<i32>} : memref<48x128xi32, #tpu.memory_space<vmem>>, vector<1x16xi32>,
        %parallel_loop3A_111 = vector.shape_cast %parallel_loop3A_110 : vector<1x16xi32> to vector<16xi32>
        %parallel_loop3A_112 = arith.constant 16 : i32
        %parallel_loop3A_113 = vector.broadcast %parallel_loop3A_112 : i32 to vector<16xi32>
        %parallel_loop3A_114 = arith.shli %parallel_loop3A_95, %parallel_loop3A_113 : vector<16xi32>
        %parallel_loop3A_115 = tpu.bitcast %parallel_loop3A_114 : vector<16xi32> -> vector<16xf32>
        %parallel_loop3A_116 = arith.constant 16 : i32
        %parallel_loop3A_117 = vector.broadcast %parallel_loop3A_116 : i32 to vector<16xi32>
        %parallel_loop3A_118 = arith.shli %parallel_loop3A_103, %parallel_loop3A_117 : vector<16xi32>
        %parallel_loop3A_119 = tpu.bitcast %parallel_loop3A_118 : vector<16xi32> -> vector<16xf32>
        %parallel_loop3A_120 = arith.addf %parallel_loop3A_115, %parallel_loop3A_119 : vector<16xf32>
        %parallel_loop3A_121 = arith.constant 16 : i32
        %parallel_loop3A_122 = vector.broadcast %parallel_loop3A_121 : i32 to vector<16xi32>
        %parallel_loop3A_123 = arith.shli %parallel_loop3A_111, %parallel_loop3A_122 : vector<16xi32>
        %parallel_loop3A_124 = tpu.bitcast %parallel_loop3A_123 : vector<16xi32> -> vector<16xf32>
        %parallel_loop3A_125 = arith.addf %parallel_loop3A_120, %parallel_loop3A_124 : vector<16xf32>
        %parallel_loop3A_126 = arith.constant -65536 : i32
        %parallel_loop3A_127 = vector.broadcast %parallel_loop3A_126 : i32 to vector<16xi32>
        %parallel_loop3A_128 = arith.andi %parallel_loop3A_95, %parallel_loop3A_127 : vector<16xi32>
        %parallel_loop3A_129 = tpu.bitcast %parallel_loop3A_128 : vector<16xi32> -> vector<16xf32>
        %parallel_loop3A_130 = arith.constant -65536 : i32
        %parallel_loop3A_131 = vector.broadcast %parallel_loop3A_130 : i32 to vector<16xi32>
        %parallel_loop3A_132 = arith.andi %parallel_loop3A_103, %parallel_loop3A_131 : vector<16xi32>
        %parallel_loop3A_133 = tpu.bitcast %parallel_loop3A_132 : vector<16xi32> -> vector<16xf32>
        %parallel_loop3A_134 = arith.addf %parallel_loop3A_129, %parallel_loop3A_133 : vector<16xf32>
        %parallel_loop3A_135 = arith.constant -65536 : i32
        %parallel_loop3A_136 = vector.broadcast %parallel_loop3A_135 : i32 to vector<16xi32>
        %parallel_loop3A_137 = arith.andi %parallel_loop3A_111, %parallel_loop3A_136 : vector<16xi32>
        %parallel_loop3A_138 = tpu.bitcast %parallel_loop3A_137 : vector<16xi32> -> vector<16xf32>
        %parallel_loop3A_139 = arith.addf %parallel_loop3A_134, %parallel_loop3A_138 : vector<16xf32>
        %parallel_loop3A_140 = tpu.bitcast %parallel_loop3A_125 : vector<16xf32> -> vector<16xi32>
        %parallel_loop3A_141 = tpu.bitcast %parallel_loop3A_139 : vector<16xf32> -> vector<16xi32>
        %parallel_loop3A_142 = arith.constant 16 : i32
        %parallel_loop3A_143 = vector.broadcast %parallel_loop3A_142 : i32 to vector<16xi32>
        %parallel_loop3A_144 = arith.shrui %parallel_loop3A_140, %parallel_loop3A_143 : vector<16xi32>
        %parallel_loop3A_145 = arith.constant -65536 : i32
        %parallel_loop3A_146 = vector.broadcast %parallel_loop3A_145 : i32 to vector<16xi32>
        %parallel_loop3A_147 = arith.andi %parallel_loop3A_141, %parallel_loop3A_146 : vector<16xi32>
        %parallel_loop3A_148 = arith.ori %parallel_loop3A_144, %parallel_loop3A_147 : vector<16xi32>
        %parallel_loop3A_149 = arith.index_cast %parallel_loop3A_89 : i32 to index
        %parallel_loop3A_150 = arith.constant 0 : index
        %parallel_loop3A_151 = tpu.vector_load %arg9[%parallel_loop3A_149, %parallel_loop3A_150] {strides = array<i32>} : memref<16x128xi32, #tpu.memory_space<vmem>>, vector<1x16xi32>,
        %parallel_loop3A_152 = vector.shape_cast %parallel_loop3A_151 : vector<1x16xi32> to vector<16xi32>
        %parallel_loop3A_153 = vector.shape_cast %parallel_loop3A_148 : vector<16xi32> to vector<1x16xi32>
        tpu.vector_store %arg9[%parallel_loop3A_149, %parallel_loop3A_150], %parallel_loop3A_153 {strides = array<i32>} : memref<16x128xi32, #tpu.memory_space<vmem>>, vector<1x16xi32>,
        %parallel_loop3A_154 = arith.constant 3 : i32
        %parallel_loop3A_155 = arith.muli %parallel_loop3A_154, %parallel_loop3A_89 : i32
        %parallel_loop3A_156 = arith.index_cast %parallel_loop3A_155 : i32 to index
        %parallel_loop3A_157 = arith.constant 16 : index
        %parallel_loop3A_158 = tpu.vector_load %arg7[%parallel_loop3A_156, %parallel_loop3A_157] {strides = array<i32>} : memref<48x128xi32, #tpu.memory_space<vmem>>, vector<1x16xi32>,
        %parallel_loop3A_159 = vector.shape_cast %parallel_loop3A_158 : vector<1x16xi32> to vector<16xi32>
        %parallel_loop3A_160 = arith.constant 3 : i32
        %parallel_loop3A_161 = arith.muli %parallel_loop3A_160, %parallel_loop3A_89 : i32
        %parallel_loop3A_162 = arith.constant 1 : i32
        %parallel_loop3A_163 = arith.addi %parallel_loop3A_161, %parallel_loop3A_162 : i32
        %parallel_loop3A_164 = arith.index_cast %parallel_loop3A_163 : i32 to index
        %parallel_loop3A_165 = arith.constant 16 : index
        %parallel_loop3A_166 = tpu.vector_load %arg7[%parallel_loop3A_164, %parallel_loop3A_165] {strides = array<i32>} : memref<48x128xi32, #tpu.memory_space<vmem>>, vector<1x16xi32>,
        %parallel_loop3A_167 = vector.shape_cast %parallel_loop3A_166 : vector<1x16xi32> to vector<16xi32>
        %parallel_loop3A_168 = arith.constant 3 : i32
        %parallel_loop3A_169 = arith.muli %parallel_loop3A_168, %parallel_loop3A_89 : i32
        %parallel_loop3A_170 = arith.constant 2 : i32
        %parallel_loop3A_171 = arith.addi %parallel_loop3A_169, %parallel_loop3A_170 : i32
        %parallel_loop3A_172 = arith.index_cast %parallel_loop3A_171 : i32 to index
        %parallel_loop3A_173 = arith.constant 16 : index
        %parallel_loop3A_174 = tpu.vector_load %arg7[%parallel_loop3A_172, %parallel_loop3A_173] {strides = array<i32>} : memref<48x128xi32, #tpu.memory_space<vmem>>, vector<1x16xi32>,
        %parallel_loop3A_175 = vector.shape_cast %parallel_loop3A_174 : vector<1x16xi32> to vector<16xi32>
        %parallel_loop3A_176 = arith.constant 16 : i32
        %parallel_loop3A_177 = vector.broadcast %parallel_loop3A_176 : i32 to vector<16xi32>
        %parallel_loop3A_178 = arith.shli %parallel_loop3A_159, %parallel_loop3A_177 : vector<16xi32>
        %parallel_loop3A_179 = tpu.bitcast %parallel_loop3A_178 : vector<16xi32> -> vector<16xf32>
        %parallel_loop3A_180 = arith.constant 16 : i32
        %parallel_loop3A_181 = vector.broadcast %parallel_loop3A_180 : i32 to vector<16xi32>
        %parallel_loop3A_182 = arith.shli %parallel_loop3A_167, %parallel_loop3A_181 : vector<16xi32>
        %parallel_loop3A_183 = tpu.bitcast %parallel_loop3A_182 : vector<16xi32> -> vector<16xf32>
        %parallel_loop3A_184 = arith.addf %parallel_loop3A_179, %parallel_loop3A_183 : vector<16xf32>
        %parallel_loop3A_185 = arith.constant 16 : i32
        %parallel_loop3A_186 = vector.broadcast %parallel_loop3A_185 : i32 to vector<16xi32>
        %parallel_loop3A_187 = arith.shli %parallel_loop3A_175, %parallel_loop3A_186 : vector<16xi32>
        %parallel_loop3A_188 = tpu.bitcast %parallel_loop3A_187 : vector<16xi32> -> vector<16xf32>
        %parallel_loop3A_189 = arith.addf %parallel_loop3A_184, %parallel_loop3A_188 : vector<16xf32>
        %parallel_loop3A_190 = arith.constant -65536 : i32
        %parallel_loop3A_191 = vector.broadcast %parallel_loop3A_190 : i32 to vector<16xi32>
        %parallel_loop3A_192 = arith.andi %parallel_loop3A_159, %parallel_loop3A_191 : vector<16xi32>
        %parallel_loop3A_193 = tpu.bitcast %parallel_loop3A_192 : vector<16xi32> -> vector<16xf32>
        %parallel_loop3A_194 = arith.constant -65536 : i32
        %parallel_loop3A_195 = vector.broadcast %parallel_loop3A_194 : i32 to vector<16xi32>
        %parallel_loop3A_196 = arith.andi %parallel_loop3A_167, %parallel_loop3A_195 : vector<16xi32>
        %parallel_loop3A_197 = tpu.bitcast %parallel_loop3A_196 : vector<16xi32> -> vector<16xf32>
        %parallel_loop3A_198 = arith.addf %parallel_loop3A_193, %parallel_loop3A_197 : vector<16xf32>
        %parallel_loop3A_199 = arith.constant -65536 : i32
        %parallel_loop3A_200 = vector.broadcast %parallel_loop3A_199 : i32 to vector<16xi32>
        %parallel_loop3A_201 = arith.andi %parallel_loop3A_175, %parallel_loop3A_200 : vector<16xi32>
        %parallel_loop3A_202 = tpu.bitcast %parallel_loop3A_201 : vector<16xi32> -> vector<16xf32>
        %parallel_loop3A_203 = arith.addf %parallel_loop3A_198, %parallel_loop3A_202 : vector<16xf32>
        %parallel_loop3A_204 = tpu.bitcast %parallel_loop3A_189 : vector<16xf32> -> vector<16xi32>
        %parallel_loop3A_205 = tpu.bitcast %parallel_loop3A_203 : vector<16xf32> -> vector<16xi32>
        %parallel_loop3A_206 = arith.constant 16 : i32
        %parallel_loop3A_207 = vector.broadcast %parallel_loop3A_206 : i32 to vector<16xi32>
        %parallel_loop3A_208 = arith.shrui %parallel_loop3A_204, %parallel_loop3A_207 : vector<16xi32>
        %parallel_loop3A_209 = arith.constant -65536 : i32
        %parallel_loop3A_210 = vector.broadcast %parallel_loop3A_209 : i32 to vector<16xi32>
        %parallel_loop3A_211 = arith.andi %parallel_loop3A_205, %parallel_loop3A_210 : vector<16xi32>
        %parallel_loop3A_212 = arith.ori %parallel_loop3A_208, %parallel_loop3A_211 : vector<16xi32>
        %parallel_loop3A_213 = arith.index_cast %parallel_loop3A_89 : i32 to index
        %parallel_loop3A_214 = arith.constant 16 : index
        %parallel_loop3A_215 = tpu.vector_load %arg9[%parallel_loop3A_213, %parallel_loop3A_214] {strides = array<i32>} : memref<16x128xi32, #tpu.memory_space<vmem>>, vector<1x16xi32>,
        %parallel_loop3A_216 = vector.shape_cast %parallel_loop3A_215 : vector<1x16xi32> to vector<16xi32>
        %parallel_loop3A_217 = vector.shape_cast %parallel_loop3A_212 : vector<16xi32> to vector<1x16xi32>
        tpu.vector_store %arg9[%parallel_loop3A_213, %parallel_loop3A_214], %parallel_loop3A_217 {strides = array<i32>} : memref<16x128xi32, #tpu.memory_space<vmem>>, vector<1x16xi32>,
        %parallel_loop3A_218 = arith.constant 3 : i32
        %parallel_loop3A_219 = arith.muli %parallel_loop3A_218, %parallel_loop3A_89 : i32
        %parallel_loop3A_220 = arith.index_cast %parallel_loop3A_219 : i32 to index
        %parallel_loop3A_221 = arith.constant 32 : index
        %parallel_loop3A_222 = tpu.vector_load %arg7[%parallel_loop3A_220, %parallel_loop3A_221] {strides = array<i32>} : memref<48x128xi32, #tpu.memory_space<vmem>>, vector<1x16xi32>,
        %parallel_loop3A_223 = vector.shape_cast %parallel_loop3A_222 : vector<1x16xi32> to vector<16xi32>
        %parallel_loop3A_224 = arith.constant 3 : i32
        %parallel_loop3A_225 = arith.muli %parallel_loop3A_224, %parallel_loop3A_89 : i32
        %parallel_loop3A_226 = arith.constant 1 : i32
        %parallel_loop3A_227 = arith.addi %parallel_loop3A_225, %parallel_loop3A_226 : i32
        %parallel_loop3A_228 = arith.index_cast %parallel_loop3A_227 : i32 to index
        %parallel_loop3A_229 = arith.constant 32 : index
        %parallel_loop3A_230 = tpu.vector_load %arg7[%parallel_loop3A_228, %parallel_loop3A_229] {strides = array<i32>} : memref<48x128xi32, #tpu.memory_space<vmem>>, vector<1x16xi32>,
        %parallel_loop3A_231 = vector.shape_cast %parallel_loop3A_230 : vector<1x16xi32> to vector<16xi32>
        %parallel_loop3A_232 = arith.constant 3 : i32
        %parallel_loop3A_233 = arith.muli %parallel_loop3A_232, %parallel_loop3A_89 : i32
        %parallel_loop3A_234 = arith.constant 2 : i32
        %parallel_loop3A_235 = arith.addi %parallel_loop3A_233, %parallel_loop3A_234 : i32
        %parallel_loop3A_236 = arith.index_cast %parallel_loop3A_235 : i32 to index
        %parallel_loop3A_237 = arith.constant 32 : index
        %parallel_loop3A_238 = tpu.vector_load %arg7[%parallel_loop3A_236, %parallel_loop3A_237] {strides = array<i32>} : memref<48x128xi32, #tpu.memory_space<vmem>>, vector<1x16xi32>,
        %parallel_loop3A_239 = vector.shape_cast %parallel_loop3A_238 : vector<1x16xi32> to vector<16xi32>
        %parallel_loop3A_240 = arith.constant 16 : i32
        %parallel_loop3A_241 = vector.broadcast %parallel_loop3A_240 : i32 to vector<16xi32>
        %parallel_loop3A_242 = arith.shli %parallel_loop3A_223, %parallel_loop3A_241 : vector<16xi32>
        %parallel_loop3A_243 = tpu.bitcast %parallel_loop3A_242 : vector<16xi32> -> vector<16xf32>
        %parallel_loop3A_244 = arith.constant 16 : i32
        %parallel_loop3A_245 = vector.broadcast %parallel_loop3A_244 : i32 to vector<16xi32>
        %parallel_loop3A_246 = arith.shli %parallel_loop3A_231, %parallel_loop3A_245 : vector<16xi32>
        %parallel_loop3A_247 = tpu.bitcast %parallel_loop3A_246 : vector<16xi32> -> vector<16xf32>
        %parallel_loop3A_248 = arith.addf %parallel_loop3A_243, %parallel_loop3A_247 : vector<16xf32>
        %parallel_loop3A_249 = arith.constant 16 : i32
        %parallel_loop3A_250 = vector.broadcast %parallel_loop3A_249 : i32 to vector<16xi32>
        %parallel_loop3A_251 = arith.shli %parallel_loop3A_239, %parallel_loop3A_250 : vector<16xi32>
        %parallel_loop3A_252 = tpu.bitcast %parallel_loop3A_251 : vector<16xi32> -> vector<16xf32>
        %parallel_loop3A_253 = arith.addf %parallel_loop3A_248, %parallel_loop3A_252 : vector<16xf32>
        %parallel_loop3A_254 = arith.constant -65536 : i32
        %parallel_loop3A_255 = vector.broadcast %parallel_loop3A_254 : i32 to vector<16xi32>
        %parallel_loop3A_256 = arith.andi %parallel_loop3A_223, %parallel_loop3A_255 : vector<16xi32>
        %parallel_loop3A_257 = tpu.bitcast %parallel_loop3A_256 : vector<16xi32> -> vector<16xf32>
        %parallel_loop3A_258 = arith.constant -65536 : i32
        %parallel_loop3A_259 = vector.broadcast %parallel_loop3A_258 : i32 to vector<16xi32>
        %parallel_loop3A_260 = arith.andi %parallel_loop3A_231, %parallel_loop3A_259 : vector<16xi32>
        %parallel_loop3A_261 = tpu.bitcast %parallel_loop3A_260 : vector<16xi32> -> vector<16xf32>
        %parallel_loop3A_262 = arith.addf %parallel_loop3A_257, %parallel_loop3A_261 : vector<16xf32>
        %parallel_loop3A_263 = arith.constant -65536 : i32
        %parallel_loop3A_264 = vector.broadcast %parallel_loop3A_263 : i32 to vector<16xi32>
        %parallel_loop3A_265 = arith.andi %parallel_loop3A_239, %parallel_loop3A_264 : vector<16xi32>
        %parallel_loop3A_266 = tpu.bitcast %parallel_loop3A_265 : vector<16xi32> -> vector<16xf32>
        %parallel_loop3A_267 = arith.addf %parallel_loop3A_262, %parallel_loop3A_266 : vector<16xf32>
        %parallel_loop3A_268 = tpu.bitcast %parallel_loop3A_253 : vector<16xf32> -> vector<16xi32>
        %parallel_loop3A_269 = tpu.bitcast %parallel_loop3A_267 : vector<16xf32> -> vector<16xi32>
        %parallel_loop3A_270 = arith.constant 16 : i32
        %parallel_loop3A_271 = vector.broadcast %parallel_loop3A_270 : i32 to vector<16xi32>
        %parallel_loop3A_272 = arith.shrui %parallel_loop3A_268, %parallel_loop3A_271 : vector<16xi32>
        %parallel_loop3A_273 = arith.constant -65536 : i32
        %parallel_loop3A_274 = vector.broadcast %parallel_loop3A_273 : i32 to vector<16xi32>
        %parallel_loop3A_275 = arith.andi %parallel_loop3A_269, %parallel_loop3A_274 : vector<16xi32>
        %parallel_loop3A_276 = arith.ori %parallel_loop3A_272, %parallel_loop3A_275 : vector<16xi32>
        %parallel_loop3A_277 = arith.index_cast %parallel_loop3A_89 : i32 to index
        %parallel_loop3A_278 = arith.constant 32 : index
        %parallel_loop3A_279 = tpu.vector_load %arg9[%parallel_loop3A_277, %parallel_loop3A_278] {strides = array<i32>} : memref<16x128xi32, #tpu.memory_space<vmem>>, vector<1x16xi32>,
        %parallel_loop3A_280 = vector.shape_cast %parallel_loop3A_279 : vector<1x16xi32> to vector<16xi32>
        %parallel_loop3A_281 = vector.shape_cast %parallel_loop3A_276 : vector<16xi32> to vector<1x16xi32>
        tpu.vector_store %arg9[%parallel_loop3A_277, %parallel_loop3A_278], %parallel_loop3A_281 {strides = array<i32>} : memref<16x128xi32, #tpu.memory_space<vmem>>, vector<1x16xi32>,
        %parallel_loop3A_282 = arith.constant 3 : i32
        %parallel_loop3A_283 = arith.muli %parallel_loop3A_282, %parallel_loop3A_89 : i32
        %parallel_loop3A_284 = arith.index_cast %parallel_loop3A_283 : i32 to index
        %parallel_loop3A_285 = arith.constant 48 : index
        %parallel_loop3A_286 = tpu.vector_load %arg7[%parallel_loop3A_284, %parallel_loop3A_285] {strides = array<i32>} : memref<48x128xi32, #tpu.memory_space<vmem>>, vector<1x16xi32>,
        %parallel_loop3A_287 = vector.shape_cast %parallel_loop3A_286 : vector<1x16xi32> to vector<16xi32>
        %parallel_loop3A_288 = arith.constant 3 : i32
        %parallel_loop3A_289 = arith.muli %parallel_loop3A_288, %parallel_loop3A_89 : i32
        %parallel_loop3A_290 = arith.constant 1 : i32
        %parallel_loop3A_291 = arith.addi %parallel_loop3A_289, %parallel_loop3A_290 : i32
        %parallel_loop3A_292 = arith.index_cast %parallel_loop3A_291 : i32 to index
        %parallel_loop3A_293 = arith.constant 48 : index
        %parallel_loop3A_294 = tpu.vector_load %arg7[%parallel_loop3A_292, %parallel_loop3A_293] {strides = array<i32>} : memref<48x128xi32, #tpu.memory_space<vmem>>, vector<1x16xi32>,
        %parallel_loop3A_295 = vector.shape_cast %parallel_loop3A_294 : vector<1x16xi32> to vector<16xi32>
        %parallel_loop3A_296 = arith.constant 3 : i32
        %parallel_loop3A_297 = arith.muli %parallel_loop3A_296, %parallel_loop3A_89 : i32
        %parallel_loop3A_298 = arith.constant 2 : i32
        %parallel_loop3A_299 = arith.addi %parallel_loop3A_297, %parallel_loop3A_298 : i32
        %parallel_loop3A_300 = arith.index_cast %parallel_loop3A_299 : i32 to index
        %parallel_loop3A_301 = arith.constant 48 : index
        %parallel_loop3A_302 = tpu.vector_load %arg7[%parallel_loop3A_300, %parallel_loop3A_301] {strides = array<i32>} : memref<48x128xi32, #tpu.memory_space<vmem>>, vector<1x16xi32>,
        %parallel_loop3A_303 = vector.shape_cast %parallel_loop3A_302 : vector<1x16xi32> to vector<16xi32>
        %parallel_loop3A_304 = arith.constant 16 : i32
        %parallel_loop3A_305 = vector.broadcast %parallel_loop3A_304 : i32 to vector<16xi32>
        %parallel_loop3A_306 = arith.shli %parallel_loop3A_287, %parallel_loop3A_305 : vector<16xi32>
        %parallel_loop3A_307 = tpu.bitcast %parallel_loop3A_306 : vector<16xi32> -> vector<16xf32>
        %parallel_loop3A_308 = arith.constant 16 : i32
        %parallel_loop3A_309 = vector.broadcast %parallel_loop3A_308 : i32 to vector<16xi32>
        %parallel_loop3A_310 = arith.shli %parallel_loop3A_295, %parallel_loop3A_309 : vector<16xi32>
        %parallel_loop3A_311 = tpu.bitcast %parallel_loop3A_310 : vector<16xi32> -> vector<16xf32>
        %parallel_loop3A_312 = arith.addf %parallel_loop3A_307, %parallel_loop3A_311 : vector<16xf32>
        %parallel_loop3A_313 = arith.constant 16 : i32
        %parallel_loop3A_314 = vector.broadcast %parallel_loop3A_313 : i32 to vector<16xi32>
        %parallel_loop3A_315 = arith.shli %parallel_loop3A_303, %parallel_loop3A_314 : vector<16xi32>
        %parallel_loop3A_316 = tpu.bitcast %parallel_loop3A_315 : vector<16xi32> -> vector<16xf32>
        %parallel_loop3A_317 = arith.addf %parallel_loop3A_312, %parallel_loop3A_316 : vector<16xf32>
        %parallel_loop3A_318 = arith.constant -65536 : i32
        %parallel_loop3A_319 = vector.broadcast %parallel_loop3A_318 : i32 to vector<16xi32>
        %parallel_loop3A_320 = arith.andi %parallel_loop3A_287, %parallel_loop3A_319 : vector<16xi32>
        %parallel_loop3A_321 = tpu.bitcast %parallel_loop3A_320 : vector<16xi32> -> vector<16xf32>
        %parallel_loop3A_322 = arith.constant -65536 : i32
        %parallel_loop3A_323 = vector.broadcast %parallel_loop3A_322 : i32 to vector<16xi32>
        %parallel_loop3A_324 = arith.andi %parallel_loop3A_295, %parallel_loop3A_323 : vector<16xi32>
        %parallel_loop3A_325 = tpu.bitcast %parallel_loop3A_324 : vector<16xi32> -> vector<16xf32>
        %parallel_loop3A_326 = arith.addf %parallel_loop3A_321, %parallel_loop3A_325 : vector<16xf32>
        %parallel_loop3A_327 = arith.constant -65536 : i32
        %parallel_loop3A_328 = vector.broadcast %parallel_loop3A_327 : i32 to vector<16xi32>
        %parallel_loop3A_329 = arith.andi %parallel_loop3A_303, %parallel_loop3A_328 : vector<16xi32>
        %parallel_loop3A_330 = tpu.bitcast %parallel_loop3A_329 : vector<16xi32> -> vector<16xf32>
        %parallel_loop3A_331 = arith.addf %parallel_loop3A_326, %parallel_loop3A_330 : vector<16xf32>
        %parallel_loop3A_332 = tpu.bitcast %parallel_loop3A_317 : vector<16xf32> -> vector<16xi32>
        %parallel_loop3A_333 = tpu.bitcast %parallel_loop3A_331 : vector<16xf32> -> vector<16xi32>
        %parallel_loop3A_334 = arith.constant 16 : i32
        %parallel_loop3A_335 = vector.broadcast %parallel_loop3A_334 : i32 to vector<16xi32>
        %parallel_loop3A_336 = arith.shrui %parallel_loop3A_332, %parallel_loop3A_335 : vector<16xi32>
        %parallel_loop3A_337 = arith.constant -65536 : i32
        %parallel_loop3A_338 = vector.broadcast %parallel_loop3A_337 : i32 to vector<16xi32>
        %parallel_loop3A_339 = arith.andi %parallel_loop3A_333, %parallel_loop3A_338 : vector<16xi32>
        %parallel_loop3A_340 = arith.ori %parallel_loop3A_336, %parallel_loop3A_339 : vector<16xi32>
        %parallel_loop3A_341 = arith.index_cast %parallel_loop3A_89 : i32 to index
        %parallel_loop3A_342 = arith.constant 48 : index
        %parallel_loop3A_343 = tpu.vector_load %arg9[%parallel_loop3A_341, %parallel_loop3A_342] {strides = array<i32>} : memref<16x128xi32, #tpu.memory_space<vmem>>, vector<1x16xi32>,
        %parallel_loop3A_344 = vector.shape_cast %parallel_loop3A_343 : vector<1x16xi32> to vector<16xi32>
        %parallel_loop3A_345 = vector.shape_cast %parallel_loop3A_340 : vector<16xi32> to vector<1x16xi32>
        tpu.vector_store %arg9[%parallel_loop3A_341, %parallel_loop3A_342], %parallel_loop3A_345 {strides = array<i32>} : memref<16x128xi32, #tpu.memory_space<vmem>>, vector<1x16xi32>,
        %parallel_loop3A_346 = arith.constant 3 : i32
        %parallel_loop3A_347 = arith.muli %parallel_loop3A_346, %parallel_loop3A_89 : i32
        %parallel_loop3A_348 = arith.index_cast %parallel_loop3A_347 : i32 to index
        %parallel_loop3A_349 = arith.constant 64 : index
        %parallel_loop3A_350 = tpu.vector_load %arg7[%parallel_loop3A_348, %parallel_loop3A_349] {strides = array<i32>} : memref<48x128xi32, #tpu.memory_space<vmem>>, vector<1x16xi32>,
        %parallel_loop3A_351 = vector.shape_cast %parallel_loop3A_350 : vector<1x16xi32> to vector<16xi32>
        %parallel_loop3A_352 = arith.constant 3 : i32
        %parallel_loop3A_353 = arith.muli %parallel_loop3A_352, %parallel_loop3A_89 : i32
        %parallel_loop3A_354 = arith.constant 1 : i32
        %parallel_loop3A_355 = arith.addi %parallel_loop3A_353, %parallel_loop3A_354 : i32
        %parallel_loop3A_356 = arith.index_cast %parallel_loop3A_355 : i32 to index
        %parallel_loop3A_357 = arith.constant 64 : index
        %parallel_loop3A_358 = tpu.vector_load %arg7[%parallel_loop3A_356, %parallel_loop3A_357] {strides = array<i32>} : memref<48x128xi32, #tpu.memory_space<vmem>>, vector<1x16xi32>,
        %parallel_loop3A_359 = vector.shape_cast %parallel_loop3A_358 : vector<1x16xi32> to vector<16xi32>
        %parallel_loop3A_360 = arith.constant 3 : i32
        %parallel_loop3A_361 = arith.muli %parallel_loop3A_360, %parallel_loop3A_89 : i32
        %parallel_loop3A_362 = arith.constant 2 : i32
        %parallel_loop3A_363 = arith.addi %parallel_loop3A_361, %parallel_loop3A_362 : i32
        %parallel_loop3A_364 = arith.index_cast %parallel_loop3A_363 : i32 to index
        %parallel_loop3A_365 = arith.constant 64 : index
        %parallel_loop3A_366 = tpu.vector_load %arg7[%parallel_loop3A_364, %parallel_loop3A_365] {strides = array<i32>} : memref<48x128xi32, #tpu.memory_space<vmem>>, vector<1x16xi32>,
        %parallel_loop3A_367 = vector.shape_cast %parallel_loop3A_366 : vector<1x16xi32> to vector<16xi32>
        %parallel_loop3A_368 = arith.constant 16 : i32
        %parallel_loop3A_369 = vector.broadcast %parallel_loop3A_368 : i32 to vector<16xi32>
        %parallel_loop3A_370 = arith.shli %parallel_loop3A_351, %parallel_loop3A_369 : vector<16xi32>
        %parallel_loop3A_371 = tpu.bitcast %parallel_loop3A_370 : vector<16xi32> -> vector<16xf32>
        %parallel_loop3A_372 = arith.constant 16 : i32
        %parallel_loop3A_373 = vector.broadcast %parallel_loop3A_372 : i32 to vector<16xi32>
        %parallel_loop3A_374 = arith.shli %parallel_loop3A_359, %parallel_loop3A_373 : vector<16xi32>
        %parallel_loop3A_375 = tpu.bitcast %parallel_loop3A_374 : vector<16xi32> -> vector<16xf32>
        %parallel_loop3A_376 = arith.addf %parallel_loop3A_371, %parallel_loop3A_375 : vector<16xf32>
        %parallel_loop3A_377 = arith.constant 16 : i32
        %parallel_loop3A_378 = vector.broadcast %parallel_loop3A_377 : i32 to vector<16xi32>
        %parallel_loop3A_379 = arith.shli %parallel_loop3A_367, %parallel_loop3A_378 : vector<16xi32>
        %parallel_loop3A_380 = tpu.bitcast %parallel_loop3A_379 : vector<16xi32> -> vector<16xf32>
        %parallel_loop3A_381 = arith.addf %parallel_loop3A_376, %parallel_loop3A_380 : vector<16xf32>
        %parallel_loop3A_382 = arith.constant -65536 : i32
        %parallel_loop3A_383 = vector.broadcast %parallel_loop3A_382 : i32 to vector<16xi32>
        %parallel_loop3A_384 = arith.andi %parallel_loop3A_351, %parallel_loop3A_383 : vector<16xi32>
        %parallel_loop3A_385 = tpu.bitcast %parallel_loop3A_384 : vector<16xi32> -> vector<16xf32>
        %parallel_loop3A_386 = arith.constant -65536 : i32
        %parallel_loop3A_387 = vector.broadcast %parallel_loop3A_386 : i32 to vector<16xi32>
        %parallel_loop3A_388 = arith.andi %parallel_loop3A_359, %parallel_loop3A_387 : vector<16xi32>
        %parallel_loop3A_389 = tpu.bitcast %parallel_loop3A_388 : vector<16xi32> -> vector<16xf32>
        %parallel_loop3A_390 = arith.addf %parallel_loop3A_385, %parallel_loop3A_389 : vector<16xf32>
        %parallel_loop3A_391 = arith.constant -65536 : i32
        %parallel_loop3A_392 = vector.broadcast %parallel_loop3A_391 : i32 to vector<16xi32>
        %parallel_loop3A_393 = arith.andi %parallel_loop3A_367, %parallel_loop3A_392 : vector<16xi32>
        %parallel_loop3A_394 = tpu.bitcast %parallel_loop3A_393 : vector<16xi32> -> vector<16xf32>
        %parallel_loop3A_395 = arith.addf %parallel_loop3A_390, %parallel_loop3A_394 : vector<16xf32>
        %parallel_loop3A_396 = tpu.bitcast %parallel_loop3A_381 : vector<16xf32> -> vector<16xi32>
        %parallel_loop3A_397 = tpu.bitcast %parallel_loop3A_395 : vector<16xf32> -> vector<16xi32>
        %parallel_loop3A_398 = arith.constant 16 : i32
        %parallel_loop3A_399 = vector.broadcast %parallel_loop3A_398 : i32 to vector<16xi32>
        %parallel_loop3A_400 = arith.shrui %parallel_loop3A_396, %parallel_loop3A_399 : vector<16xi32>
        %parallel_loop3A_401 = arith.constant -65536 : i32
        %parallel_loop3A_402 = vector.broadcast %parallel_loop3A_401 : i32 to vector<16xi32>
        %parallel_loop3A_403 = arith.andi %parallel_loop3A_397, %parallel_loop3A_402 : vector<16xi32>
        %parallel_loop3A_404 = arith.ori %parallel_loop3A_400, %parallel_loop3A_403 : vector<16xi32>
        %parallel_loop3A_405 = arith.index_cast %parallel_loop3A_89 : i32 to index
        %parallel_loop3A_406 = arith.constant 64 : index
        %parallel_loop3A_407 = tpu.vector_load %arg9[%parallel_loop3A_405, %parallel_loop3A_406] {strides = array<i32>} : memref<16x128xi32, #tpu.memory_space<vmem>>, vector<1x16xi32>,
        %parallel_loop3A_408 = vector.shape_cast %parallel_loop3A_407 : vector<1x16xi32> to vector<16xi32>
        %parallel_loop3A_409 = vector.shape_cast %parallel_loop3A_404 : vector<16xi32> to vector<1x16xi32>
        tpu.vector_store %arg9[%parallel_loop3A_405, %parallel_loop3A_406], %parallel_loop3A_409 {strides = array<i32>} : memref<16x128xi32, #tpu.memory_space<vmem>>, vector<1x16xi32>,
        %parallel_loop3A_410 = arith.constant 3 : i32
        %parallel_loop3A_411 = arith.muli %parallel_loop3A_410, %parallel_loop3A_89 : i32
        %parallel_loop3A_412 = arith.index_cast %parallel_loop3A_411 : i32 to index
        %parallel_loop3A_413 = arith.constant 80 : index
        %parallel_loop3A_414 = tpu.vector_load %arg7[%parallel_loop3A_412, %parallel_loop3A_413] {strides = array<i32>} : memref<48x128xi32, #tpu.memory_space<vmem>>, vector<1x16xi32>,
        %parallel_loop3A_415 = vector.shape_cast %parallel_loop3A_414 : vector<1x16xi32> to vector<16xi32>
        %parallel_loop3A_416 = arith.constant 3 : i32
        %parallel_loop3A_417 = arith.muli %parallel_loop3A_416, %parallel_loop3A_89 : i32
        %parallel_loop3A_418 = arith.constant 1 : i32
        %parallel_loop3A_419 = arith.addi %parallel_loop3A_417, %parallel_loop3A_418 : i32
        %parallel_loop3A_420 = arith.index_cast %parallel_loop3A_419 : i32 to index
        %parallel_loop3A_421 = arith.constant 80 : index
        %parallel_loop3A_422 = tpu.vector_load %arg7[%parallel_loop3A_420, %parallel_loop3A_421] {strides = array<i32>} : memref<48x128xi32, #tpu.memory_space<vmem>>, vector<1x16xi32>,
        %parallel_loop3A_423 = vector.shape_cast %parallel_loop3A_422 : vector<1x16xi32> to vector<16xi32>
        %parallel_loop3A_424 = arith.constant 3 : i32
        %parallel_loop3A_425 = arith.muli %parallel_loop3A_424, %parallel_loop3A_89 : i32
        %parallel_loop3A_426 = arith.constant 2 : i32
        %parallel_loop3A_427 = arith.addi %parallel_loop3A_425, %parallel_loop3A_426 : i32
        %parallel_loop3A_428 = arith.index_cast %parallel_loop3A_427 : i32 to index
        %parallel_loop3A_429 = arith.constant 80 : index
        %parallel_loop3A_430 = tpu.vector_load %arg7[%parallel_loop3A_428, %parallel_loop3A_429] {strides = array<i32>} : memref<48x128xi32, #tpu.memory_space<vmem>>, vector<1x16xi32>,
        %parallel_loop3A_431 = vector.shape_cast %parallel_loop3A_430 : vector<1x16xi32> to vector<16xi32>
        %parallel_loop3A_432 = arith.constant 16 : i32
        %parallel_loop3A_433 = vector.broadcast %parallel_loop3A_432 : i32 to vector<16xi32>
        %parallel_loop3A_434 = arith.shli %parallel_loop3A_415, %parallel_loop3A_433 : vector<16xi32>
        %parallel_loop3A_435 = tpu.bitcast %parallel_loop3A_434 : vector<16xi32> -> vector<16xf32>
        %parallel_loop3A_436 = arith.constant 16 : i32
        %parallel_loop3A_437 = vector.broadcast %parallel_loop3A_436 : i32 to vector<16xi32>
        %parallel_loop3A_438 = arith.shli %parallel_loop3A_423, %parallel_loop3A_437 : vector<16xi32>
        %parallel_loop3A_439 = tpu.bitcast %parallel_loop3A_438 : vector<16xi32> -> vector<16xf32>
        %parallel_loop3A_440 = arith.addf %parallel_loop3A_435, %parallel_loop3A_439 : vector<16xf32>
        %parallel_loop3A_441 = arith.constant 16 : i32
        %parallel_loop3A_442 = vector.broadcast %parallel_loop3A_441 : i32 to vector<16xi32>
        %parallel_loop3A_443 = arith.shli %parallel_loop3A_431, %parallel_loop3A_442 : vector<16xi32>
        %parallel_loop3A_444 = tpu.bitcast %parallel_loop3A_443 : vector<16xi32> -> vector<16xf32>
        %parallel_loop3A_445 = arith.addf %parallel_loop3A_440, %parallel_loop3A_444 : vector<16xf32>
        %parallel_loop3A_446 = arith.constant -65536 : i32
        %parallel_loop3A_447 = vector.broadcast %parallel_loop3A_446 : i32 to vector<16xi32>
        %parallel_loop3A_448 = arith.andi %parallel_loop3A_415, %parallel_loop3A_447 : vector<16xi32>
        %parallel_loop3A_449 = tpu.bitcast %parallel_loop3A_448 : vector<16xi32> -> vector<16xf32>
        %parallel_loop3A_450 = arith.constant -65536 : i32
        %parallel_loop3A_451 = vector.broadcast %parallel_loop3A_450 : i32 to vector<16xi32>
        %parallel_loop3A_452 = arith.andi %parallel_loop3A_423, %parallel_loop3A_451 : vector<16xi32>
        %parallel_loop3A_453 = tpu.bitcast %parallel_loop3A_452 : vector<16xi32> -> vector<16xf32>
        %parallel_loop3A_454 = arith.addf %parallel_loop3A_449, %parallel_loop3A_453 : vector<16xf32>
        %parallel_loop3A_455 = arith.constant -65536 : i32
        %parallel_loop3A_456 = vector.broadcast %parallel_loop3A_455 : i32 to vector<16xi32>
        %parallel_loop3A_457 = arith.andi %parallel_loop3A_431, %parallel_loop3A_456 : vector<16xi32>
        %parallel_loop3A_458 = tpu.bitcast %parallel_loop3A_457 : vector<16xi32> -> vector<16xf32>
        %parallel_loop3A_459 = arith.addf %parallel_loop3A_454, %parallel_loop3A_458 : vector<16xf32>
        %parallel_loop3A_460 = tpu.bitcast %parallel_loop3A_445 : vector<16xf32> -> vector<16xi32>
        %parallel_loop3A_461 = tpu.bitcast %parallel_loop3A_459 : vector<16xf32> -> vector<16xi32>
        %parallel_loop3A_462 = arith.constant 16 : i32
        %parallel_loop3A_463 = vector.broadcast %parallel_loop3A_462 : i32 to vector<16xi32>
        %parallel_loop3A_464 = arith.shrui %parallel_loop3A_460, %parallel_loop3A_463 : vector<16xi32>
        %parallel_loop3A_465 = arith.constant -65536 : i32
        %parallel_loop3A_466 = vector.broadcast %parallel_loop3A_465 : i32 to vector<16xi32>
        %parallel_loop3A_467 = arith.andi %parallel_loop3A_461, %parallel_loop3A_466 : vector<16xi32>
        %parallel_loop3A_468 = arith.ori %parallel_loop3A_464, %parallel_loop3A_467 : vector<16xi32>
        %parallel_loop3A_469 = arith.index_cast %parallel_loop3A_89 : i32 to index
        %parallel_loop3A_470 = arith.constant 80 : index
        %parallel_loop3A_471 = tpu.vector_load %arg9[%parallel_loop3A_469, %parallel_loop3A_470] {strides = array<i32>} : memref<16x128xi32, #tpu.memory_space<vmem>>, vector<1x16xi32>,
        %parallel_loop3A_472 = vector.shape_cast %parallel_loop3A_471 : vector<1x16xi32> to vector<16xi32>
        %parallel_loop3A_473 = vector.shape_cast %parallel_loop3A_468 : vector<16xi32> to vector<1x16xi32>
        tpu.vector_store %arg9[%parallel_loop3A_469, %parallel_loop3A_470], %parallel_loop3A_473 {strides = array<i32>} : memref<16x128xi32, #tpu.memory_space<vmem>>, vector<1x16xi32>,
        %parallel_loop3A_474 = arith.constant 3 : i32
        %parallel_loop3A_475 = arith.muli %parallel_loop3A_474, %parallel_loop3A_89 : i32
        %parallel_loop3A_476 = arith.index_cast %parallel_loop3A_475 : i32 to index
        %parallel_loop3A_477 = arith.constant 96 : index
        %parallel_loop3A_478 = tpu.vector_load %arg7[%parallel_loop3A_476, %parallel_loop3A_477] {strides = array<i32>} : memref<48x128xi32, #tpu.memory_space<vmem>>, vector<1x16xi32>,
        %parallel_loop3A_479 = vector.shape_cast %parallel_loop3A_478 : vector<1x16xi32> to vector<16xi32>
        %parallel_loop3A_480 = arith.constant 3 : i32
        %parallel_loop3A_481 = arith.muli %parallel_loop3A_480, %parallel_loop3A_89 : i32
        %parallel_loop3A_482 = arith.constant 1 : i32
        %parallel_loop3A_483 = arith.addi %parallel_loop3A_481, %parallel_loop3A_482 : i32
        %parallel_loop3A_484 = arith.index_cast %parallel_loop3A_483 : i32 to index
        %parallel_loop3A_485 = arith.constant 96 : index
        %parallel_loop3A_486 = tpu.vector_load %arg7[%parallel_loop3A_484, %parallel_loop3A_485] {strides = array<i32>} : memref<48x128xi32, #tpu.memory_space<vmem>>, vector<1x16xi32>,
        %parallel_loop3A_487 = vector.shape_cast %parallel_loop3A_486 : vector<1x16xi32> to vector<16xi32>
        %parallel_loop3A_488 = arith.constant 3 : i32
        %parallel_loop3A_489 = arith.muli %parallel_loop3A_488, %parallel_loop3A_89 : i32
        %parallel_loop3A_490 = arith.constant 2 : i32
        %parallel_loop3A_491 = arith.addi %parallel_loop3A_489, %parallel_loop3A_490 : i32
        %parallel_loop3A_492 = arith.index_cast %parallel_loop3A_491 : i32 to index
        %parallel_loop3A_493 = arith.constant 96 : index
        %parallel_loop3A_494 = tpu.vector_load %arg7[%parallel_loop3A_492, %parallel_loop3A_493] {strides = array<i32>} : memref<48x128xi32, #tpu.memory_space<vmem>>, vector<1x16xi32>,
        %parallel_loop3A_495 = vector.shape_cast %parallel_loop3A_494 : vector<1x16xi32> to vector<16xi32>
        %parallel_loop3A_496 = arith.constant 16 : i32
        %parallel_loop3A_497 = vector.broadcast %parallel_loop3A_496 : i32 to vector<16xi32>
        %parallel_loop3A_498 = arith.shli %parallel_loop3A_479, %parallel_loop3A_497 : vector<16xi32>
        %parallel_loop3A_499 = tpu.bitcast %parallel_loop3A_498 : vector<16xi32> -> vector<16xf32>
        %parallel_loop3A_500 = arith.constant 16 : i32
        %parallel_loop3A_501 = vector.broadcast %parallel_loop3A_500 : i32 to vector<16xi32>
        %parallel_loop3A_502 = arith.shli %parallel_loop3A_487, %parallel_loop3A_501 : vector<16xi32>
        %parallel_loop3A_503 = tpu.bitcast %parallel_loop3A_502 : vector<16xi32> -> vector<16xf32>
        %parallel_loop3A_504 = arith.addf %parallel_loop3A_499, %parallel_loop3A_503 : vector<16xf32>
        %parallel_loop3A_505 = arith.constant 16 : i32
        %parallel_loop3A_506 = vector.broadcast %parallel_loop3A_505 : i32 to vector<16xi32>
        %parallel_loop3A_507 = arith.shli %parallel_loop3A_495, %parallel_loop3A_506 : vector<16xi32>
        %parallel_loop3A_508 = tpu.bitcast %parallel_loop3A_507 : vector<16xi32> -> vector<16xf32>
        %parallel_loop3A_509 = arith.addf %parallel_loop3A_504, %parallel_loop3A_508 : vector<16xf32>
        %parallel_loop3A_510 = arith.constant -65536 : i32
        %parallel_loop3A_511 = vector.broadcast %parallel_loop3A_510 : i32 to vector<16xi32>
        %parallel_loop3A_512 = arith.andi %parallel_loop3A_479, %parallel_loop3A_511 : vector<16xi32>
        %parallel_loop3A_513 = tpu.bitcast %parallel_loop3A_512 : vector<16xi32> -> vector<16xf32>
        %parallel_loop3A_514 = arith.constant -65536 : i32
        %parallel_loop3A_515 = vector.broadcast %parallel_loop3A_514 : i32 to vector<16xi32>
        %parallel_loop3A_516 = arith.andi %parallel_loop3A_487, %parallel_loop3A_515 : vector<16xi32>
        %parallel_loop3A_517 = tpu.bitcast %parallel_loop3A_516 : vector<16xi32> -> vector<16xf32>
        %parallel_loop3A_518 = arith.addf %parallel_loop3A_513, %parallel_loop3A_517 : vector<16xf32>
        %parallel_loop3A_519 = arith.constant -65536 : i32
        %parallel_loop3A_520 = vector.broadcast %parallel_loop3A_519 : i32 to vector<16xi32>
        %parallel_loop3A_521 = arith.andi %parallel_loop3A_495, %parallel_loop3A_520 : vector<16xi32>
        %parallel_loop3A_522 = tpu.bitcast %parallel_loop3A_521 : vector<16xi32> -> vector<16xf32>
        %parallel_loop3A_523 = arith.addf %parallel_loop3A_518, %parallel_loop3A_522 : vector<16xf32>
        %parallel_loop3A_524 = tpu.bitcast %parallel_loop3A_509 : vector<16xf32> -> vector<16xi32>
        %parallel_loop3A_525 = tpu.bitcast %parallel_loop3A_523 : vector<16xf32> -> vector<16xi32>
        %parallel_loop3A_526 = arith.constant 16 : i32
        %parallel_loop3A_527 = vector.broadcast %parallel_loop3A_526 : i32 to vector<16xi32>
        %parallel_loop3A_528 = arith.shrui %parallel_loop3A_524, %parallel_loop3A_527 : vector<16xi32>
        %parallel_loop3A_529 = arith.constant -65536 : i32
        %parallel_loop3A_530 = vector.broadcast %parallel_loop3A_529 : i32 to vector<16xi32>
        %parallel_loop3A_531 = arith.andi %parallel_loop3A_525, %parallel_loop3A_530 : vector<16xi32>
        %parallel_loop3A_532 = arith.ori %parallel_loop3A_528, %parallel_loop3A_531 : vector<16xi32>
        %parallel_loop3A_533 = arith.index_cast %parallel_loop3A_89 : i32 to index
        %parallel_loop3A_534 = arith.constant 96 : index
        %parallel_loop3A_535 = tpu.vector_load %arg9[%parallel_loop3A_533, %parallel_loop3A_534] {strides = array<i32>} : memref<16x128xi32, #tpu.memory_space<vmem>>, vector<1x16xi32>,
        %parallel_loop3A_536 = vector.shape_cast %parallel_loop3A_535 : vector<1x16xi32> to vector<16xi32>
        %parallel_loop3A_537 = vector.shape_cast %parallel_loop3A_532 : vector<16xi32> to vector<1x16xi32>
        tpu.vector_store %arg9[%parallel_loop3A_533, %parallel_loop3A_534], %parallel_loop3A_537 {strides = array<i32>} : memref<16x128xi32, #tpu.memory_space<vmem>>, vector<1x16xi32>,
        %parallel_loop3A_538 = arith.constant 3 : i32
        %parallel_loop3A_539 = arith.muli %parallel_loop3A_538, %parallel_loop3A_89 : i32
        %parallel_loop3A_540 = arith.index_cast %parallel_loop3A_539 : i32 to index
        %parallel_loop3A_541 = arith.constant 112 : index
        %parallel_loop3A_542 = tpu.vector_load %arg7[%parallel_loop3A_540, %parallel_loop3A_541] {strides = array<i32>} : memref<48x128xi32, #tpu.memory_space<vmem>>, vector<1x16xi32>,
        %parallel_loop3A_543 = vector.shape_cast %parallel_loop3A_542 : vector<1x16xi32> to vector<16xi32>
        %parallel_loop3A_544 = arith.constant 3 : i32
        %parallel_loop3A_545 = arith.muli %parallel_loop3A_544, %parallel_loop3A_89 : i32
        %parallel_loop3A_546 = arith.constant 1 : i32
        %parallel_loop3A_547 = arith.addi %parallel_loop3A_545, %parallel_loop3A_546 : i32
        %parallel_loop3A_548 = arith.index_cast %parallel_loop3A_547 : i32 to index
        %parallel_loop3A_549 = arith.constant 112 : index
        %parallel_loop3A_550 = tpu.vector_load %arg7[%parallel_loop3A_548, %parallel_loop3A_549] {strides = array<i32>} : memref<48x128xi32, #tpu.memory_space<vmem>>, vector<1x16xi32>,
        %parallel_loop3A_551 = vector.shape_cast %parallel_loop3A_550 : vector<1x16xi32> to vector<16xi32>
        %parallel_loop3A_552 = arith.constant 3 : i32
        %parallel_loop3A_553 = arith.muli %parallel_loop3A_552, %parallel_loop3A_89 : i32
        %parallel_loop3A_554 = arith.constant 2 : i32
        %parallel_loop3A_555 = arith.addi %parallel_loop3A_553, %parallel_loop3A_554 : i32
        %parallel_loop3A_556 = arith.index_cast %parallel_loop3A_555 : i32 to index
        %parallel_loop3A_557 = arith.constant 112 : index
        %parallel_loop3A_558 = tpu.vector_load %arg7[%parallel_loop3A_556, %parallel_loop3A_557] {strides = array<i32>} : memref<48x128xi32, #tpu.memory_space<vmem>>, vector<1x16xi32>,
        %parallel_loop3A_559 = vector.shape_cast %parallel_loop3A_558 : vector<1x16xi32> to vector<16xi32>
        %parallel_loop3A_560 = arith.constant 16 : i32
        %parallel_loop3A_561 = vector.broadcast %parallel_loop3A_560 : i32 to vector<16xi32>
        %parallel_loop3A_562 = arith.shli %parallel_loop3A_543, %parallel_loop3A_561 : vector<16xi32>
        %parallel_loop3A_563 = tpu.bitcast %parallel_loop3A_562 : vector<16xi32> -> vector<16xf32>
        %parallel_loop3A_564 = arith.constant 16 : i32
        %parallel_loop3A_565 = vector.broadcast %parallel_loop3A_564 : i32 to vector<16xi32>
        %parallel_loop3A_566 = arith.shli %parallel_loop3A_551, %parallel_loop3A_565 : vector<16xi32>
        %parallel_loop3A_567 = tpu.bitcast %parallel_loop3A_566 : vector<16xi32> -> vector<16xf32>
        %parallel_loop3A_568 = arith.addf %parallel_loop3A_563, %parallel_loop3A_567 : vector<16xf32>
        %parallel_loop3A_569 = arith.constant 16 : i32
        %parallel_loop3A_570 = vector.broadcast %parallel_loop3A_569 : i32 to vector<16xi32>
        %parallel_loop3A_571 = arith.shli %parallel_loop3A_559, %parallel_loop3A_570 : vector<16xi32>
        %parallel_loop3A_572 = tpu.bitcast %parallel_loop3A_571 : vector<16xi32> -> vector<16xf32>
        %parallel_loop3A_573 = arith.addf %parallel_loop3A_568, %parallel_loop3A_572 : vector<16xf32>
        %parallel_loop3A_574 = arith.constant -65536 : i32
        %parallel_loop3A_575 = vector.broadcast %parallel_loop3A_574 : i32 to vector<16xi32>
        %parallel_loop3A_576 = arith.andi %parallel_loop3A_543, %parallel_loop3A_575 : vector<16xi32>
        %parallel_loop3A_577 = tpu.bitcast %parallel_loop3A_576 : vector<16xi32> -> vector<16xf32>
        %parallel_loop3A_578 = arith.constant -65536 : i32
        %parallel_loop3A_579 = vector.broadcast %parallel_loop3A_578 : i32 to vector<16xi32>
        %parallel_loop3A_580 = arith.andi %parallel_loop3A_551, %parallel_loop3A_579 : vector<16xi32>
        %parallel_loop3A_581 = tpu.bitcast %parallel_loop3A_580 : vector<16xi32> -> vector<16xf32>
        %parallel_loop3A_582 = arith.addf %parallel_loop3A_577, %parallel_loop3A_581 : vector<16xf32>
        %parallel_loop3A_583 = arith.constant -65536 : i32
        %parallel_loop3A_584 = vector.broadcast %parallel_loop3A_583 : i32 to vector<16xi32>
        %parallel_loop3A_585 = arith.andi %parallel_loop3A_559, %parallel_loop3A_584 : vector<16xi32>
        %parallel_loop3A_586 = tpu.bitcast %parallel_loop3A_585 : vector<16xi32> -> vector<16xf32>
        %parallel_loop3A_587 = arith.addf %parallel_loop3A_582, %parallel_loop3A_586 : vector<16xf32>
        %parallel_loop3A_588 = tpu.bitcast %parallel_loop3A_573 : vector<16xf32> -> vector<16xi32>
        %parallel_loop3A_589 = tpu.bitcast %parallel_loop3A_587 : vector<16xf32> -> vector<16xi32>
        %parallel_loop3A_590 = arith.constant 16 : i32
        %parallel_loop3A_591 = vector.broadcast %parallel_loop3A_590 : i32 to vector<16xi32>
        %parallel_loop3A_592 = arith.shrui %parallel_loop3A_588, %parallel_loop3A_591 : vector<16xi32>
        %parallel_loop3A_593 = arith.constant -65536 : i32
        %parallel_loop3A_594 = vector.broadcast %parallel_loop3A_593 : i32 to vector<16xi32>
        %parallel_loop3A_595 = arith.andi %parallel_loop3A_589, %parallel_loop3A_594 : vector<16xi32>
        %parallel_loop3A_596 = arith.ori %parallel_loop3A_592, %parallel_loop3A_595 : vector<16xi32>
        %parallel_loop3A_597 = arith.index_cast %parallel_loop3A_89 : i32 to index
        %parallel_loop3A_598 = arith.constant 112 : index
        %parallel_loop3A_599 = tpu.vector_load %arg9[%parallel_loop3A_597, %parallel_loop3A_598] {strides = array<i32>} : memref<16x128xi32, #tpu.memory_space<vmem>>, vector<1x16xi32>,
        %parallel_loop3A_600 = vector.shape_cast %parallel_loop3A_599 : vector<1x16xi32> to vector<16xi32>
        %parallel_loop3A_601 = vector.shape_cast %parallel_loop3A_596 : vector<16xi32> to vector<1x16xi32>
        tpu.vector_store %arg9[%parallel_loop3A_597, %parallel_loop3A_598], %parallel_loop3A_601 {strides = array<i32>} : memref<16x128xi32, #tpu.memory_space<vmem>>, vector<1x16xi32>,
      } {sc.loop_unroll_factor = 1 : i64, sc.parallel_access}
      %mul3A_75 = arith.constant 16 : i32
      %mul3A_76 = arith.muli %add3A_59, %mul3A_75 : i32
      %add3A_77 = arith.addi %mul3A_2, %mul3A_76 : i32
      %dma_start3A_78 = arith.constant 0 : i32
      %dma_start3A_79 = tpu.memref_slice %arg4[%add3A_77, %dma_start3A_78] : memref<18432x128xi32, #tpu.memory_space<hbm>> -> memref<16x128xi32, #tpu.memory_space<hbm>>
      %dma_start3A_80 = arith.constant 0 : i32
      %dma_start3A_81 = tpu.memref_slice %arg4[%add3A_77, %dma_start3A_80] : memref<18432x128xi32, #tpu.memory_space<hbm>> -> memref<16x128xi32, #tpu.memory_space<hbm>>
      tpu.enqueue_dma source(%arg9 : memref<16x128xi32, #tpu.memory_space<vmem>>) target(%dma_start3A_81 : memref<16x128xi32, #tpu.memory_space<hbm>>) target_semaphore(%arg11 : memref<!tpu.dma_semaphore, #tpu.memory_space<semaphore_mem>>)
      %add3A_82 = arith.constant 2 : i32
      %add3A_83 = arith.addi %add3A_59, %add3A_82 : i32
      %lt3A_84 = arith.constant 36 : i32
      %lt3A_85 = arith.cmpi slt, %add3A_83, %lt3A_84 : i32
      %convert_element_type3A_86 = arith.extui %lt3A_85 : i1 to i32
      %cond3A_87 = arith.constant 0 : i32
      %cond3A_88 = arith.cmpi ne, %convert_element_type3A_86, %cond3A_87 : i32
      scf.if %cond3A_88 {
        %add3A_89 = arith.constant 2 : i32
        %add3A_90 = arith.addi %add3A_59, %add3A_89 : i32
        %dma_start3A_91 = arith.constant 0 : i32
        %dma_start3A_92 = tpu.memref_slice %arg5[%add3A_90, %dma_start3A_91] : memref<36x48xi32, #tpu.memory_space<vmem>> -> memref<1x48xi32, #tpu.memory_space<vmem>>
        %dma_start3A_93 = tpu.memref_squeeze %dma_start3A_92 : memref<1x48xi32, #tpu.memory_space<vmem>> -> memref<48xi32, #tpu.memory_space<vmem>>
        %dma_start3A_94 = arith.constant 0 : i32
        %dma_start3A_95 = arith.constant 0 : i32
        %dma_start3A_96 = tpu.memref_slice %arg2[%dma_start3A_94, %dma_start3A_95] : memref<2688x128xi32, #tpu.memory_space<hbm>> -> memref<2688x128xi32, #tpu.memory_space<hbm>>
        tpu.enqueue_indirect_dma source(%dma_start3A_96 : memref<2688x128xi32, #tpu.memory_space<hbm>>) target(%arg7 : memref<48x128xi32, #tpu.memory_space<vmem>>) offsets(%dma_start3A_93 : memref<48xi32, #tpu.memory_space<vmem>>) semaphore(%arg10 : memref<!tpu.dma_semaphore, #tpu.memory_space<semaphore_mem>>)
      } else {
      }
    }
    %scan3A_19 = arith.constant 18 : i32
    %dma_wait3A = arith.constant 0 : i32
    %dma_wait3A_20 = tpu.memref_slice %arg4[%mul3A_2, %dma_wait3A] : memref<18432x128xi32, #tpu.memory_space<hbm>> -> memref<16x128xi32, #tpu.memory_space<hbm>>
    %dma_wait3A_21 = arith.constant 0 : i32
    %dma_wait3A_22 = tpu.memref_slice %arg4[%mul3A_2, %dma_wait3A_21] : memref<18432x128xi32, #tpu.memory_space<hbm>> -> memref<16x128xi32, #tpu.memory_space<hbm>>
    tpu.wait_dma2 semaphore(%arg11 : memref<!tpu.dma_semaphore, #tpu.memory_space<semaphore_mem>>) src(%arg8 : memref<16x128xi32, #tpu.memory_space<vmem>>) dst(%dma_wait3A_22 : memref<16x128xi32, #tpu.memory_space<hbm>>)
    %dma_wait3A_23 = arith.constant 0 : i32
    %dma_wait3A_24 = tpu.memref_slice %arg4[%mul3A_2, %dma_wait3A_23] : memref<18432x128xi32, #tpu.memory_space<hbm>> -> memref<16x128xi32, #tpu.memory_space<hbm>>
    %dma_wait3A_25 = arith.constant 0 : i32
    %dma_wait3A_26 = tpu.memref_slice %arg4[%mul3A_2, %dma_wait3A_25] : memref<18432x128xi32, #tpu.memory_space<hbm>> -> memref<16x128xi32, #tpu.memory_space<hbm>>
    tpu.wait_dma2 semaphore(%arg11 : memref<!tpu.dma_semaphore, #tpu.memory_space<semaphore_mem>>) src(%arg9 : memref<16x128xi32, #tpu.memory_space<vmem>>) dst(%dma_wait3A_26 : memref<16x128xi32, #tpu.memory_space<hbm>>)
    return
  }
}

module attributes {stable_mosaic.version = 14 : i64} {
  func.func @_tc_body(%arg0: i32, %arg1: memref<19x512xi32, #tpu.memory_space<vmem>>, %arg2: memref<512x128xi32, #tpu.memory_space<vmem>>, %arg3: memref<128x256xf32, #tpu.memory_space<vmem>>, %arg4: memref<1x256xf32, #tpu.memory_space<vmem>>, %arg5: memref<128x19xf32, #tpu.memory_space<vmem>>, %arg6: memref<128x1xf32, #tpu.memory_space<vmem>>, %arg7: memref<512x256xf32, #tpu.memory_space<vmem>>) attributes {dimension_semantics = [#tpu.dimension_semantics<arbitrary>], iteration_bounds = array<i64: 24>, scalar_prefetch = 0 : i64, scratch_operands = 0 : i64, tpu.core_type = #tpu.core_type<tc>, window_params = [{transform_indices = @transform_0, window_bounds = array<i64: 19, 512>}, {transform_indices = @transform_1, window_bounds = array<i64: 512, 128>}, {pipeline_mode = #tpu.pipeline_mode<synchronous>, transform_indices = @transform_2, window_bounds = array<i64: 128, 256>}, {pipeline_mode = #tpu.pipeline_mode<synchronous>, transform_indices = @transform_3, window_bounds = array<i64: 1, 256>}, {pipeline_mode = #tpu.pipeline_mode<synchronous>, transform_indices = @transform_4, window_bounds = array<i64: 128, 19>}, {pipeline_mode = #tpu.pipeline_mode<synchronous>, transform_indices = @transform_5, window_bounds = array<i64: 128, 1>}, {transform_indices = @transform_6, window_bounds = array<i64: 512, 256>}]} {
    %get3A = arith.constant 0 : index
    %get3A_0 = arith.constant 0 : index
    %get3A_1 = vector.load %arg1[%get3A, %get3A_0] : memref<19x512xi32, #tpu.memory_space<vmem>>, vector<19x512xi32>
    %convert_element_type3A = arith.sitofp %get3A_1 : vector<19x512xi32> to vector<19x512xf32>
    %get3A_2 = arith.constant 0 : index
    %get3A_3 = arith.constant 0 : index
    %get3A_4 = vector.load %arg5[%get3A_2, %get3A_3] : memref<128x19xf32, #tpu.memory_space<vmem>>, vector<128x19xf32>
    %dot_general3A = arith.constant dense<0.000000e+00> : vector<128x512xf32>
    %dot_general3A_5 = tpu.matmul %get3A_4, %convert_element_type3A, %dot_general3A {dimension_numbers = #tpu.dot_dimension_numbers<[1], [0], [0], [1], [0, 0, 1, 1], [], []>, transpose_lhs_hint = false} : vector<128x19xf32>, vector<19x512xf32>, vector<128x512xf32> -> vector<128x512xf32>
    %slice3A = vector.extract_strided_slice %convert_element_type3A {offsets = [0, 0], sizes = [1, 512], strides = [1, 1]} : vector<19x512xf32> to vector<1x512xf32>
    %slice3A_6 = vector.extract_strided_slice %convert_element_type3A {offsets = [1, 0], sizes = [1, 512], strides = [1, 1]} : vector<19x512xf32> to vector<1x512xf32>
    %max3A = arith.constant 1.000000e+00 : f32
    %max3A_7 = vector.broadcast %max3A : f32 to vector<1x512xf32>
    %max3A_8 = arith.maximumf %slice3A_6, %max3A_7 : vector<1x512xf32>
    %div3A = arith.divf %slice3A, %max3A_8 : vector<1x512xf32>
    %jit3A = arith.constant 0.000000e+00 : f32
    %jit3A_9 = arith.constant 1.000000e+00 : f32
    %max3A_10 = vector.broadcast %jit3A : f32 to vector<1x512xf32>
    %max3A_11 = arith.maximumf %max3A_10, %div3A : vector<1x512xf32>
    %min3A = vector.broadcast %jit3A_9 : f32 to vector<1x512xf32>
    %min3A_12 = arith.minimumf %min3A, %max3A_11 : vector<1x512xf32>
    %mul3A = arith.constant 1.023000e+03 : f32
    %mul3A_13 = vector.broadcast %mul3A : f32 to vector<1x512xf32>
    %mul3A_14 = arith.mulf %mul3A_13, %min3A_12 : vector<1x512xf32>
    %convert_element_type3A_15 = arith.fptosi %mul3A_14 : vector<1x512xf32> to vector<1x512xi32>
    %slice3A_16 = vector.extract_strided_slice %get3A_1 {offsets = [2, 0], sizes = [1, 512], strides = [1, 1]} : vector<19x512xi32> to vector<1x512xi32>
    %slice3A_17 = vector.extract_strided_slice %convert_element_type3A {offsets = [15, 0], sizes = [1, 512], strides = [1, 1]} : vector<19x512xf32> to vector<1x512xf32>
    %slice3A_18 = vector.extract_strided_slice %convert_element_type3A {offsets = [16, 0], sizes = [1, 512], strides = [1, 1]} : vector<19x512xf32> to vector<1x512xf32>
    %slice3A_19 = vector.extract_strided_slice %convert_element_type3A {offsets = [17, 0], sizes = [1, 512], strides = [1, 1]} : vector<19x512xf32> to vector<1x512xf32>
    %iota3A = tpu.iota {dimensions = array<i32: 0>} : vector<128x512xi32>
    %lt3A = arith.constant 10 : i32
    %lt3A_20 = vector.broadcast %lt3A : i32 to vector<128x512xi32>
    %lt3A_21 = arith.cmpi slt, %iota3A, %lt3A_20 : vector<128x512xi32>
    %broadcast_in_dim3A = vector.shape_cast %convert_element_type3A_15 : vector<1x512xi32> to vector<1x512xi32>
    %broadcast_in_dim3A_22 = vector.broadcast %broadcast_in_dim3A : vector<1x512xi32> to vector<128x512xi32>
    %broadcast_in_dim3A_23 = vector.shape_cast %slice3A_16 : vector<1x512xi32> to vector<1x512xi32>
    %broadcast_in_dim3A_24 = vector.broadcast %broadcast_in_dim3A_23 : vector<1x512xi32> to vector<128x512xi32>
    %select_n3A = arith.select %lt3A_21, %broadcast_in_dim3A_22, %broadcast_in_dim3A_24 : vector<128x512xi1>, vector<128x512xi32>
    %lt3A_25 = arith.constant 10 : i32
    %lt3A_26 = vector.broadcast %lt3A_25 : i32 to vector<128x512xi32>
    %lt3A_27 = arith.cmpi slt, %iota3A, %lt3A_26 : vector<128x512xi32>
    %sub3A = arith.constant 11 : i32
    %sub3A_28 = vector.broadcast %sub3A : i32 to vector<128x512xi32>
    %sub3A_29 = arith.subi %iota3A, %sub3A_28 : vector<128x512xi32>
    %select_n3A_30 = arith.select %lt3A_27, %iota3A, %sub3A_29 : vector<128x512xi1>, vector<128x512xi32>
    %jit3A_31 = arith.constant 0 : i32
    %jit3A_32 = arith.constant 31 : i32
    %max3A_33 = vector.broadcast %jit3A_31 : i32 to vector<128x512xi32>
    %max3A_34 = arith.maxsi %max3A_33, %select_n3A_30 : vector<128x512xi32>
    %min3A_35 = vector.broadcast %jit3A_32 : i32 to vector<128x512xi32>
    %min3A_36 = arith.minsi %min3A_35, %max3A_34 : vector<128x512xi32>
    %shift_right_logical3A = arith.shrui %select_n3A, %min3A_36 : vector<128x512xi32>
    %and3A = arith.constant 1 : i32
    %and3A_37 = vector.broadcast %and3A : i32 to vector<128x512xi32>
    %and3A_38 = arith.andi %shift_right_logical3A, %and3A_37 : vector<128x512xi32>
    %convert_element_type3A_39 = arith.sitofp %and3A_38 : vector<128x512xi32> to vector<128x512xf32>
    %get3A_40 = arith.constant 0 : index
    %get3A_41 = arith.constant 0 : index
    %get3A_42 = vector.load %arg6[%get3A_40, %get3A_41] : memref<128x1xf32, #tpu.memory_space<vmem>>, vector<128x1xf32>
    %sub3A_43 = vector.broadcast %get3A_42 : vector<128x1xf32> to vector<128x512xf32>
    %sub3A_44 = arith.subf %dot_general3A_5, %sub3A_43 : vector<128x512xf32>
    %abs3A = math.absf %sub3A_44 : vector<128x512xf32>
    %lt3A_45 = arith.constant 5.000000e-01 : f32
    %lt3A_46 = vector.broadcast %lt3A_45 : f32 to vector<128x512xf32>
    %lt3A_47 = arith.cmpf olt, %abs3A, %lt3A_46 : vector<128x512xf32>
    %convert_element_type3A_48 = arith.extui %lt3A_47 : vector<128x512xi1> to vector<128x512xi32>
    %convert_element_type3A_49 = arith.sitofp %convert_element_type3A_48 : vector<128x512xi32> to vector<128x512xf32>
    %sub3A_50 = arith.constant 64 : i32
    %sub3A_51 = vector.broadcast %sub3A_50 : i32 to vector<128x512xi32>
    %sub3A_52 = arith.subi %iota3A, %sub3A_51 : vector<128x512xi32>
    %convert_element_type3A_53 = arith.sitofp %sub3A_52 : vector<128x512xi32> to vector<128x512xf32>
    %eq3A = vector.broadcast %slice3A_17 : vector<1x512xf32> to vector<128x512xf32>
    %eq3A_54 = arith.cmpf oeq, %eq3A, %convert_element_type3A_53 : vector<128x512xf32>
    %eq3A_55 = vector.broadcast %slice3A_18 : vector<1x512xf32> to vector<128x512xf32>
    %eq3A_56 = arith.cmpf oeq, %eq3A_55, %convert_element_type3A_53 : vector<128x512xf32>
    %or3A = arith.ori %eq3A_54, %eq3A_56 : vector<128x512xi1>
    %eq3A_57 = vector.broadcast %slice3A_19 : vector<1x512xf32> to vector<128x512xf32>
    %eq3A_58 = arith.cmpf oeq, %eq3A_57, %convert_element_type3A_53 : vector<128x512xf32>
    %or3A_59 = arith.ori %or3A, %eq3A_58 : vector<128x512xi1>
    %lt3A_60 = arith.constant 68 : i32
    %lt3A_61 = vector.broadcast %lt3A_60 : i32 to vector<128x512xi32>
    %lt3A_62 = arith.cmpi slt, %iota3A, %lt3A_61 : vector<128x512xi32>
    %and3A_63 = arith.andi %or3A_59, %lt3A_62 : vector<128x512xi1>
    %convert_element_type3A_64 = arith.extui %and3A_63 : vector<128x512xi1> to vector<128x512xi32>
    %convert_element_type3A_65 = arith.sitofp %convert_element_type3A_64 : vector<128x512xi32> to vector<128x512xf32>
    %eq3A_66 = arith.constant 10 : i32
    %eq3A_67 = vector.broadcast %eq3A_66 : i32 to vector<128x512xi32>
    %eq3A_68 = arith.cmpi eq, %iota3A, %eq3A_67 : vector<128x512xi32>
    %lt3A_69 = arith.constant 18 : i32
    %lt3A_70 = vector.broadcast %lt3A_69 : i32 to vector<128x512xi32>
    %lt3A_71 = arith.cmpi slt, %iota3A, %lt3A_70 : vector<128x512xi32>
    %lt3A_72 = arith.constant 64 : i32
    %lt3A_73 = vector.broadcast %lt3A_72 : i32 to vector<128x512xi32>
    %lt3A_74 = arith.cmpi slt, %iota3A, %lt3A_73 : vector<128x512xi32>
    %select_n3A_75 = arith.select %lt3A_74, %convert_element_type3A_49, %convert_element_type3A_65 : vector<128x512xi1>, vector<128x512xf32>
    %select_n3A_76 = arith.select %lt3A_71, %convert_element_type3A_39, %select_n3A_75 : vector<128x512xi1>, vector<128x512xf32>
    %broadcast_in_dim3A_77 = vector.shape_cast %min3A_12 : vector<1x512xf32> to vector<1x512xf32>
    %broadcast_in_dim3A_78 = vector.broadcast %broadcast_in_dim3A_77 : vector<1x512xf32> to vector<128x512xf32>
    %select_n3A_79 = arith.select %eq3A_68, %broadcast_in_dim3A_78, %select_n3A_76 : vector<128x512xi1>, vector<128x512xf32>
    %get3A_80 = arith.constant 0 : index
    %get3A_81 = arith.constant 0 : index
    %get3A_82 = vector.load %arg2[%get3A_80, %get3A_81] : memref<512x128xi32, #tpu.memory_space<vmem>>, vector<512x128xi32>
    %shift_left3A = arith.constant 16 : i32
    %shift_left3A_83 = vector.broadcast %shift_left3A : i32 to vector<512x128xi32>
    %shift_left3A_84 = arith.shli %get3A_82, %shift_left3A_83 : vector<512x128xi32>
    %bitcast_convert_type3A = tpu.bitcast %shift_left3A_84 : vector<512x128xi32> -> vector<512x128xf32>
    %and3A_85 = arith.constant -65536 : i32
    %and3A_86 = vector.broadcast %and3A_85 : i32 to vector<512x128xi32>
    %and3A_87 = arith.andi %get3A_82, %and3A_86 : vector<512x128xi32>
    %bitcast_convert_type3A_88 = tpu.bitcast %and3A_87 : vector<512x128xi32> -> vector<512x128xf32>
    %get3A_89 = arith.constant 0 : index
    %get3A_90 = arith.constant 0 : index
    %get3A_91 = vector.load %arg3[%get3A_89, %get3A_90] : memref<128x256xf32, #tpu.memory_space<vmem>>, vector<128x256xf32>
    %dot_general3A_92 = arith.constant dense<0.000000e+00> : vector<512x256xf32>
    %dot_general3A_93 = tpu.matmul %select_n3A_79, %get3A_91, %dot_general3A_92 {dimension_numbers = #tpu.dot_dimension_numbers<[0], [0], [1], [1], [0, 1, 1, 1], [], []>, transpose_lhs_hint = false} : vector<128x512xf32>, vector<128x256xf32>, vector<512x256xf32> -> vector<512x256xf32>
    %get3A_94 = arith.constant 0 : index
    %get3A_95 = arith.constant 0 : index
    %get3A_96 = vector.load %arg4[%get3A_94, %get3A_95] : memref<1x256xf32, #tpu.memory_space<vmem>>, vector<1x256xf32>
    %add3A = vector.broadcast %get3A_96 : vector<1x256xf32> to vector<512x256xf32>
    %add3A_97 = arith.addf %dot_general3A_93, %add3A : vector<512x256xf32>
    %concatenate3A = tpu.concatenate %bitcast_convert_type3A, %bitcast_convert_type3A_88 in 1 : vector<512x128xf32>, vector<512x128xf32> -> vector<512x256xf32>
    %add3A_98 = arith.addf %add3A_97, %concatenate3A : vector<512x256xf32>
    %swap3A = arith.constant 0 : index
    %swap3A_99 = arith.constant 0 : index
    %swap3A_100 = vector.load %arg7[%swap3A, %swap3A_99] : memref<512x256xf32, #tpu.memory_space<vmem>>, vector<512x256xf32>
    tpu.vector_store %arg7[%swap3A, %swap3A_99], %add3A_98 {strides = array<i32>} : memref<512x256xf32, #tpu.memory_space<vmem>>, vector<512x256xf32>,
    return
  }
  func.func @transform_0(%arg0: i32) -> (i32, i32) {
    %add3A = arith.constant 0 : i32
    %add3A_0 = arith.addi %arg0, %add3A : i32
    %c0_i32 = arith.constant 0 : i32
    %c0_i32_1 = arith.constant 0 : i32
    return %c0_i32, %add3A_0 : i32, i32
  }
  func.func @transform_1(%arg0: i32) -> (i32, i32) {
    %add3A = arith.constant 0 : i32
    %add3A_0 = arith.addi %arg0, %add3A : i32
    %c0_i32 = arith.constant 0 : i32
    %c0_i32_1 = arith.constant 0 : i32
    return %add3A_0, %c0_i32 : i32, i32
  }
  func.func @transform_2(%arg0: i32) -> (i32, i32) {
    %c0_i32 = arith.constant 0 : i32
    %c0_i32_0 = arith.constant 0 : i32
    %c0_i32_1 = arith.constant 0 : i32
    return %c0_i32, %c0_i32_0 : i32, i32
  }
  func.func @transform_3(%arg0: i32) -> (i32, i32) {
    %c0_i32 = arith.constant 0 : i32
    %c0_i32_0 = arith.constant 0 : i32
    %c0_i32_1 = arith.constant 0 : i32
    return %c0_i32, %c0_i32_0 : i32, i32
  }
  func.func @transform_4(%arg0: i32) -> (i32, i32) {
    %c0_i32 = arith.constant 0 : i32
    %c0_i32_0 = arith.constant 0 : i32
    %c0_i32_1 = arith.constant 0 : i32
    return %c0_i32, %c0_i32_0 : i32, i32
  }
  func.func @transform_5(%arg0: i32) -> (i32, i32) {
    %c0_i32 = arith.constant 0 : i32
    %c0_i32_0 = arith.constant 0 : i32
    %c0_i32_1 = arith.constant 0 : i32
    return %c0_i32, %c0_i32_0 : i32, i32
  }
  func.func @transform_6(%arg0: i32) -> (i32, i32) {
    %c0_i32 = arith.constant 0 : i32
    %c0_i32_0 = arith.constant 0 : i32
    return %arg0, %c0_i32 : i32, i32
  }
}

module attributes {stable_mosaic.version = 14 : i64} {
  func.func @_tc_body(%arg0: i32, %arg1: memref<19x512xi32, #tpu.memory_space<vmem>>, %arg2: memref<512x128xi32, #tpu.memory_space<vmem>>, %arg3: memref<128x256xf32, #tpu.memory_space<vmem>>, %arg4: memref<1x256xf32, #tpu.memory_space<vmem>>, %arg5: memref<128x19xf32, #tpu.memory_space<vmem>>, %arg6: memref<128x1xf32, #tpu.memory_space<vmem>>, %arg7: memref<512x256xf32, #tpu.memory_space<vmem>>) attributes {dimension_semantics = [#tpu.dimension_semantics<arbitrary>], iteration_bounds = array<i64: 12>, scalar_prefetch = 0 : i64, scratch_operands = 0 : i64, tpu.core_type = #tpu.core_type<tc>, window_params = [{transform_indices = @transform_0, window_bounds = array<i64: 19, 512>}, {transform_indices = @transform_1, window_bounds = array<i64: 512, 128>}, {pipeline_mode = #tpu.pipeline_mode<synchronous>, transform_indices = @transform_2, window_bounds = array<i64: 128, 256>}, {pipeline_mode = #tpu.pipeline_mode<synchronous>, transform_indices = @transform_3, window_bounds = array<i64: 1, 256>}, {pipeline_mode = #tpu.pipeline_mode<synchronous>, transform_indices = @transform_4, window_bounds = array<i64: 128, 19>}, {pipeline_mode = #tpu.pipeline_mode<synchronous>, transform_indices = @transform_5, window_bounds = array<i64: 128, 1>}, {transform_indices = @transform_6, window_bounds = array<i64: 512, 256>}]} {
    %get3A = arith.constant 0 : index
    %get3A_0 = arith.constant 0 : index
    %get3A_1 = vector.load %arg1[%get3A, %get3A_0] : memref<19x512xi32, #tpu.memory_space<vmem>>, vector<19x512xi32>
    %convert_element_type3A = arith.sitofp %get3A_1 : vector<19x512xi32> to vector<19x512xf32>
    %get3A_2 = arith.constant 0 : index
    %get3A_3 = arith.constant 0 : index
    %get3A_4 = vector.load %arg5[%get3A_2, %get3A_3] : memref<128x19xf32, #tpu.memory_space<vmem>>, vector<128x19xf32>
    %dot_general3A = arith.constant dense<0.000000e+00> : vector<128x512xf32>
    %dot_general3A_5 = tpu.matmul %get3A_4, %convert_element_type3A, %dot_general3A {dimension_numbers = #tpu.dot_dimension_numbers<[1], [0], [0], [1], [0, 0, 1, 1], [], []>, transpose_lhs_hint = false} : vector<128x19xf32>, vector<19x512xf32>, vector<128x512xf32> -> vector<128x512xf32>
    %slice3A = vector.extract_strided_slice %convert_element_type3A {offsets = [0, 0], sizes = [1, 512], strides = [1, 1]} : vector<19x512xf32> to vector<1x512xf32>
    %slice3A_6 = vector.extract_strided_slice %convert_element_type3A {offsets = [1, 0], sizes = [1, 512], strides = [1, 1]} : vector<19x512xf32> to vector<1x512xf32>
    %max3A = arith.constant 1.000000e+00 : f32
    %max3A_7 = vector.broadcast %max3A : f32 to vector<1x512xf32>
    %max3A_8 = arith.maximumf %slice3A_6, %max3A_7 : vector<1x512xf32>
    %div3A = arith.divf %slice3A, %max3A_8 : vector<1x512xf32>
    %jit3A = arith.constant 0.000000e+00 : f32
    %jit3A_9 = arith.constant 1.000000e+00 : f32
    %max3A_10 = vector.broadcast %jit3A : f32 to vector<1x512xf32>
    %max3A_11 = arith.maximumf %max3A_10, %div3A : vector<1x512xf32>
    %min3A = vector.broadcast %jit3A_9 : f32 to vector<1x512xf32>
    %min3A_12 = arith.minimumf %min3A, %max3A_11 : vector<1x512xf32>
    %mul3A = arith.constant 1.023000e+03 : f32
    %mul3A_13 = vector.broadcast %mul3A : f32 to vector<1x512xf32>
    %mul3A_14 = arith.mulf %mul3A_13, %min3A_12 : vector<1x512xf32>
    %convert_element_type3A_15 = arith.fptosi %mul3A_14 : vector<1x512xf32> to vector<1x512xi32>
    %slice3A_16 = vector.extract_strided_slice %get3A_1 {offsets = [2, 0], sizes = [1, 512], strides = [1, 1]} : vector<19x512xi32> to vector<1x512xi32>
    %slice3A_17 = vector.extract_strided_slice %convert_element_type3A {offsets = [15, 0], sizes = [1, 512], strides = [1, 1]} : vector<19x512xf32> to vector<1x512xf32>
    %slice3A_18 = vector.extract_strided_slice %convert_element_type3A {offsets = [16, 0], sizes = [1, 512], strides = [1, 1]} : vector<19x512xf32> to vector<1x512xf32>
    %slice3A_19 = vector.extract_strided_slice %convert_element_type3A {offsets = [17, 0], sizes = [1, 512], strides = [1, 1]} : vector<19x512xf32> to vector<1x512xf32>
    %iota3A = tpu.iota {dimensions = array<i32: 0>} : vector<128x512xi32>
    %lt3A = arith.constant 10 : i32
    %lt3A_20 = vector.broadcast %lt3A : i32 to vector<128x512xi32>
    %lt3A_21 = arith.cmpi slt, %iota3A, %lt3A_20 : vector<128x512xi32>
    %broadcast_in_dim3A = vector.shape_cast %convert_element_type3A_15 : vector<1x512xi32> to vector<1x512xi32>
    %broadcast_in_dim3A_22 = vector.broadcast %broadcast_in_dim3A : vector<1x512xi32> to vector<128x512xi32>
    %broadcast_in_dim3A_23 = vector.shape_cast %slice3A_16 : vector<1x512xi32> to vector<1x512xi32>
    %broadcast_in_dim3A_24 = vector.broadcast %broadcast_in_dim3A_23 : vector<1x512xi32> to vector<128x512xi32>
    %select_n3A = arith.select %lt3A_21, %broadcast_in_dim3A_22, %broadcast_in_dim3A_24 : vector<128x512xi1>, vector<128x512xi32>
    %lt3A_25 = arith.constant 10 : i32
    %lt3A_26 = vector.broadcast %lt3A_25 : i32 to vector<128x512xi32>
    %lt3A_27 = arith.cmpi slt, %iota3A, %lt3A_26 : vector<128x512xi32>
    %sub3A = arith.constant 11 : i32
    %sub3A_28 = vector.broadcast %sub3A : i32 to vector<128x512xi32>
    %sub3A_29 = arith.subi %iota3A, %sub3A_28 : vector<128x512xi32>
    %select_n3A_30 = arith.select %lt3A_27, %iota3A, %sub3A_29 : vector<128x512xi1>, vector<128x512xi32>
    %jit3A_31 = arith.constant 0 : i32
    %jit3A_32 = arith.constant 31 : i32
    %max3A_33 = vector.broadcast %jit3A_31 : i32 to vector<128x512xi32>
    %max3A_34 = arith.maxsi %max3A_33, %select_n3A_30 : vector<128x512xi32>
    %min3A_35 = vector.broadcast %jit3A_32 : i32 to vector<128x512xi32>
    %min3A_36 = arith.minsi %min3A_35, %max3A_34 : vector<128x512xi32>
    %shift_right_logical3A = arith.shrui %select_n3A, %min3A_36 : vector<128x512xi32>
    %and3A = arith.constant 1 : i32
    %and3A_37 = vector.broadcast %and3A : i32 to vector<128x512xi32>
    %and3A_38 = arith.andi %shift_right_logical3A, %and3A_37 : vector<128x512xi32>
    %convert_element_type3A_39 = arith.sitofp %and3A_38 : vector<128x512xi32> to vector<128x512xf32>
    %get3A_40 = arith.constant 0 : index
    %get3A_41 = arith.constant 0 : index
    %get3A_42 = vector.load %arg6[%get3A_40, %get3A_41] : memref<128x1xf32, #tpu.memory_space<vmem>>, vector<128x1xf32>
    %sub3A_43 = vector.broadcast %get3A_42 : vector<128x1xf32> to vector<128x512xf32>
    %sub3A_44 = arith.subf %dot_general3A_5, %sub3A_43 : vector<128x512xf32>
    %abs3A = math.absf %sub3A_44 : vector<128x512xf32>
    %lt3A_45 = arith.constant 5.000000e-01 : f32
    %lt3A_46 = vector.broadcast %lt3A_45 : f32 to vector<128x512xf32>
    %lt3A_47 = arith.cmpf olt, %abs3A, %lt3A_46 : vector<128x512xf32>
    %convert_element_type3A_48 = arith.extui %lt3A_47 : vector<128x512xi1> to vector<128x512xi32>
    %convert_element_type3A_49 = arith.sitofp %convert_element_type3A_48 : vector<128x512xi32> to vector<128x512xf32>
    %sub3A_50 = arith.constant 64 : i32
    %sub3A_51 = vector.broadcast %sub3A_50 : i32 to vector<128x512xi32>
    %sub3A_52 = arith.subi %iota3A, %sub3A_51 : vector<128x512xi32>
    %convert_element_type3A_53 = arith.sitofp %sub3A_52 : vector<128x512xi32> to vector<128x512xf32>
    %eq3A = vector.broadcast %slice3A_17 : vector<1x512xf32> to vector<128x512xf32>
    %eq3A_54 = arith.cmpf oeq, %eq3A, %convert_element_type3A_53 : vector<128x512xf32>
    %eq3A_55 = vector.broadcast %slice3A_18 : vector<1x512xf32> to vector<128x512xf32>
    %eq3A_56 = arith.cmpf oeq, %eq3A_55, %convert_element_type3A_53 : vector<128x512xf32>
    %or3A = arith.ori %eq3A_54, %eq3A_56 : vector<128x512xi1>
    %eq3A_57 = vector.broadcast %slice3A_19 : vector<1x512xf32> to vector<128x512xf32>
    %eq3A_58 = arith.cmpf oeq, %eq3A_57, %convert_element_type3A_53 : vector<128x512xf32>
    %or3A_59 = arith.ori %or3A, %eq3A_58 : vector<128x512xi1>
    %lt3A_60 = arith.constant 68 : i32
    %lt3A_61 = vector.broadcast %lt3A_60 : i32 to vector<128x512xi32>
    %lt3A_62 = arith.cmpi slt, %iota3A, %lt3A_61 : vector<128x512xi32>
    %and3A_63 = arith.andi %or3A_59, %lt3A_62 : vector<128x512xi1>
    %convert_element_type3A_64 = arith.extui %and3A_63 : vector<128x512xi1> to vector<128x512xi32>
    %convert_element_type3A_65 = arith.sitofp %convert_element_type3A_64 : vector<128x512xi32> to vector<128x512xf32>
    %eq3A_66 = arith.constant 10 : i32
    %eq3A_67 = vector.broadcast %eq3A_66 : i32 to vector<128x512xi32>
    %eq3A_68 = arith.cmpi eq, %iota3A, %eq3A_67 : vector<128x512xi32>
    %lt3A_69 = arith.constant 18 : i32
    %lt3A_70 = vector.broadcast %lt3A_69 : i32 to vector<128x512xi32>
    %lt3A_71 = arith.cmpi slt, %iota3A, %lt3A_70 : vector<128x512xi32>
    %lt3A_72 = arith.constant 64 : i32
    %lt3A_73 = vector.broadcast %lt3A_72 : i32 to vector<128x512xi32>
    %lt3A_74 = arith.cmpi slt, %iota3A, %lt3A_73 : vector<128x512xi32>
    %select_n3A_75 = arith.select %lt3A_74, %convert_element_type3A_49, %convert_element_type3A_65 : vector<128x512xi1>, vector<128x512xf32>
    %select_n3A_76 = arith.select %lt3A_71, %convert_element_type3A_39, %select_n3A_75 : vector<128x512xi1>, vector<128x512xf32>
    %broadcast_in_dim3A_77 = vector.shape_cast %min3A_12 : vector<1x512xf32> to vector<1x512xf32>
    %broadcast_in_dim3A_78 = vector.broadcast %broadcast_in_dim3A_77 : vector<1x512xf32> to vector<128x512xf32>
    %select_n3A_79 = arith.select %eq3A_68, %broadcast_in_dim3A_78, %select_n3A_76 : vector<128x512xi1>, vector<128x512xf32>
    %get3A_80 = arith.constant 0 : index
    %get3A_81 = arith.constant 0 : index
    %get3A_82 = vector.load %arg2[%get3A_80, %get3A_81] : memref<512x128xi32, #tpu.memory_space<vmem>>, vector<512x128xi32>
    %shift_left3A = arith.constant 16 : i32
    %shift_left3A_83 = vector.broadcast %shift_left3A : i32 to vector<512x128xi32>
    %shift_left3A_84 = arith.shli %get3A_82, %shift_left3A_83 : vector<512x128xi32>
    %bitcast_convert_type3A = tpu.bitcast %shift_left3A_84 : vector<512x128xi32> -> vector<512x128xf32>
    %and3A_85 = arith.constant -65536 : i32
    %and3A_86 = vector.broadcast %and3A_85 : i32 to vector<512x128xi32>
    %and3A_87 = arith.andi %get3A_82, %and3A_86 : vector<512x128xi32>
    %bitcast_convert_type3A_88 = tpu.bitcast %and3A_87 : vector<512x128xi32> -> vector<512x128xf32>
    %get3A_89 = arith.constant 0 : index
    %get3A_90 = arith.constant 0 : index
    %get3A_91 = vector.load %arg3[%get3A_89, %get3A_90] : memref<128x256xf32, #tpu.memory_space<vmem>>, vector<128x256xf32>
    %dot_general3A_92 = arith.constant dense<0.000000e+00> : vector<512x256xf32>
    %dot_general3A_93 = tpu.matmul %select_n3A_79, %get3A_91, %dot_general3A_92 {dimension_numbers = #tpu.dot_dimension_numbers<[0], [0], [1], [1], [0, 1, 1, 1], [], []>, transpose_lhs_hint = false} : vector<128x512xf32>, vector<128x256xf32>, vector<512x256xf32> -> vector<512x256xf32>
    %get3A_94 = arith.constant 0 : index
    %get3A_95 = arith.constant 0 : index
    %get3A_96 = vector.load %arg4[%get3A_94, %get3A_95] : memref<1x256xf32, #tpu.memory_space<vmem>>, vector<1x256xf32>
    %add3A = vector.broadcast %get3A_96 : vector<1x256xf32> to vector<512x256xf32>
    %add3A_97 = arith.addf %dot_general3A_93, %add3A : vector<512x256xf32>
    %concatenate3A = tpu.concatenate %bitcast_convert_type3A, %bitcast_convert_type3A_88 in 1 : vector<512x128xf32>, vector<512x128xf32> -> vector<512x256xf32>
    %add3A_98 = arith.addf %add3A_97, %concatenate3A : vector<512x256xf32>
    %swap3A = arith.constant 0 : index
    %swap3A_99 = arith.constant 0 : index
    %swap3A_100 = vector.load %arg7[%swap3A, %swap3A_99] : memref<512x256xf32, #tpu.memory_space<vmem>>, vector<512x256xf32>
    tpu.vector_store %arg7[%swap3A, %swap3A_99], %add3A_98 {strides = array<i32>} : memref<512x256xf32, #tpu.memory_space<vmem>>, vector<512x256xf32>,
    return
  }
  func.func @transform_0(%arg0: i32) -> (i32, i32) {
    %add3A = arith.constant 24 : i32
    %add3A_0 = arith.addi %arg0, %add3A : i32
    %c0_i32 = arith.constant 0 : i32
    %c0_i32_1 = arith.constant 0 : i32
    return %c0_i32, %add3A_0 : i32, i32
  }
  func.func @transform_1(%arg0: i32) -> (i32, i32) {
    %add3A = arith.constant 24 : i32
    %add3A_0 = arith.addi %arg0, %add3A : i32
    %c0_i32 = arith.constant 0 : i32
    %c0_i32_1 = arith.constant 0 : i32
    return %add3A_0, %c0_i32 : i32, i32
  }
  func.func @transform_2(%arg0: i32) -> (i32, i32) {
    %c0_i32 = arith.constant 0 : i32
    %c0_i32_0 = arith.constant 0 : i32
    %c0_i32_1 = arith.constant 0 : i32
    return %c0_i32, %c0_i32_0 : i32, i32
  }
  func.func @transform_3(%arg0: i32) -> (i32, i32) {
    %c0_i32 = arith.constant 0 : i32
    %c0_i32_0 = arith.constant 0 : i32
    %c0_i32_1 = arith.constant 0 : i32
    return %c0_i32, %c0_i32_0 : i32, i32
  }
  func.func @transform_4(%arg0: i32) -> (i32, i32) {
    %c0_i32 = arith.constant 0 : i32
    %c0_i32_0 = arith.constant 0 : i32
    %c0_i32_1 = arith.constant 0 : i32
    return %c0_i32, %c0_i32_0 : i32, i32
  }
  func.func @transform_5(%arg0: i32) -> (i32, i32) {
    %c0_i32 = arith.constant 0 : i32
    %c0_i32_0 = arith.constant 0 : i32
    %c0_i32_1 = arith.constant 0 : i32
    return %c0_i32, %c0_i32_0 : i32, i32
  }
  func.func @transform_6(%arg0: i32) -> (i32, i32) {
    %c0_i32 = arith.constant 0 : i32
    %c0_i32_0 = arith.constant 0 : i32
    return %arg0, %c0_i32 : i32, i32
  }
}

</mosaic_0001>

<sc_bundles>
// kernel: kernel.5.cloned.1.call-start
scs
__scs_entry_jumppad:
0x0: {  	(pc) =	sbr.rel $0x88, $3  }
0x1: {  	(tag) =	ssettag $0x0;
	lr =	simm.s32 $0x1  }
0x2: {  	[smem:$0x3F95] =	sst lr;
	_ =	strace $0xD0000000  }
0x3: {  	_ = 	snop  }
0x4: {  	_ = 	snop  }
0x5: {  	_ = 	snop  }
0x6: {  	_ = 	snop  }
0x7: {  	_ = 	snop  }
__scs_overlays_trampoline_lowered:
0x8: {  	[smem:$0x3FA4] =	sst s0  }
0x9: {  	[smem:$0x3FA5] =	sst s1  }
0xa: {  	[smem:$0x3FA6] =	sst s2  }
0xb: {  	[smem:$0x3FA7] =	sst s3  }
0xc: {  	[smem:$0x3FA8] =	sst s4  }
0xd: {  	[smem:$0x3FA9] =	sst s5  }
0xe: {  	[smem:$0x3FAA] =	sst s6  }
0xf: {  	[smem:$0x3FAB] =	sst s7  }
0x10: {  	[smem:$0x3FAC] =	sst s8  }
0x11: {  	[smem:$0x3FAD] =	sst s9;
	s0 =	simm.s32 @!p0 $0x0  }
0x12: {  	s1 =	sld [smem:$0x3F93];
	s0 =	simm.s32 @p0 $0x1  }
0x13: {  	[smem:$0x3FAE] =	sst s0;
	s0 =	simm.s32 @!p1 $0x0  }
0x14: {  	s2 =	sld [smem:$0x3F92];
	s0 =	simm.s32 @p1 $0x1  }
0x15: {  	[smem:$0x3FAF] =	sst s0;
	s0 =	simm.s32 @!p2 $0x0  }
0x16: {  	s3 =	sld [smem:$0x3FDB];
	s0 =	simm.s32 @p2 $0x1  }
0x17: {  	s4 =	simm.s32 $0x1BF5;
	[smem:$0x3FB1] =	sst s0  }
0x18: {  	s0 =	sld [smem:$0x3F94];
	_ =	swait.ge [sflag:s4], $0x0  }
0x19: {  	s7 =	sld [smem:$0x3F95]  }
0x1a: {  	s8 =	sadd.s32 $0xFFFFE003, lr  }
0x1b: {  	s9 =	sadd.s32 $0xFFFFFEF7, lr;
	s5 =	simm.s32 $0xFFFFFFFF;
	p2 =	slt.u32 s8, $0xFFFFF086  }
0x1c: {  	p1 =	slt.u32 s9, $0xF7A;
	s5 =	simm.s32 @!p2 $0x0  }
0x1d: {  	s5 =	simm.s32 @p1 $0x1;
	p0 =	seq.s32 s7, s2  }
0x1e: {  	s7 =	smul.u32 @!p0 $0xF7A, s2;
	p2 =	seq.s32 @!p0 s5, $0x0  }
0x1f: {  	s9 =	smul.u32 $0xF7A, s1;
	s8 =	simm.s32 @!p0 $0x1BF5;
	p2 =	por !p2, p0  }
0x20: {  	[sflag:s8] =	ssyncset.s32 @!p0 $0xFFFFF086;
	s6 =	sadd.s32 @!p0 s3, s7;
	s7 =	simm.s32 @!p0 $0x108  }
0x21: {  	s3 =	sadd.s32 s3, s9;
	s6 =	sadd.s32 @!p0 $0x88, s6;
	s7 =	simm.s32 @p2 $0x1082  }
0x22: {  	[simem:s7], [sflag:s8] =	dma.local @!p0 [hbm:s6], $0xF7A  }
0x23: {  	s9 =	sor.u32 $0xD0000000, s2;
	s6 =	simm.s32 $0x108;
	_ =	swait.ge @!p0 [sflag:s8], $0x0  }
0x24: {  	s3 =	sadd.s32 $0x88, s3;
	s6 =	simm.s32 @!p1 $0x1082;
	[sflag:s4] =	ssyncset.s32 $0xFFFFF086  }
0x25: {  	[simem:s6], [sflag:s4] =	dma.local [hbm:s3], $0xF7A  }
0x26: {  	[smem:$0x3F95] =	sst s1;
	(tag) =	ssettag s2;
	_ =	strace s9  }
0x27: {  	s1 =	sld [smem:$0x3FA5]  }
0x28: {  	s2 =	sld [smem:$0x3FA6]  }
0x29: {  	s4 =	sld [smem:$0x3FA8]  }
0x2a: {  	p0 =	seq.s32 s5, $0x0;
	s5 =	sld [smem:$0x3FA9]  }
0x2b: {  	s6 =	sld [smem:$0x3FAA]  }
0x2c: {  	s7 =	sld [smem:$0x3FAB]  }
0x2d: {  	s3 =	simm.s32 $0x108;
	s8 =	sld [smem:$0x3FAC]  }
0x2e: {  	s3 =	simm.s32 @!p0 $0x1082;
	s9 =	sld [smem:$0x3FAD]  }
0x2f: {  	lr =	sadd.s32 s0, s3;
	s0 =	sld [smem:$0x3FA4]  }
0x30: {  	s3 =	sld [smem:$0x3FA7]  }
0x31: {  	[smem:$0x3FB0] =	sst s10  }
0x32: {  	s10 =	sld [smem:$0x3FAE];
	_ =	sdelay $0x3  }
0x33: {  	p0 =	seq.s32 s10, $0x1;
	s10 =	sld [smem:$0x3FB0];
	_ =	sdelay $0x3  }
0x34: {  	[smem:$0x3FB0] =	sst s10  }
0x35: {  	s10 =	sld [smem:$0x3FAF];
	_ =	sdelay $0x3  }
0x36: {  	p1 =	seq.s32 s10, $0x1;
	s10 =	sld [smem:$0x3FB0];
	_ =	sdelay $0x3  }
0x37: {  	[smem:$0x3FB0] =	sst s10  }
0x38: {  	s10 =	sld [smem:$0x3FB1]  }
0x39: {  	_ = 	snop;
	(pc) =	sbr.ind lr, $3  }
0x3a: {  	_ = 	snop  }
0x3b: {  	_ = 	snop  }
0x3c: {  	p2 =	seq.s32 s10, $0x1;
	s10 =	sld [smem:$0x3FB0]  }
0x3d: {  	_ =	shalt  }
0x3e: {  	_ =	shalt  }
0x3f: {  	_ =	shalt  }
0x40: {  	_ =	shalt  }
0x41: {  	_ =	shalt  }
0x42: {  	_ =	shalt  }
0x43: {  	_ =	shalt  }
0x44: {  	_ =	shalt  }
0x45: {  	_ =	shalt  }
0x46: {  	_ =	shalt  }
0x47: {  	_ =	shalt  }
0x48: {  	_ =	shalt  }
0x49: {  	_ =	shalt  }
0x4a: {  	_ =	shalt  }
0x4b: {  	_ =	shalt  }
0x4c: {  	_ =	shalt  }
0x4d: {  	_ =	shalt  }
0x4e: {  	_ =	shalt  }
0x4f: {  	_ =	shalt  }
0x50: {  	_ =	shalt  }
0x51: {  	_ =	shalt  }
0x52: {  	_ =	shalt  }
0x53: {  	_ =	shalt  }
0x54: {  	_ =	shalt  }
0x55: {  	_ =	shalt  }
0x56: {  	_ =	shalt  }
0x57: {  	_ =	shalt  }
0x58: {  	_ =	shalt  }
0x59: {  	_ =	shalt  }
0x5a: {  	_ =	shalt  }
0x5b: {  	_ =	shalt  }
0x5c: {  	_ =	shalt  }
0x5d: {  	_ =	shalt  }
0x5e: {  	_ =	shalt  }
0x5f: {  	_ =	shalt  }
0x60: {  	_ =	shalt  }
0x61: {  	_ =	shalt  }
0x62: {  	_ =	shalt  }
0x63: {  	_ =	shalt  }
0x64: {  	_ =	shalt  }
0x65: {  	_ =	shalt  }
0x66: {  	_ =	shalt  }
0x67: {  	_ =	shalt  }
0x68: {  	_ =	shalt  }
0x69: {  	_ =	shalt  }
0x6a: {  	_ =	shalt  }
0x6b: {  	_ =	shalt  }
0x6c: {  	_ =	shalt  }
0x6d: {  	_ =	shalt  }
0x6e: {  	_ =	shalt  }
0x6f: {  	_ =	shalt  }
0x70: {  	_ =	shalt  }
0x71: {  	_ =	shalt  }
0x72: {  	_ =	shalt  }
0x73: {  	_ =	shalt  }
0x74: {  	_ =	shalt  }
0x75: {  	_ =	shalt  }
0x76: {  	_ =	shalt  }
0x77: {  	_ =	shalt  }
0x78: {  	_ =	shalt  }
0x79: {  	_ =	shalt  }
0x7a: {  	_ =	shalt  }
0x7b: {  	_ =	shalt  }
0x7c: {  	_ =	shalt  }
0x7d: {  	_ =	shalt  }
0x7e: {  	_ =	shalt  }
0x7f: {  	_ =	shalt  }
0x80: {  	_ =	shalt  }
0x81: {  	_ =	shalt  }
0x82: {  	_ =	shalt  }
0x83: {  	_ =	shalt  }
0x84: {  	_ =	shalt  }
0x85: {  	_ =	shalt  }
0x86: {  	_ =	shalt  }
0x87: {  	_ =	shalt  }
.Lfunc_end0:
.L_simem_size_0:
called_computation_lowered:
.L_overlay_start_0:
0x88: {  	s2 =	sld [smem:$0x3FD9]  }
0x89: {  	s3 =	sld [smem:$0x3FFE];
	_ =	sdelay $0x1  }
0x8a: {  	s1 =	srdreg.scid  }
0x8b: {  	s0 =	sand.u32 $0x1, s1  }
0x8c: {  	s14 =	sshll.u32 s0, $0xA;
	s2 =	sadd.s32 s3, s2  }
0x8d: {  	s2 =	sadd.s32 s2, s14  }
0x8e: {  	[smem:$0x3FBC] =	sst s2  }
0x8f: {  	_ = 	snop  }
0x90: {  	s2 =	sld [smem:$0x3FD0];
	_ =	sdelay $0x2  }
0x91: {  	s15 =	simm.s32 $0xA;
	s4 =	simm.s32 $0x10  }
0x92: {  	[smem:s4], [sflag:s15] =	dma.local [hbm:s2], $0x1  }
0x93: {  	_ =	swait.eq [sflag:s15], $0x1  }
0x94: {  	[sflag:s15] =	ssyncset.done $0x0  }
0x95: {  	s16 =	sld [smem:$0x10];
	[sflag:s15] =	ssyncadd.s32 $0xFFFFFFFF  }
0x96: {  	s17 =	sld [smem:$0x11];
	(tm) =	ssettm $0x1  }
0x97: {  	s18 =	sld [smem:$0x3FFB];
	_ =	sdelay $0x3  }
0x98: {  	_ =	strace s18  }
0x99: {  	s4 =	sld [smem:$0x3FFC];
	_ =	sdelay $0x3  }
0x9a: {  	_ =	strace s4  }
0x9b: {  	s4 =	sld [smem:$0x3FFD];
	_ =	sdelay $0x3  }
0x9c: {  	_ =	strace s4  }
0x9d: {  	_ =	strace $0x8FFFFFFF  }
0x9e: {  	s19 =	sld [smem:$0x3FDB];
	_ =	sdelay $0x1  }
0x9f: {  	s5 =	simm.s32 $_scs_section_size  }
0xa0: {  	s6 =	simm.s32 $_size__tile_overlayer_lowered;
	s7 =	simm.s32 $_tile_overlayer_lowered  }
0xa1: {  	s22 =	simm.s32 $0x1BFF;
	s21 =	sshll.u32 s7, $0x1;
	s4 =	sadd.s32 s5, s19  }
0xa2: {  	s8 =	simm.s32 $0x0;
	s20 =	sshll.u32 s6, $0x1;
	s6 =	sadd.s32 s21, s4  }
0xa3: {  	[timem:s8], [sflag:s22] =	dma.local [hbm:s6], s20  }
0xa4: {  	_ =	swait.ge [sflag:s22], s20  }
0xa5: {  	s5 =	ssub.s32 $0x0, s20;
	[sflag:s22] =	ssyncset.done $0x0  }
0xa6: {  	[sflag:s22] =	ssyncadd.s32 s5;
	_ =	sdelay $0x1  }
0xa7: {  	s23 =	simm.s32 $0x1B8B  }
0xa8: {  	_ =	swait.ge [sflag:s23], $0x1  }
0xa9: {  	[sflag:s23] =	ssyncset.done $0x0  }
0xaa: {  	s25 =	simm.s32 $0x1B8E;
	s24 =	sld [smem:$0x3FFE];
	[sflag:s23] =	ssyncadd.s32 $0xFFFFFFFF  }
0xab: {  	s26 =	simm.s32 $execute0_lowered;
	[smem:$0x3FD2] =	sst s25  }
0xac: {  	s6 =	sshll.u32 s26, $0x1;
	_ =	strace $0x80000046;
	[dreg:$0x1] =	wrdreg $0xFFFFFFFF  }
0xad: {  	s28 =	simm.s32 $_size_execute0_lowered;
	s4 =	sadd.s32 s4, s6;
	[dreg:$0x0] =	wrdreg $0x0  }
0xae: {  	s6 =	sshll.u32 s28, $0x1;
	[dreg:$0x2] =	wrdreg s4  }
0xaf: {  	[dreg:$0x3] =	wrdreg s6  }
0xb0: {  	[dreg:$0x4] =	wrdreg $0xC0  }
0xb1: {  	_ =	task [dreg:s8], $0x5FFFF  }
0xb2: {  	[dreg:$0x1] =	wrdreg $0xFFFFFFFF  }
0xb3: {  	[dreg:$0x0] =	wrdreg $0x60  }
0xb4: {  	[dreg:$0x2] =	wrdreg s17  }
0xb5: {  	[dreg:$0x3] =	wrdreg s24  }
0xb6: {  	[dreg:$0x4] =	wrdreg s16  }
0xb7: {  	[dreg:$0x5] =	wrdreg $0x9  }
0xb8: {  	_ =	task.clear_ibuf [dreg:s8], $0x6FFFF;
	_ =	strace $0x90000046  }
0xb9: {  	s29 =	simm.s32 $0x9;
	_ =	strace $0x80000048  }
0xba: {  	_ =	swait.ge [sflag:s29], $0x1  }
0xbb: {  	[sflag:s29] =	ssyncadd.s32 $0xFFFFFFFF  }
0xbc: {  	_ =	strace $0x90000048  }
0xbd: {  	_ =	sfence  }
0xbe: {  	s30 =	sld [smem:$0x0];
	_ =	sdelay $0x2  }
0xbf: {  	s31 =	sshll.u32 s1, $0xD;
	s1 =	sshrl.u32 s1, $0x2  }
0xc0: {  	s3 =	sand.u32 $0x4000, s31;
	s1 =	sadd.s32 s1, s30  }
0xc1: {  	s0 =	sor.u32 s3, s0;
	s1 =	sshll.u32 s1, $0x11  }
0xc2: {  	s0 =	sor.u32 s1, s0  }
0xc3: {  	s0 =	sadd.s32 $0x8F2B, s0  }
0xc4: {  	[sflag:s0] =	ssyncadd.remote.s32 $0x1  }
0xc5: {  	_ =	sfence.sel $0xFFFF  }
0xc6: {  	[dreg:$0x0] =	wrdreg $0xFFFFFFFF;
	(pc) =	sbr.abs _section_cstart, $3  }
0xc7: {  	[dreg:$0x1] =	wrdreg $0xFFFFFFFF  }
0xc8: {  	_ =	task.clear_ibuf [dreg:s8], $0x2FFFF;
	_ =	strace $0x9FFFFFFF  }
0xc9: {  	(tm) =	ssettm $0x7FFFFFFF  }
tec
execute0_lowered:
.L_overlay_start_1:
0x0: {  	(tag) =	ssettag $0x1  }
0x1: {  	s1 =	rddreg [dreg:$0x0]  }
0x2: {  	s0 =	rddreg [dreg:$0x1];
	s2 =	srdreg.scid  }
0x3: {  	s4 =	stileid.u32;
	s3 =	rddreg [dreg:$0x2];
	s9 =	simm.s32 $0x3  }
0x4: {  	s10 =	simm.s32 $0x30;
	s11 =	simm.s32 $0x1400;
	s13 =	simm.s32 $0x2C00  }
0x5: {  	s14 =	simm.s32 $0x1;
	s2 =	sand.u32 $0x1, s2;
	s4 =	sshll.u32 s4, $0x1  }
0x6: {  	s15 =	simm.s32 $0x4400;
	s16 =	simm.s32 $0x2;
	s5 =	sor.u32 s2, s4  }
0x7: {  	s17 =	simm.s32 $0x4C00;
	s18 =	simm.s32 $0x0;
	s6 =	smul.u32 $0x280, s5  }
.Ltmp0:
0x8: {  	s4 =	simm.s32 $0x0;
	s2 =	ssub.s32 $0x2, s2;
	(pc) =	sbr.rel .LBB2_1-.Ltmp0, $4  }
0x9: {  	[smem:$0x7FF] =	sst s4;
	s7 =	sshrl.u32 s2, $0x1;
	s8 =	smul.u32 $0x2400, s5  }
0xa: {  	_ =	strace $0x80000047;
	s2 =	ssub.s32 s2, s7;
	s0 =	sadd.s32 s6, s0  }
0xb: {  	s6 =	smul.u32 $0x12000, s5;
	s31 =	sadd.s32 s8, s3;
	s0 =	sadd.s32 $0x2000, s0  }
0xc: {  	s7 =	smax.u32 s2, $0x1;
	s8 =	sadd.s32 $0x100, s31;
	[dreg:$0x4] =	wrdreg s0  }
.LBB2_12:
0xd: {  	s18 =	sadd.s32 $0x1, s18  }
0xe: {  	_ =	swait.ge [sflag:s16], $0x800;
	p0 =	sne.s32 s18, s7  }
.Ltmp1:
0xf: {  	[sflag:s16] =	ssyncset.done $0x0;
	(pc) =	sbr.rel @!p0 .LBB2_13-.Ltmp1, $4  }
0x10: {  	[sflag:s16] =	ssyncadd.s32 $0xFFFFF800  }
0x11: {  	_ =	swait.ge [sflag:s16], $0x800  }
0x12: {  	[sflag:s16] =	ssyncset.done $0x0  }
0x13: {  	[sflag:s16] =	ssyncadd.s32 $0xFFFFF800  }
.LBB2_1:
0x14: {  	s0 =	rddreg [dreg:$0x4]  }
0x15: {  	[tilespmem:s4], [sflag:$0x3] =	stream.linear.gather [hbm4b:s0+s4], $0x1200, $0x38;
	[tilespmem:$0x5400] =	vst v63  }
0x16: {  	_ =	swait.ge [sflag:s9], $0x1200  }
0x17: {  	[sflag:s9] =	ssyncset.done $0x0  }
0x18: {  	[sflag:s9] =	ssyncadd.s32 $0xFFFFEE00  }
0x19: {  	[tilespmem:s11], [sflag:$0x1] =	stream.indirect.gather [hbm4b:s1+s10], $0x80, s4, s10, $0xb8;
	[tilespmem:$0x5400] =	vst v63  }
0x1a: {  	s31 =	simm.s32 $0x80;
	s19 =	simm.s32 $0x0  }
0x1b: {  	[tilespmem:s13], [sflag:$0x1] =	stream.indirect.gather [hbm4b:s1+s10], $0x80, s31, s10, $0xb8;
	[tilespmem:$0x5400] =	vst v63  }
.LBB2_2:
0x1c: {  	_ =	swait.ge [sflag:s14], $0x1800  }
0x1d: {  	p0 =	seq.s32 s19, $0x0;
	[sflag:s14] =	ssyncset.done $0x0  }
0x1e: {  	s0 =	simm.s32 @!p0 $0x2;
	[sflag:s14] =	ssyncadd.s32 $0xFFFFE800  }
0x1f: {  	_ =	swait.ge @!p0 [sflag:s0], $0x800  }
0x20: {  	[sflag:s0] =	ssyncset.done @!p0 $0x0  }
0x21: {  	s5 =	simm.s32 $0x14C0;
	[sflag:s0] =	ssyncadd.s32 @!p0 $0xFFFFF800  }
0x22: {  	v0 =	vld [tilespmem:s5+$0xFFFFFF40]  }
0x23: {  	v1 =	vld [tilespmem:s5+$0xFFFFFFC0];
	_ =	sdelay $0x1  }
0x24: {  	v2 =	vld [tilespmem:s5+$0x40]  }
0x25: {  	s30 =	simm.s32 $0x1640  }
0x26: {  	v5 =	vld [tilespmem:s30+$0xFFFFFFC0];
	v3 =	vshll.u32 v0, $0x10  }
0x27: {  	v0 =	vand.u32 $0xFFFF0000, v0;
	v4 =	vand.u32 $0xFFFF0000, v1;
	v1 =	vshll.u32 v1, $0x10  }
0x28: {  	v0 =	vadd.f32 v4, v0;
	v1 =	vadd.f32 v1, v3;
	v3 =	vld [tilespmem:s30+$0xFFFFFF40]  }
0x29: {  	v4 =	vshll.u32 v2, $0x10;
	v2 =	vand.u32 $0xFFFF0000, v2  }
0x2a: {  	v0 =	vadd.f32 v2, v0;
	v1 =	vadd.f32 v4, v1;
	v2 =	vld [tilespmem:s30+$0x40]  }
0x2b: {  	v4 =	vand.u32 $0xFFFF0000, v5  }
0x2c: {  	v5 =	vshll.u32 v5, $0x10;
	v0 =	vand.u32 $0xFFFF0000, v0;
	v1 =	vshrl.u32 v1, $0x10  }
0x2d: {  	s21 =	simm.s32 $0x0;
	v0 =	vor.u32 v0, v1;
	v1 =	vshll.u32 v3, $0x10;
	v3 =	vand.u32 $0xFFFF0000, v3  }
0x2e: {  	[tilespmem:s21+$0x4400] =	vst v0;
	v0 =	vadd.f32 v4, v3;
	v1 =	vadd.f32 v5, v1  }
0x2f: {  	v3 =	vld [tilespmem:s5+$0xFFFFFF50];
	v4 =	vshll.u32 v2, $0x10;
	v2 =	vand.u32 $0xFFFF0000, v2  }
0x30: {  	v5 =	vld [tilespmem:s5+$0xFFFFFFD0];
	v0 =	vadd.f32 v2, v0;
	v1 =	vadd.f32 v4, v1;
	_ =	sdelay $0x1  }
0x31: {  	v2 =	vld [tilespmem:s5+$0x50];
	v0 =	vand.u32 $0xFFFF0000, v0;
	v1 =	vshrl.u32 v1, $0x10  }
0x32: {  	s22 =	simm.s32 $0x80;
	v0 =	vor.u32 v0, v1  }
0x33: {  	[tilespmem:s22+$0x4400] =	vst v0  }
0x34: {  	v0 =	vshll.u32 v3, $0x10;
	v1 =	vshll.u32 v5, $0x10;
	v4 =	vld [tilespmem:s30+$0xFFFFFF50]  }
0x35: {  	v0 =	vadd.f32 v1, v0;
	v1 =	vld [tilespmem:s30+$0xFFFFFFD0]  }
0x36: {  	v3 =	vand.u32 $0xFFFF0000, v3;
	v5 =	vand.u32 $0xFFFF0000, v5;
	v6 =	vshll.u32 v2, $0x10  }
0x37: {  	s24 =	simm.s32 $0x17C0;
	v3 =	vadd.f32 v5, v3;
	v5 =	vld [tilespmem:s30+$0x50];
	v0 =	vadd.f32 v6, v0  }
0x38: {  	v2 =	vand.u32 $0xFFFF0000, v2;
	v6 =	vld [tilespmem:s24+$0xFFFFFF40]  }
0x39: {  	v7 =	vld [tilespmem:s24+$0xFFFFFFC0];
	v2 =	vadd.f32 v2, v3;
	v0 =	vshrl.u32 v0, $0x10;
	v3 =	vshll.u32 v4, $0x10  }
0x3a: {  	v4 =	vand.u32 $0xFFFF0000, v4;
	v8 =	vshll.u32 v1, $0x10;
	v1 =	vand.u32 $0xFFFF0000, v1  }
0x3b: {  	v2 =	vand.u32 $0xFFFF0000, v2;
	v3 =	vadd.f32 v8, v3;
	v1 =	vadd.f32 v1, v4;
	v4 =	vld [tilespmem:s24+$0x40]  }
0x3c: {  	v0 =	vor.u32 v2, v0;
	v2 =	vshll.u32 v5, $0x10;
	v5 =	vand.u32 $0xFFFF0000, v5  }
0x3d: {  	[tilespmem:s21+$0x4410] =	vst v0;
	v0 =	vand.u32 $0xFFFF0000, v6;
	v2 =	vadd.f32 v2, v3;
	v1 =	vadd.f32 v5, v1  }
0x3e: {  	v3 =	vshll.u32 v6, $0x10;
	v5 =	vand.u32 $0xFFFF0000, v7;
	v6 =	vshll.u32 v7, $0x10  }
0x3f: {  	v7 =	vld [tilespmem:s5+$0xFFFFFF60];
	v0 =	vadd.f32 v5, v0;
	v3 =	vadd.f32 v6, v3  }
0x40: {  	v5 =	vld [tilespmem:s5+$0xFFFFFFE0];
	v2 =	vshrl.u32 v2, $0x10;
	v6 =	vshll.u32 v4, $0x10;
	v4 =	vand.u32 $0xFFFF0000, v4  }
0x41: {  	v1 =	vand.u32 $0xFFFF0000, v1;
	v0 =	vadd.f32 v4, v0;
	v3 =	vadd.f32 v6, v3  }
0x42: {  	v1 =	vor.u32 v1, v2;
	v4 =	vld [tilespmem:s5+$0x60]  }
0x43: {  	[tilespmem:s22+$0x4410] =	vst v1;
	v0 =	vand.u32 $0xFFFF0000, v0;
	v1 =	vshrl.u32 v3, $0x10  }
0x44: {  	s23 =	simm.s32 $0x100;
	v2 =	vshll.u32 v7, $0x10;
	v6 =	vand.u32 $0xFFFF0000, v7;
	v7 =	vld [tilespmem:s30+$0xFFFFFFE0];
	v0 =	vor.u32 v0, v1  }
0x45: {  	v3 =	vld [tilespmem:s30+$0xFFFFFF60];
	v1 =	vshll.u32 v5, $0x10;
	v5 =	vand.u32 $0xFFFF0000, v5;
	[tilespmem:s23+$0x4400] =	vst v0  }
0x46: {  	v0 =	vadd.f32 v1, v2;
	v1 =	vadd.f32 v5, v6;
	v2 =	vld [tilespmem:s24+$0xFFFFFF50]  }
0x47: {  	v5 =	vshll.u32 v4, $0x10;
	v4 =	vand.u32 $0xFFFF0000, v4;
	v6 =	vld [tilespmem:s24+$0xFFFFFFD0]  }
0x48: {  	s26 =	simm.s32 $0x1940;
	v0 =	vadd.f32 v5, v0;
	v1 =	vadd.f32 v4, v1;
	v4 =	vld [tilespmem:s24+$0x50]  }
0x49: {  	v5 =	vld [tilespmem:s26+$0xFFFFFF40];
	v8 =	vshll.u32 v7, $0x10  }
0x4a: {  	v7 =	vand.u32 $0xFFFF0000, v7;
	v0 =	vshrl.u32 v0, $0x10;
	v1 =	vand.u32 $0xFFFF0000, v1  }
0x4b: {  	v9 =	vld [tilespmem:s26+$0xFFFFFFC0];
	v0 =	vor.u32 v1, v0;
	v1 =	vshll.u32 v3, $0x10;
	v3 =	vand.u32 $0xFFFF0000, v3  }
0x4c: {  	v10 =	vshll.u32 v2, $0x10;
	v11 =	vshll.u32 v6, $0x10;
	v1 =	vadd.f32 v8, v1  }
0x4d: {  	v2 =	vand.u32 $0xFFFF0000, v2;
	v6 =	vand.u32 $0xFFFF0000, v6;
	v8 =	vadd.f32 v11, v10;
	v10 =	vld [tilespmem:s26+$0x40]  }
0x4e: {  	[tilespmem:s21+$0x4420] =	vst v0;
	v11 =	vld [tilespmem:s30+$0x60];
	v12 =	vshll.u32 v4, $0x10;
	v2 =	vadd.f32 v6, v2;
	v0 =	vand.u32 $0xFFFF0000, v5  }
0x4f: {  	v4 =	vand.u32 $0xFFFF0000, v4;
	v6 =	vadd.f32 v12, v8;
	v8 =	vshll.u32 v5, $0x10  }
0x50: {  	v47 =	vld [tilespmem:s5+$0xFFFFFF70];
	v5 =	vand.u32 $0xFFFF0000, v9;
	v9 =	vshll.u32 v9, $0x10;
	v2 =	vadd.f32 v4, v2  }
0x51: {  	v0 =	vadd.f32 v5, v0;
	v5 =	vadd.f32 v9, v8;
	v9 =	vld [tilespmem:s5+$0xFFFFFFF0];
	v6 =	vshrl.u32 v6, $0x10  }
0x52: {  	v2 =	vand.u32 $0xFFFF0000, v2;
	v4 =	vshll.u32 v10, $0x10;
	v8 =	vand.u32 $0xFFFF0000, v10  }
0x53: {  	v10 =	vshll.u32 v11, $0x10;
	v0 =	vadd.f32 v8, v0;
	v4 =	vadd.f32 v4, v5  }
0x54: {  	v3 =	vadd.f32 v7, v3;
	v2 =	vor.u32 v2, v6;
	v5 =	vld [tilespmem:s5+$0x70];
	v1 =	vadd.f32 v10, v1  }
0x55: {  	[tilespmem:s23+$0x4410] =	vst v2;
	v2 =	vshll.u32 v47, $0x10;
	v0 =	vand.u32 $0xFFFF0000, v0;
	v4 =	vshrl.u32 v4, $0x10  }
0x56: {  	v10 =	vld [tilespmem:s24+$0xFFFFFFE0];
	v6 =	vshll.u32 v9, $0x10;
	v7 =	vand.u32 $0xFFFF0000, v9;
	v9 =	vand.u32 $0xFFFF0000, v11  }
0x57: {  	s25 =	simm.s32 $0x180;
	v8 =	vand.u32 $0xFFFF0000, v47;
	v0 =	vor.u32 v0, v4;
	v4 =	vld [tilespmem:s24+$0xFFFFFF60];
	v3 =	vadd.f32 v9, v3  }
0x58: {  	[tilespmem:s25+$0x4400] =	vst v0;
	v0 =	vadd.f32 v6, v2;
	v2 =	vadd.f32 v7, v8  }
0x59: {  	v1 =	vshrl.u32 v1, $0x10;
	v6 =	vand.u32 $0xFFFF0000, v5;
	v5 =	vshll.u32 v5, $0x10;
	v7 =	vld [tilespmem:s26+$0xFFFFFF50]  }
0x5a: {  	v3 =	vand.u32 $0xFFFF0000, v3;
	v0 =	vadd.f32 v5, v0;
	v5 =	vld [tilespmem:s26+$0xFFFFFFD0];
	v2 =	vadd.f32 v6, v2  }
0x5b: {  	v9 =	vld [tilespmem:s26+$0x50];
	v11 =	vshll.u32 v10, $0x10;
	v1 =	vor.u32 v3, v1  }
0x5c: {  	v6 =	vld [tilespmem:s24+$0x60];
	v8 =	vshll.u32 v4, $0x10;
	v0 =	vshrl.u32 v0, $0x10;
	v2 =	vand.u32 $0xFFFF0000, v2  }
0x5d: {  	[tilespmem:s22+$0x4420] =	vst v1;
	v4 =	vand.u32 $0xFFFF0000, v4;
	v0 =	vor.u32 v2, v0;
	v2 =	vand.u32 $0xFFFF0000, v10  }
0x5e: {  	v49 =	vld [tilespmem:s30+$0xFFFFFF70];
	v8 =	vadd.f32 v11, v8;
	v10 =	vshll.u32 v7, $0x10;
	[tilespmem:s21+$0x4430] =	vst v0;
	v0 =	vand.u32 $0xFFFF0000, v7  }
0x5f: {  	v2 =	vadd.f32 v2, v4;
	v7 =	vshll.u32 v5, $0x10;
	v5 =	vand.u32 $0xFFFF0000, v5;
	v11 =	vld [tilespmem:s5+$0xFFFFFF80]  }
0x60: {  	v7 =	vadd.f32 v7, v10;
	v0 =	vadd.f32 v5, v0;
	v5 =	vld [tilespmem:s5+$0x0]  }
0x61: {  	v4 =	vshll.u32 v9, $0x10;
	v9 =	vand.u32 $0xFFFF0000, v9;
	v48 =	vshll.u32 v6, $0x10  }
0x62: {  	s29 =	simm.s32 $0x1AC0;
	v6 =	vand.u32 $0xFFFF0000, v6;
	v10 =	vld [tilespmem:s5+$0x80];
	v4 =	vadd.f32 v4, v7;
	v0 =	vadd.f32 v9, v0  }
0x63: {  	v3 =	vadd.f32 v48, v8;
	v2 =	vadd.f32 v6, v2;
	v8 =	vld [tilespmem:s29+$0xFFFFFFC0];
	v14 =	vshll.u32 v49, $0x10  }
0x64: {  	v6 =	vld [tilespmem:s29+$0xFFFFFF40];
	v4 =	vshrl.u32 v4, $0x10;
	v0 =	vand.u32 $0xFFFF0000, v0;
	v7 =	vshll.u32 v11, $0x10  }
0x65: {  	v11 =	vand.u32 $0xFFFF0000, v11;
	v9 =	vshll.u32 v5, $0x10;
	v5 =	vand.u32 $0xFFFF0000, v5  }
0x66: {  	v12 =	vand.u32 $0xFFFF0000, v49;
	v0 =	vor.u32 v0, v4;
	v4 =	vld [tilespmem:s29+$0x40];
	v1 =	vadd.f32 v5, v11  }
0x67: {  	v5 =	vadd.f32 v9, v7;
	[tilespmem:s25+$0x4410] =	vst v0;
	v0 =	vshll.u32 v10, $0x10;
	v9 =	vand.u32 $0xFFFF0000, v10  }
0x68: {  	v11 =	vand.u32 $0xFFFF0000, v8;
	v8 =	vshll.u32 v8, $0x10;
	v10 =	vld [tilespmem:s26+$0xFFFFFF60];
	v1 =	vadd.f32 v9, v1  }
0x69: {  	v0 =	vadd.f32 v0, v5;
	v5 =	vshll.u32 v6, $0x10;
	v9 =	vld [tilespmem:s26+$0xFFFFFFE0];
	v6 =	vand.u32 $0xFFFF0000, v6  }
0x6a: {  	v6 =	vadd.f32 v11, v6;
	v5 =	vadd.f32 v8, v5;
	v1 =	vand.u32 $0xFFFF0000, v1  }
0x6b: {  	v11 =	vld [tilespmem:s30+$0xFFFFFFF0];
	v8 =	vshll.u32 v4, $0x10;
	v4 =	vand.u32 $0xFFFF0000, v4;
	v0 =	vshrl.u32 v0, $0x10  }
0x6c: {  	v7 =	vld [tilespmem:s30+$0x70];
	v4 =	vadd.f32 v4, v6;
	v5 =	vadd.f32 v8, v5;
	v0 =	vor.u32 v1, v0  }
0x6d: {  	v3 =	vshrl.u32 v3, $0x10;
	v6 =	vshll.u32 v10, $0x10;
	[tilespmem:s21+$0x4440] =	vst v0;
	v0 =	vld [tilespmem:s26+$0x60];
	v10 =	vand.u32 $0xFFFF0000, v10  }
0x6e: {  	v8 =	vshll.u32 v9, $0x10;
	v4 =	vand.u32 $0xFFFF0000, v4;
	v5 =	vshrl.u32 v5, $0x10  }
0x6f: {  	s28 =	simm.s32 $0x200;
	v13 =	vld [tilespmem:s5+$0x10];
	v9 =	vand.u32 $0xFFFF0000, v9;
	v4 =	vor.u32 v4, v5;
	v6 =	vadd.f32 v8, v6  }
0x70: {  	v5 =	vld [tilespmem:s5+$0xFFFFFF90];
	v8 =	vadd.f32 v9, v10;
	[tilespmem:s28+$0x4400] =	vst v4;
	v4 =	vshll.u32 v11, $0x10;
	v11 =	vand.u32 $0xFFFF0000, v11  }
0x71: {  	v2 =	vand.u32 $0xFFFF0000, v2;
	v9 =	vld [tilespmem:s5+$0x90];
	v4 =	vadd.f32 v4, v14;
	v11 =	vadd.f32 v11, v12  }
0x72: {  	v1 =	vand.u32 $0xFFFF0000, v7;
	v7 =	vshll.u32 v7, $0x10;
	v15 =	vld [tilespmem:s29+$0xFFFFFF50];
	v10 =	vshll.u32 v0, $0x10  }
0x73: {  	v0 =	vand.u32 $0xFFFF0000, v0;
	v4 =	vadd.f32 v7, v4;
	v7 =	vld [tilespmem:s29+$0xFFFFFFD0];
	v1 =	vadd.f32 v1, v11  }
0x74: {  	v2 =	vor.u32 v2, v3;
	v3 =	vadd.f32 v10, v6;
	v0 =	vadd.f32 v0, v8;
	v6 =	vld [tilespmem:s29+$0x50]  }
0x75: {  	v8 =	vshll.u32 v5, $0x10;
	v5 =	vand.u32 $0xFFFF0000, v5;
	v4 =	vshrl.u32 v4, $0x10  }
0x76: {  	v1 =	vand.u32 $0xFFFF0000, v1;
	v3 =	vshrl.u32 v3, $0x10;
	v0 =	vand.u32 $0xFFFF0000, v0  }
0x77: {  	v1 =	vor.u32 v1, v4;
	v4 =	vshll.u32 v13, $0x10;
	v10 =	vshll.u32 v15, $0x10  }
0x78: {  	v11 =	vand.u32 $0xFFFF0000, v15;
	[tilespmem:s22+$0x4430] =	vst v1;
	v1 =	vadd.f32 v4, v8;
	v4 =	vshll.u32 v9, $0x10  }
0x79: {  	v8 =	vshll.u32 v7, $0x10;
	v50 =	vld [tilespmem:s30+$0xFFFFFF80];
	v7 =	vand.u32 $0xFFFF0000, v7;
	v51 =	vshll.u32 v6, $0x10  }
0x7a: {  	v8 =	vadd.f32 v8, v10;
	v10 =	vld [tilespmem:s30+$0x0];
	v7 =	vadd.f32 v7, v11;
	v11 =	vand.u32 $0xFFFF0000, v13  }
0x7b: {  	v6 =	vand.u32 $0xFFFF0000, v6;
	v1 =	vadd.f32 v4, v1;
	v5 =	vadd.f32 v11, v5  }
0x7c: {  	v52 =	vld [tilespmem:s30+$0x80];
	v8 =	vadd.f32 v51, v8;
	v6 =	vadd.f32 v6, v7;
	v7 =	vand.u32 $0xFFFF0000, v9  }
0x7d: {  	s31 =	simm.s32 $0x1C40;
	v0 =	vor.u32 v0, v3;
	v1 =	vshrl.u32 v1, $0x10;
	v4 =	vadd.f32 v7, v5  }
0x7e: {  	v53 =	vld [tilespmem:s31+$0xFFFFFFC0];
	v5 =	vshrl.u32 v8, $0x10;
	v7 =	vshll.u32 v50, $0x10;
	v11 =	vand.u32 $0xFFFF0000, v50  }
0x7f: {  	v6 =	vand.u32 $0xFFFF0000, v6;
	v8 =	vshll.u32 v10, $0x10;
	v9 =	vand.u32 $0xFFFF0000, v10;
	v10 =	vld [tilespmem:s31+$0xFFFFFF40]  }
0x80: {  	[tilespmem:s23+$0x4420] =	vst v2;
	v2 =	vor.u32 v6, v5;
	v9 =	vadd.f32 v9, v11;
	v7 =	vadd.f32 v8, v7;
	v8 =	vld [tilespmem:s31+$0x40]  }
0x81: {  	v5 =	vshll.u32 v52, $0x10;
	v6 =	vand.u32 $0xFFFF0000, v52;
	v4 =	vand.u32 $0xFFFF0000, v4;
	v11 =	vld [tilespmem:s24+$0x70];
	[tilespmem:s28+$0x4410] =	vst v2  }
0x82: {  	v1 =	vor.u32 v4, v1;
	v3 =	vld [tilespmem:s29+$0xFFFFFF60];
	v2 =	vadd.f32 v6, v9;
	v5 =	vadd.f32 v5, v7  }
0x83: {  	[tilespmem:s21+$0x4450] =	vst v1;
	v6 =	vld [tilespmem:s29+$0xFFFFFFE0]  }
0x84: {  	v16 =	vld [tilespmem:s5+$0xA0];
	v2 =	vand.u32 $0xFFFF0000, v2;
	v5 =	vshrl.u32 v5, $0x10  }
0x85: {  	v9 =	vand.u32 $0xFFFF0000, v53;
	v56 =	vld [tilespmem:s5+$0x20];
	v4 =	vshll.u32 v10, $0x10;
	v2 =	vor.u32 v2, v5  }
0x86: {  	v5 =	vld [tilespmem:s24+$0xFFFFFF70];
	v7 =	vshll.u32 v8, $0x10;
	v1 =	vand.u32 $0xFFFF0000, v8;
	v8 =	vshll.u32 v53, $0x10  }
0x87: {  	v54 =	vand.u32 $0xFFFF0000, v11;
	[tilespmem:s22+$0x4440] =	vst v2;
	v2 =	vand.u32 $0xFFFF0000, v10;
	v10 =	vld [tilespmem:s29+$0x60];
	v4 =	vadd.f32 v8, v4  }
0x88: {  	v11 =	vshll.u32 v11, $0x10;
	v8 =	vld [tilespmem:s5+$0xFFFFFFA0];
	v2 =	vadd.f32 v9, v2;
	v55 =	vshll.u32 v6, $0x10  }
0x89: {  	v9 =	vld [tilespmem:s30+$0xFFFFFF90];
	v6 =	vand.u32 $0xFFFF0000, v6;
	v60 =	vshll.u32 v16, $0x10;
	v4 =	vadd.f32 v7, v4  }
0x8a: {  	v57 =	vld [tilespmem:s30+$0x10];
	v1 =	vadd.f32 v1, v2;
	v2 =	vshll.u32 v3, $0x10;
	v3 =	vand.u32 $0xFFFF0000, v3  }
0x8b: {  	v14 =	vand.u32 $0xFFFF0000, v56;
	v7 =	vld [tilespmem:s24+$0xFFFFFFF0];
	v2 =	vadd.f32 v55, v2;
	v3 =	vadd.f32 v6, v3  }
0x8c: {  	v4 =	vshrl.u32 v4, $0x10;
	v1 =	vand.u32 $0xFFFF0000, v1;
	v58 =	vshll.u32 v10, $0x10  }
0x8d: {  	v6 =	vand.u32 $0xFFFF0000, v10;
	v10 =	vshll.u32 v5, $0x10;
	v5 =	vand.u32 $0xFFFF0000, v5  }
0x8e: {  	v2 =	vadd.f32 v58, v2;
	v1 =	vor.u32 v1, v4;
	v3 =	vadd.f32 v6, v3  }
0x8f: {  	s2 =	simm.s32 $0x280;
	v4 =	vshll.u32 v9, $0x10;
	v6 =	vshll.u32 v56, $0x10;
	v17 =	vshll.u32 v57, $0x10  }
0x90: {  	[tilespmem:s2+$0x4400] =	vst v1;
	v1 =	vshll.u32 v8, $0x10;
	v59 =	vshll.u32 v7, $0x10;
	v8 =	vand.u32 $0xFFFF0000, v8  }
0x91: {  	v7 =	vand.u32 $0xFFFF0000, v7;
	v2 =	vshrl.u32 v2, $0x10;
	v1 =	vadd.f32 v6, v1  }
0x92: {  	v6 =	vld [tilespmem:s31+$0xFFFFFF50];
	v10 =	vadd.f32 v59, v10;
	v3 =	vand.u32 $0xFFFF0000, v3;
	v5 =	vadd.f32 v7, v5  }
0x93: {  	v7 =	vld [tilespmem:s30+$0x90];
	v2 =	vor.u32 v3, v2;
	v3 =	vadd.f32 v14, v8;
	v1 =	vadd.f32 v60, v1  }
0x94: {  	v8 =	vand.u32 $0xFFFF0000, v16;
	v10 =	vadd.f32 v11, v10;
	v11 =	vld [tilespmem:s31+$0xFFFFFFD0];
	v5 =	vadd.f32 v54, v5  }
0x95: {  	v62 =	vadd.f32 v17, v4;
	v3 =	vadd.f32 v8, v3  }
0x96: {  	v1 =	vshrl.u32 v1, $0x10;
	v8 =	vshrl.u32 v10, $0x10;
	v10 =	vld [tilespmem:s31+$0x50];
	v4 =	vand.u32 $0xFFFF0000, v5  }
0x97: {  	v61 =	vshll.u32 v6, $0x10;
	v6 =	vand.u32 $0xFFFF0000, v6;
	v3 =	vand.u32 $0xFFFF0000, v3  }
0x98: {  	[tilespmem:s25+$0x4420] =	vst v0;
	v0 =	vor.u32 v4, v8;
	v5 =	vshll.u32 v7, $0x10;
	v8 =	vand.u32 $0xFFFF0000, v9  }
0x99: {  	v3 =	vor.u32 v3, v1;
	v1 =	vld [tilespmem:s26+$0x70];
	[tilespmem:s23+$0x4430] =	vst v0;
	v0 =	vshll.u32 v11, $0x10;
	v4 =	vand.u32 $0xFFFF0000, v11  }
0x9a: {  	v11 =	vld [tilespmem:s24+$0x0];
	v9 =	vadd.f32 v0, v61;
	v4 =	vadd.f32 v4, v6;
	v0 =	vand.u32 $0xFFFF0000, v57  }
0x9b: {  	[tilespmem:s28+$0x4420] =	vst v2;
	v6 =	vld [tilespmem:s24+$0xFFFFFF80];
	v2 =	vshll.u32 v10, $0x10;
	v10 =	vand.u32 $0xFFFF0000, v10;
	v8 =	vadd.f32 v0, v8  }
0x9c: {  	v7 =	vand.u32 $0xFFFF0000, v7;
	[tilespmem:s21+$0x4460] =	vst v3;
	v2 =	vadd.f32 v2, v9;
	v9 =	vadd.f32 v10, v4;
	v4 =	vld [tilespmem:s24+$0x80]  }
0x9d: {  	v10 =	vadd.f32 v5, v62;
	v5 =	vld [tilespmem:s5+$0xFFFFFFB0];
	v8 =	vadd.f32 v7, v8  }
0x9e: {  	v3 =	vld [tilespmem:s5+$0x30];
	v2 =	vshrl.u32 v2, $0x10;
	v7 =	vand.u32 $0xFFFF0000, v9  }
0x9f: {  	s20 =	sshll.u32 s19, $0xA;
	v0 =	vld [tilespmem:s29+$0x70];
	v63 =	vor.u32 v7, v2;
	v7 =	vshrl.u32 v10, $0x10;
	v9 =	vand.u32 $0xFFFF0000, v8  }
0xa0: {  	s12 =	simm.s32 $0xC00;
	s0 =	simm.s32 $0x1DC0;
	v2 =	vld [tilespmem:s5+$0xB0];
	v8 =	vshll.u32 v6, $0x10;
	v10 =	vshll.u32 v11, $0x10;
	v11 =	vand.u32 $0xFFFF0000, v11;
	[tilespmem:s2+$0x4410] =	vst v63  }
.LBB2_3:
0xa1: {  	v12 =	vld [tilespmem:s0+$0xFFFFFF40];
	p1 =	sne.s32 s12, $0x1E00;
	v13 =	vshll.u32 v4, $0x10;
	v6 =	vand.u32 $0xFFFF0000, v6;
	v7 =	vor.u32 v9, v7;
	s5 =	smov.u32 s12;
	s12 =	sadd.s32 $0x200, s12  }
0xa2: {  	v4 =	vand.u32 $0xFFFF0000, v4;
	v9 =	vld [tilespmem:s0+$0xFFFFFFC0];
	v6 =	vadd.f32 v11, v6;
	[tilespmem:s22+$0x4450] =	vst v7;
	v7 =	vshll.u32 v5, $0x10  }
0xa3: {  	v8 =	vadd.f32 v10, v8;
	v10 =	vshll.u32 v3, $0x10;
	v5 =	vand.u32 $0xFFFF0000, v5;
	v11 =	vld [tilespmem:s0+$0x40]  }
0xa4: {  	v14 =	vld [tilespmem:s31+$0xFFFFFF60];
	v4 =	vadd.f32 v4, v6;
	v6 =	vadd.f32 v10, v7  }
0xa5: {  	v7 =	vadd.f32 v13, v8;
	v10 =	vshll.u32 v2, $0x10;
	v8 =	vld [tilespmem:s30+$0xA0]  }
0xa6: {  	v3 =	vand.u32 $0xFFFF0000, v3;
	v4 =	vand.u32 $0xFFFF0000, v4;
	v6 =	vadd.f32 v10, v6  }
0xa7: {  	v3 =	vadd.f32 v3, v5;
	v2 =	vand.u32 $0xFFFF0000, v2;
	v7 =	vshrl.u32 v7, $0x10  }
0xa8: {  	v5 =	vshll.u32 v12, $0x10;
	v4 =	vor.u32 v4, v7;
	v10 =	vld [tilespmem:s31+$0xFFFFFFE0]  }
0xa9: {  	v2 =	vadd.f32 v2, v3;
	v7 =	vshll.u32 v11, $0x10;
	v11 =	vand.u32 $0xFFFF0000, v11;
	v13 =	vld [tilespmem:s26+$0xFFFFFF70];
	[tilespmem:s23+$0x4440] =	vst v4  }
0xaa: {  	v3 =	vand.u32 $0xFFFF0000, v12;
	v6 =	vshrl.u32 v6, $0x10;
	v4 =	vand.u32 $0xFFFF0000, v9;
	v12 =	vld [tilespmem:s24+$0x10]  }
0xab: {  	v15 =	vand.u32 $0xFFFF0000, v1;
	v2 =	vand.u32 $0xFFFF0000, v2;
	v3 =	vadd.f32 v4, v3;
	v4 =	vld [tilespmem:s31+$0x60]  }
0xac: {  	v16 =	vshll.u32 v1, $0x10;
	v1 =	vmovc v0;
	v9 =	vshll.u32 v9, $0x10;
	v2 =	vor.u32 v2, v6;
	v17 =	vld [tilespmem:s24+$0xFFFFFF90]  }
0xad: {  	v0 =	vadd.f32 v9, v5;
	v5 =	vshll.u32 v14, $0x10;
	v3 =	vadd.f32 v11, v3;
	v6 =	vld [tilespmem:s30+$0xFFFFFFA0];
	[tilespmem:s21+$0x4470] =	vst v2;
	s21 =	smov.u32 s22;
	s22 =	smov.u32 s23;
	s23 =	smov.u32 s25  }
0xae: {  	v9 =	vand.u32 $0xFFFF0000, v14;
	v2 =	vshll.u32 v10, $0x10;
	v10 =	vand.u32 $0xFFFF0000, v10;
	s25 =	smov.u32 s28;
	s28 =	smov.u32 s2  }
0xaf: {  	v0 =	vadd.f32 v7, v0;
	s2 =	sshra.s32 s5, $0x2;
	v3 =	vand.u32 $0xFFFF0000, v3;
	v2 =	vadd.f32 v2, v5  }
0xb0: {  	v7 =	vadd.f32 v10, v9;
	v5 =	vshll.u32 v4, $0x10;
	v4 =	vand.u32 $0xFFFF0000, v4;
	v9 =	vld [tilespmem:s30+$0x20]  }
0xb1: {  	v0 =	vshrl.u32 v0, $0x10;
	v10 =	vshll.u32 v13, $0x10;
	v2 =	vadd.f32 v5, v2;
	v5 =	vld [tilespmem:s26+$0xFFFFFFF0]  }
0xb2: {  	v0 =	vor.u32 v3, v0;
	v3 =	vadd.f32 v4, v7;
	v4 =	vshll.u32 v17, $0x10  }
0xb3: {  	v7 =	vshll.u32 v8, $0x10;
	[tilespmem:s2+$0x4400] =	vst v0;
	v0 =	vshrl.u32 v2, $0x10;
	v2 =	vshll.u32 v12, $0x10  }
0xb4: {  	v14 =	vshll.u32 v6, $0x10;
	v6 =	vand.u32 $0xFFFF0000, v6;
	v3 =	vand.u32 $0xFFFF0000, v3;
	v11 =	vld [tilespmem:s0+$0xFFFFFF50]  }
0xb5: {  	v0 =	vor.u32 v3, v0;
	v3 =	vshll.u32 v9, $0x10;
	v9 =	vand.u32 $0xFFFF0000, v9  }
0xb6: {  	[tilespmem:s28+$0x4420] =	vst v0;
	v18 =	vshll.u32 v5, $0x10;
	v5 =	vand.u32 $0xFFFF0000, v5;
	v3 =	vadd.f32 v3, v14  }
0xb7: {  	v13 =	vand.u32 $0xFFFF0000, v13;
	v6 =	vadd.f32 v9, v6;
	v0 =	vld [tilespmem:s31+$0x70];
	v10 =	vadd.f32 v18, v10  }
0xb8: {  	v5 =	vadd.f32 v5, v13;
	v3 =	vadd.f32 v7, v3;
	v7 =	vand.u32 $0xFFFF0000, v8  }
0xb9: {  	v8 =	vshll.u32 v11, $0x10;
	v9 =	vand.u32 $0xFFFF0000, v11;
	v10 =	vadd.f32 v16, v10;
	v11 =	vld [tilespmem:s24+$0x90]  }
0xba: {  	v5 =	vadd.f32 v15, v5;
	v6 =	vadd.f32 v7, v6;
	v13 =	vld [tilespmem:s0+$0xFFFFFFD0];
	v3 =	vshrl.u32 v3, $0x10  }
0xbb: {  	v2 =	vadd.f32 v2, v4;
	v7 =	vshrl.u32 v10, $0x10  }
0xbc: {  	v4 =	vand.u32 $0xFFFF0000, v5;
	v5 =	vand.u32 $0xFFFF0000, v6;
	v10 =	vld [tilespmem:s0+$0x50]  }
0xbd: {  	v4 =	vor.u32 v4, v7;
	v3 =	vor.u32 v5, v3  }
0xbe: {  	[tilespmem:s23+$0x4430] =	vst v4;
	v7 =	vshll.u32 v11, $0x10  }
0xbf: {  	v5 =	vshll.u32 v13, $0x10;
	v6 =	vand.u32 $0xFFFF0000, v13;
	v4 =	vld [tilespmem:s26+$0x80];
	v13 =	vand.u32 $0xFFFF0000, v17  }
0xc0: {  	v5 =	vadd.f32 v5, v8;
	v8 =	vadd.f32 v6, v9;
	v14 =	vld [tilespmem:s26+$0x0];
	v9 =	vand.u32 $0xFFFF0000, v12;
	[tilespmem:s21+$0x4460] =	vst v3  }
0xc1: {  	v3 =	vshll.u32 v10, $0x10;
	v10 =	vand.u32 $0xFFFF0000, v10;
	v6 =	vld [tilespmem:s26+$0xFFFFFF80];
	v9 =	vadd.f32 v9, v13  }
.Ltmp2:
0xc2: {  	v12 =	vadd.f32 v3, v5;
	v8 =	vadd.f32 v10, v8;
	v3 =	vand.u32 $0xFFFF0000, v11;
	v5 =	vld [tilespmem:s30+$0xFFFFFFB0];
	(pc) =	sbr.rel @p1 .LBB2_3-.Ltmp2, $4  }
0xc3: {  	v7 =	vadd.f32 v7, v2;
	v9 =	vadd.f32 v3, v9;
	v3 =	vld [tilespmem:s30+$0x30]  }
0xc4: {  	v10 =	vshrl.u32 v12, $0x10;
	v8 =	vand.u32 $0xFFFF0000, v8;
	v2 =	vld [tilespmem:s30+$0xB0];
	s30 =	smov.u32 s24;
	s24 =	smov.u32 s26;
	s26 =	smov.u32 s29  }
0xc5: {  	v7 =	vshrl.u32 v7, $0x10;
	s29 =	smov.u32 s31;
	s31 =	smov.u32 s0;
	v8 =	vor.u32 v8, v10;
	v9 =	vand.u32 $0xFFFF0000, v9  }
0xc6: {  	s0 =	sadd.s32 $0x180, s0;
	v10 =	vshll.u32 v14, $0x10;
	v11 =	vand.u32 $0xFFFF0000, v14;
	[tilespmem:s2+$0x4410] =	vst v8;
	v8 =	vshll.u32 v6, $0x10  }
0xc7: {  	v6 =	vand.u32 $0xFFFF0000, v6  }
0xc8: {  	v12 =	vshll.u32 v4, $0x10;
	v7 =	vor.u32 v9, v7;
	v57 =	vand.u32 $0xFFFF0000, v4;
	v58 =	vld [tilespmem:s31+$0xFFFFFF60]  }
0xc9: {  	v8 =	vadd.f32 v10, v8;
	v59 =	vshll.u32 v5, $0x10;
	v61 =	vld [tilespmem:s31+$0xFFFFFFE0];
	v62 =	vand.u32 $0xFFFF0000, v5  }
0xca: {  	v63 =	vld [tilespmem:s26+$0xFFFFFF70];
	v22 =	vand.u32 $0xFFFF0000, v1;
	v6 =	vadd.f32 v11, v6;
	v60 =	vshll.u32 v3, $0x10  }
0xcb: {  	v13 =	vld [tilespmem:s26+$0xFFFFFFF0];
	v23 =	vshll.u32 v1, $0x10;
	v19 =	vand.u32 $0xFFFF0000, v3;
	v10 =	vadd.f32 v60, v59  }
0xcc: {  	v21 =	vld [tilespmem:s31+$0x60];
	v8 =	vadd.f32 v12, v8;
	v18 =	vshll.u32 v2, $0x10;
	v4 =	vadd.f32 v57, v6  }
0xcd: {  	v56 =	vld [tilespmem:s29+$0xFFFFFF70];
	v3 =	vadd.f32 v19, v62;
	v20 =	vand.u32 $0xFFFF0000, v2;
	v10 =	vadd.f32 v18, v10  }
0xce: {  	[tilespmem:s22+$0x4450] =	vst v7;
	v8 =	vshrl.u32 v8, $0x10;
	v4 =	vand.u32 $0xFFFF0000, v4;
	v24 =	vshll.u32 v58, $0x10  }
0xcf: {  	v25 =	vld [tilespmem:s30+$0xFFFFFFA0];
	v14 =	vshll.u32 v61, $0x10;
	v9 =	vand.u32 $0xFFFF0000, v58;
	v6 =	vand.u32 $0xFFFF0000, v61  }
0xd0: {  	v26 =	vld [tilespmem:s30+$0x20];
	v27 =	vshll.u32 v63, $0x10;
	v16 =	vshll.u32 v13, $0x10;
	v28 =	vand.u32 $0xFFFF0000, v13  }
0xd1: {  	v15 =	vld [tilespmem:s30+$0xA0];
	v11 =	vand.u32 $0xFFFF0000, v63;
	v30 =	vshll.u32 v21, $0x10;
	v5 =	vand.u32 $0xFFFF0000, v21  }
0xd2: {  	v21 =	vshll.u32 v56, $0x10;
	v4 =	vor.u32 v4, v8;
	v8 =	vadd.f32 v14, v24  }
0xd3: {  	v6 =	vadd.f32 v6, v9;
	v9 =	vadd.f32 v16, v27;
	v2 =	vshrl.u32 v10, $0x10  }
0xd4: {  	v27 =	vand.u32 $0xFFFF0000, v0;
	[tilespmem:s23+$0x4440] =	vst v4;
	v4 =	vadd.f32 v28, v11;
	v32 =	vshll.u32 v25, $0x10  }
0xd5: {  	v12 =	vand.u32 $0xFFFF0000, v25;
	v33 =	vshll.u32 v26, $0x10;
	v14 =	vand.u32 $0xFFFF0000, v26  }
0xd6: {  	v58 =	vld [tilespmem:s29+$0xFFFFFFF0];
	v34 =	vshll.u32 v15, $0x10;
	v1 =	vadd.f32 v23, v9;
	v7 =	vadd.f32 v33, v32  }
0xd7: {  	v35 =	vand.u32 $0xFFFF0000, v15;
	v12 =	vadd.f32 v14, v12;
	v38 =	vadd.f32 v30, v8  }
0xd8: {  	v28 =	vshll.u32 v0, $0x10;
	v31 =	vld [tilespmem:s24+$0xFFFFFF90];
	v5 =	vadd.f32 v5, v6;
	v4 =	vadd.f32 v22, v4  }
0xd9: {  	v29 =	vld [tilespmem:s24+$0x10];
	v14 =	vand.u32 $0xFFFF0000, v56;
	v1 =	vshrl.u32 v1, $0x10;
	v7 =	vadd.f32 v34, v7  }
0xda: {  	v37 =	vadd.f32 v35, v12;
	v5 =	vand.u32 $0xFFFF0000, v5;
	v4 =	vand.u32 $0xFFFF0000, v4  }
0xdb: {  	v36 =	vld [tilespmem:s24+$0x90];
	v23 =	vshll.u32 v58, $0x10;
	v24 =	vand.u32 $0xFFFF0000, v58;
	v1 =	vor.u32 v4, v1  }
0xdc: {  	v11 =	vadd.f32 v23, v21;
	v25 =	vadd.f32 v24, v14;
	v41 =	vshrl.u32 v7, $0x10;
	[tilespmem:s25+$0x4430] =	vst v1  }
0xdd: {  	v43 =	vand.u32 $0xFFFF0000, v37;
	v4 =	vshrl.u32 v38, $0x10;
	v39 =	vshll.u32 v31, $0x10;
	v44 =	vld [tilespmem:s26+$0x0]  }
0xde: {  	v40 =	vshll.u32 v29, $0x10;
	v1 =	vor.u32 v43, v41;
	v45 =	vand.u32 $0xFFFF0000, v31;
	v47 =	vld [tilespmem:s26+$0xFFFFFF80]  }
0xdf: {  	v46 =	vand.u32 $0xFFFF0000, v29;
	v0 =	vadd.f32 v28, v11;
	v42 =	vadd.f32 v40, v39;
	v49 =	vld [tilespmem:s26+$0x80];
	[tilespmem:s22+$0x4460] =	vst v1  }
0xe0: {  	v48 =	vshll.u32 v36, $0x10;
	v31 =	vadd.f32 v27, v25;
	v8 =	vadd.f32 v46, v45;
	v51 =	vld [tilespmem:s30+$0xFFFFFFB0]  }
0xe1: {  	v50 =	vand.u32 $0xFFFF0000, v36;
	v4 =	vor.u32 v5, v4;
	v53 =	vld [tilespmem:s30+$0x30];
	v6 =	vadd.f32 v48, v42  }
0xe2: {  	[tilespmem:s2+$0x4420] =	vst v4;
	v5 =	vld [tilespmem:s30+$0xB0];
	v0 =	vshrl.u32 v0, $0x10;
	v35 =	vand.u32 $0xFFFF0000, v31;
	v52 =	vadd.f32 v50, v8  }
0xe3: {  	v1 =	vadd.f32 v20, v3;
	v26 =	vld [tilespmem:s31+$0xFFFFFF70];
	v0 =	vor.u32 v35, v0;
	v6 =	vshrl.u32 v6, $0x10  }
0xe4: {  	v29 =	vld [tilespmem:s31+$0xFFFFFFF0];
	v7 =	vand.u32 $0xFFFF0000, v52;
	v54 =	vshll.u32 v47, $0x10;
	v55 =	vshll.u32 v44, $0x10  }
0xe5: {  	v9 =	vand.u32 $0xFFFF0000, v44;
	v57 =	vshll.u32 v49, $0x10;
	v12 =	vand.u32 $0xFFFF0000, v47  }
0xe6: {  	v32 =	vld [tilespmem:s31+$0x70];
	v6 =	vor.u32 v7, v6;
	v60 =	vand.u32 $0xFFFF0000, v49;
	v59 =	vadd.f32 v9, v12  }
0xe7: {  	[tilespmem:s28+$0x4430] =	vst v0;
	v61 =	vshll.u32 v51, $0x10;
	v10 =	vadd.f32 v55, v54;
	v62 =	vshll.u32 v53, $0x10  }
0xe8: {  	v42 =	vld [tilespmem:s29+$0xFFFFFF80];
	v3 =	vand.u32 $0xFFFF0000, v51;
	v20 =	vshll.u32 v5, $0x10;
	v8 =	vand.u32 $0xFFFF0000, v53  }
0xe9: {  	v43 =	vld [tilespmem:s29+$0x0];
	v37 =	vshll.u32 v26, $0x10;
	v39 =	vshll.u32 v29, $0x10;
	v40 =	vand.u32 $0xFFFF0000, v29  }
0xea: {  	v48 =	vld [tilespmem:s29+$0x80];
	[tilespmem:s23+$0x4450] =	vst v6;
	v13 =	vand.u32 $0xFFFF0000, v26;
	v63 =	vadd.f32 v62, v61;
	v3 =	vadd.f32 v8, v3  }
0xeb: {  	v44 =	vand.u32 $0xFFFF0000, v32;
	v22 =	vld [tilespmem:s24+$0xFFFFFFA0];
	v0 =	vadd.f32 v39, v37;
	v13 =	vadd.f32 v40, v13  }
0xec: {  	v12 =	vshll.u32 v32, $0x10;
	v30 =	vld [tilespmem:s24+$0x20];
	v7 =	vadd.f32 v60, v59;
	v19 =	vadd.f32 v57, v10  }
0xed: {  	v33 =	vld [tilespmem:s24+$0xA0];
	v0 =	vadd.f32 v12, v0;
	v45 =	vadd.f32 v44, v13;
	v50 =	vshll.u32 v42, $0x10  }
0xee: {  	v51 =	vshll.u32 v43, $0x10;
	v14 =	vand.u32 $0xFFFF0000, v43;
	v8 =	vand.u32 $0xFFFF0000, v42  }
0xef: {  	v54 =	vand.u32 $0xFFFF0000, v48;
	v7 =	vand.u32 $0xFFFF0000, v7;
	v6 =	vshrl.u32 v19, $0x10  }
0xf0: {  	v8 =	vadd.f32 v14, v8;
	v6 =	vor.u32 v7, v6;
	v0 =	vshrl.u32 v0, $0x10  }
0xf1: {  	v12 =	vand.u32 $0xFFFF0000, v45;
	[tilespmem:s25+$0x4440] =	vst v6;
	v34 =	vshll.u32 v22, $0x10;
	v4 =	vand.u32 $0xFFFF0000, v22  }
0xf2: {  	v41 =	vshll.u32 v30, $0x10;
	v16 =	vand.u32 $0xFFFF0000, v30;
	v47 =	vshll.u32 v33, $0x10;
	v36 =	vld [tilespmem:s26+$0xFFFFFF90]  }
0xf3: {  	v0 =	vor.u32 v12, v0;
	v38 =	vld [tilespmem:s26+$0x10];
	v6 =	vadd.f32 v41, v34;
	v4 =	vadd.f32 v16, v4  }
0xf4: {  	v7 =	vand.u32 $0xFFFF0000, v33;
	v8 =	vadd.f32 v54, v8;
	[tilespmem:s2+$0x4430] =	vst v0;
	v0 =	vadd.f32 v51, v50  }
0xf5: {  	v53 =	vshll.u32 v48, $0x10;
	v52 =	vld [tilespmem:s31+$0xFFFFFF80];
	v6 =	vadd.f32 v47, v6;
	v4 =	vadd.f32 v7, v4  }
0xf6: {  	v9 =	vadd.f32 v20, v63;
	v55 =	vld [tilespmem:s31+$0x0];
	v0 =	vadd.f32 v53, v0  }
0xf7: {  	v56 =	vld [tilespmem:s26+$0x90];
	v8 =	vand.u32 $0xFFFF0000, v8;
	v6 =	vshrl.u32 v6, $0x10;
	v4 =	vand.u32 $0xFFFF0000, v4  }
0xf8: {  	v58 =	vld [tilespmem:s31+$0x80];
	v0 =	vshrl.u32 v0, $0x10;
	v46 =	vshll.u32 v36, $0x10;
	v49 =	vshll.u32 v38, $0x10  }
0xf9: {  	v10 =	vand.u32 $0xFFFF0000, v36;
	v11 =	vand.u32 $0xFFFF0000, v38;
	v0 =	vor.u32 v8, v0  }
0xfa: {  	v57 =	vadd.f32 v49, v46;
	v10 =	vadd.f32 v11, v10;
	v59 =	vshll.u32 v52, $0x10  }
0xfb: {  	[tilespmem:s28+$0x4440] =	vst v0;
	v60 =	vshll.u32 v55, $0x10;
	v61 =	vand.u32 $0xFFFF0000, v55;
	v12 =	vand.u32 $0xFFFF0000, v52  }
0xfc: {  	v62 =	vshll.u32 v56, $0x10;
	v63 =	vld [tilespmem:s29+$0xFFFFFF90];
	v11 =	vadd.f32 v61, v12;
	v0 =	vadd.f32 v60, v59  }
0xfd: {  	v20 =	vshll.u32 v58, $0x10;
	v13 =	vand.u32 $0xFFFF0000, v58;
	v19 =	vld [tilespmem:s29+$0x10];
	v7 =	vadd.f32 v62, v57  }
0xfe: {  	v14 =	vand.u32 $0xFFFF0000, v56;
	v11 =	vadd.f32 v13, v11;
	v0 =	vadd.f32 v20, v0  }
0xff: {  	v4 =	vor.u32 v4, v6;
	v22 =	vld [tilespmem:s29+$0x90];
	v21 =	vadd.f32 v14, v10  }
0x100: {  	[tilespmem:s23+$0x4460] =	vst v4;
	v23 =	vshrl.u32 v7, $0x10;
	v24 =	vand.u32 $0xFFFF0000, v11;
	v0 =	vshrl.u32 v0, $0x10  }
0x101: {  	v25 =	vld [tilespmem:s24+$0xFFFFFFB0];
	v6 =	vand.u32 $0xFFFF0000, v21;
	v26 =	vshll.u32 v63, $0x10;
	v0 =	vor.u32 v24, v0  }
0x102: {  	v27 =	vld [tilespmem:s24+$0x30];
	v28 =	vshll.u32 v19, $0x10;
	v29 =	vand.u32 $0xFFFF0000, v63;
	v8 =	vand.u32 $0xFFFF0000, v19;
	[tilespmem:s2+$0x4440] =	vst v0  }
0x103: {  	v30 =	vor.u32 v6, v23;
	v31 =	vadd.f32 v28, v26;
	v32 =	vadd.f32 v8, v29;
	v33 =	vld [tilespmem:s31+$0xFFFFFF90]  }
0x104: {  	v1 =	vand.u32 $0xFFFF0000, v1;
	[tilespmem:s25+$0x4450] =	vst v30;
	v34 =	vshll.u32 v22, $0x10;
	v35 =	vand.u32 $0xFFFF0000, v22;
	v36 =	vld [tilespmem:s31+$0x10]  }
0x105: {  	v5 =	vand.u32 $0xFFFF0000, v5;
	v37 =	vld [tilespmem:s26+$0xA0];
	v0 =	vadd.f32 v34, v31;
	v38 =	vadd.f32 v35, v32  }
0x106: {  	v1 =	vor.u32 v1, v2;
	v3 =	vadd.f32 v5, v3;
	v39 =	vshrl.u32 v9, $0x10;
	v40 =	vld [tilespmem:s31+$0x90]  }
0x107: {  	v42 =	vshll.u32 v25, $0x10;
	v41 =	vld [tilespmem:s26+$0xFFFFFFA0];
	v0 =	vshrl.u32 v0, $0x10;
	v4 =	vand.u32 $0xFFFF0000, v38  }
0x108: {  	v46 =	vshll.u32 v27, $0x10;
	v43 =	vld [tilespmem:s26+$0x20];
	v0 =	vor.u32 v4, v0;
	v44 =	vshll.u32 v33, $0x10  }
0x109: {  	v45 =	vshll.u32 v36, $0x10;
	v8 =	vand.u32 $0xFFFF0000, v33;
	v10 =	vand.u32 $0xFFFF0000, v36;
	[tilespmem:s28+$0x4450] =	vst v0  }
0x10a: {  	v11 =	vand.u32 $0xFFFF0000, v25;
	v47 =	vadd.f32 v45, v44;
	v48 =	vadd.f32 v10, v8;
	v50 =	vld [tilespmem:s29+$0xFFFFFFA0]  }
0x10b: {  	v53 =	vshll.u32 v37, $0x10;
	v51 =	vshll.u32 v40, $0x10;
	v5 =	vand.u32 $0xFFFF0000, v40;
	v52 =	vld [tilespmem:s29+$0x20]  }
0x10c: {  	v54 =	vshll.u32 v41, $0x10;
	v0 =	vadd.f32 v51, v47;
	v4 =	vadd.f32 v5, v48  }
0x10d: {  	v55 =	vshll.u32 v43, $0x10;
	v6 =	vand.u32 $0xFFFF0000, v41;
	v13 =	vand.u32 $0xFFFF0000, v43  }
0x10e: {  	v10 =	vadd.f32 v55, v54;
	v56 =	vld [tilespmem:s29+$0xA0];
	v0 =	vshrl.u32 v0, $0x10;
	v4 =	vand.u32 $0xFFFF0000, v4  }
0x10f: {  	v58 =	vand.u32 $0xFFFF0000, v37;
	v6 =	vadd.f32 v13, v6;
	v0 =	vor.u32 v4, v0  }
0x110: {  	v19 =	vld [tilespmem:s24+$0xB0];
	v5 =	vadd.f32 v53, v10;
	v59 =	vshll.u32 v50, $0x10;
	v60 =	vshll.u32 v52, $0x10;
	[tilespmem:s2+$0x4450] =	vst v0  }
0x111: {  	v9 =	vand.u32 $0xFFFF0000, v50;
	v17 =	vand.u32 $0xFFFF0000, v52;
	v0 =	vadd.f32 v58, v6;
	v61 =	vld [tilespmem:s31+$0xFFFFFFA0]  }
0x112: {  	v57 =	vand.u32 $0xFFFF0000, v27;
	v62 =	vadd.f32 v60, v59;
	v9 =	vadd.f32 v17, v9;
	v63 =	vld [tilespmem:s31+$0x20]  }
0x113: {  	v5 =	vshrl.u32 v5, $0x10;
	v16 =	vshll.u32 v56, $0x10;
	v20 =	vand.u32 $0xFFFF0000, v56  }
0x114: {  	v18 =	vld [tilespmem:s31+$0xA0];
	v0 =	vand.u32 $0xFFFF0000, v0;
	v6 =	vadd.f32 v16, v62;
	v21 =	vadd.f32 v20, v9  }
0x115: {  	v49 =	vadd.f32 v46, v42;
	v29 =	vshll.u32 v19, $0x10;
	v0 =	vor.u32 v0, v5  }
0x116: {  	[tilespmem:s25+$0x4460] =	vst v0;
	v22 =	vshrl.u32 v6, $0x10;
	v0 =	vand.u32 $0xFFFF0000, v21;
	v23 =	vshll.u32 v61, $0x10  }
0x117: {  	v24 =	vld [tilespmem:s26+$0xFFFFFFB0];
	v25 =	vand.u32 $0xFFFF0000, v61;
	v26 =	vshll.u32 v63, $0x10;
	v7 =	vand.u32 $0xFFFF0000, v63  }
0x118: {  	v27 =	vld [tilespmem:s26+$0x30];
	v0 =	vor.u32 v0, v22;
	v6 =	vadd.f32 v26, v23;
	v7 =	vadd.f32 v7, v25  }
0x119: {  	v4 =	vadd.f32 v57, v11;
	v30 =	vld [tilespmem:s26+$0xB0];
	v28 =	vshll.u32 v18, $0x10;
	v10 =	vand.u32 $0xFFFF0000, v18;
	[tilespmem:s28+$0x4460] =	vst v0  }
0x11a: {  	v34 =	vand.u32 $0xFFFF0000, v19;
	v35 =	vld [tilespmem:s29+$0xFFFFFFB0];
	v31 =	vadd.f32 v28, v6;
	v32 =	vadd.f32 v10, v7  }
0x11b: {  	v3 =	vand.u32 $0xFFFF0000, v3;
	v33 =	vadd.f32 v29, v49;
	v4 =	vadd.f32 v34, v4;
	v36 =	vld [tilespmem:s29+$0x30]  }
0x11c: {  	v2 =	vor.u32 v3, v39;
	v40 =	vld [tilespmem:s29+$0xB0];
	v0 =	vshrl.u32 v31, $0x10;
	v5 =	vand.u32 $0xFFFF0000, v32  }
0x11d: {  	v3 =	vshrl.u32 v33, $0x10;
	v4 =	vand.u32 $0xFFFF0000, v4;
	v0 =	vor.u32 v5, v0  }
0x11e: {  	v3 =	vor.u32 v4, v3;
	v37 =	vshll.u32 v24, $0x10;
	v38 =	vshll.u32 v27, $0x10;
	[tilespmem:s2+$0x4460] =	vst v0  }
0x11f: {  	v41 =	vand.u32 $0xFFFF0000, v24;
	v42 =	vshll.u32 v30, $0x10;
	v43 =	vand.u32 $0xFFFF0000, v27;
	v44 =	vld [tilespmem:s31+$0xFFFFFFB0]  }
0x120: {  	v47 =	vand.u32 $0xFFFF0000, v30;
	v39 =	vadd.f32 v38, v37;
	v48 =	vshll.u32 v35, $0x10;
	v46 =	vld [tilespmem:s31+$0x30]  }
0x121: {  	v49 =	vshll.u32 v36, $0x10;
	v7 =	vand.u32 $0xFFFF0000, v35;
	v52 =	vshll.u32 v40, $0x10  }
0x122: {  	v6 =	vand.u32 $0xFFFF0000, v36;
	v0 =	vadd.f32 v43, v41;
	v50 =	vadd.f32 v49, v48;
	v51 =	vld [tilespmem:s31+$0xB0]  }
0x123: {  	v8 =	vand.u32 $0xFFFF0000, v40;
	v45 =	vadd.f32 v42, v39;
	v6 =	vadd.f32 v6, v7  }
0x124: {  	v0 =	vadd.f32 v47, v0;
	v9 =	vadd.f32 v52, v50;
	v53 =	vshll.u32 v44, $0x10  }
0x125: {  	v54 =	vshll.u32 v46, $0x10;
	v11 =	vand.u32 $0xFFFF0000, v44;
	v5 =	vand.u32 $0xFFFF0000, v46  }
0x126: {  	v4 =	vshrl.u32 v45, $0x10;
	v7 =	vadd.f32 v54, v53;
	v5 =	vadd.f32 v5, v11  }
0x127: {  	[tilespmem:s21+$0x4470] =	vst v1;
	v55 =	vadd.f32 v8, v6;
	v56 =	vshll.u32 v51, $0x10;
	v57 =	vand.u32 $0xFFFF0000, v51  }
0x128: {  	p1 =	sne.s32 s19, $0x11;
	[tilespmem:s22+$0x4470] =	vst v2;
	v0 =	vand.u32 $0xFFFF0000, v0;
	v58 =	vadd.f32 v56, v7;
	v5 =	vadd.f32 v57, v5  }
.Ltmp3:
0x129: {  	s0 =	sshll.u32 s19, $0xC;
	[tilespmem:s23+$0x4470] =	vst v3;
	v59 =	vshrl.u32 v9, $0x10;
	v1 =	vand.u32 $0xFFFF0000, v55;
	v0 =	vor.u32 v0, v4;
	(pc) =	sbr.rel @p1 .LBB2_6-.Ltmp3, $4  }
0x12a: {  	s0 =	sadd.s32 s6, s0;
	v60 =	vor.u32 v1, v59;
	[tilespmem:s25+$0x4470] =	vst v0;
	v61 =	vshrl.u32 v58, $0x10;
	v62 =	vand.u32 $0xFFFF0000, v5  }
0x12b: {  	s0 =	sshrl.u32 s0, $0x3;
	[tilespmem:s28+$0x4470] =	vst v60;
	v63 =	vor.u32 v62, v61  }
0x12c: {  	s0 =	sadd.s32 s3, s0;
	[tilespmem:s2+$0x4470] =	vst v63  }
0x12d: {  	[hbm4b:s0+s4] =	stream.linear.scatter [tilespmem:s15], [sflag:$0x2], $0x800, $0x38;
	[tilespmem:$0x5400] =	vst v63  }
.Ltmp4:
0x12e: {  	(pc) =	sbr.rel .LBB2_7-.Ltmp4, $4  }
0x12f: {  	_ = 	snop  }
0x130: {  	_ =	swait.ge [sflag:s14], $0x1800  }
0x131: {  	[sflag:s14] =	ssyncset.done $0x0  }
0x132: {  	[sflag:s14] =	ssyncadd.s32 $0xFFFFE800  }
.LBB2_6:
0x133: {  	s0 =	sshrl.u32 s20, $0x2  }
.Ltmp5:
0x134: {  	s0 =	sadd.s32 $0x100, s0;
	(pc) =	sbr.rel @p0 .LBB2_8-.Ltmp5, $4  }
0x135: {  	[tilespmem:s11], [sflag:$0x1] =	stream.indirect.gather [hbm4b:s1+s10], $0x80, s0, s10, $0xb8;
	[tilespmem:$0x5400] =	vst v63  }
0x136: {  	_ =	swait.ge [sflag:s14], $0x1800  }
0x137: {  	[sflag:s14] =	ssyncset.done $0x0  }
0x138: {  	[sflag:s14] =	ssyncadd.s32 $0xFFFFE800  }
.LBB2_7:
0x139: {  	_ =	swait.ge [sflag:s16], $0x800  }
0x13a: {  	[sflag:s16] =	ssyncset.done $0x0  }
0x13b: {  	[sflag:s16] =	ssyncadd.s32 $0xFFFFF800  }
.LBB2_8:
0x13c: {  	s0 =	simm.s32 $0x2CC0  }
0x13d: {  	v0 =	vld [tilespmem:s0+$0xFFFFFF40]  }
0x13e: {  	v1 =	vld [tilespmem:s0+$0xFFFFFFC0];
	_ =	sdelay $0x1  }
0x13f: {  	v2 =	vld [tilespmem:s0+$0x40]  }
0x140: {  	s30 =	simm.s32 $0x2E40  }
0x141: {  	v5 =	vld [tilespmem:s30+$0xFFFFFFC0];
	v3 =	vshll.u32 v0, $0x10  }
0x142: {  	v0 =	vand.u32 $0xFFFF0000, v0;
	v4 =	vand.u32 $0xFFFF0000, v1;
	v1 =	vshll.u32 v1, $0x10  }
0x143: {  	v0 =	vadd.f32 v4, v0;
	v1 =	vadd.f32 v1, v3;
	v3 =	vld [tilespmem:s30+$0xFFFFFF40]  }
0x144: {  	v4 =	vshll.u32 v2, $0x10;
	v2 =	vand.u32 $0xFFFF0000, v2  }
0x145: {  	v0 =	vadd.f32 v2, v0;
	v1 =	vadd.f32 v4, v1;
	v2 =	vld [tilespmem:s30+$0x40]  }
0x146: {  	v4 =	vand.u32 $0xFFFF0000, v5  }
0x147: {  	v5 =	vshll.u32 v5, $0x10;
	v0 =	vand.u32 $0xFFFF0000, v0;
	v1 =	vshrl.u32 v1, $0x10  }
0x148: {  	s21 =	simm.s32 $0x0;
	v0 =	vor.u32 v0, v1;
	v1 =	vshll.u32 v3, $0x10;
	v3 =	vand.u32 $0xFFFF0000, v3  }
0x149: {  	[tilespmem:s21+$0x4C00] =	vst v0;
	v0 =	vadd.f32 v4, v3;
	v1 =	vadd.f32 v5, v1  }
0x14a: {  	v3 =	vld [tilespmem:s0+$0xFFFFFF50];
	v4 =	vshll.u32 v2, $0x10;
	v2 =	vand.u32 $0xFFFF0000, v2  }
0x14b: {  	v5 =	vld [tilespmem:s0+$0xFFFFFFD0];
	v0 =	vadd.f32 v2, v0;
	v1 =	vadd.f32 v4, v1;
	_ =	sdelay $0x1  }
0x14c: {  	v2 =	vld [tilespmem:s0+$0x50];
	v0 =	vand.u32 $0xFFFF0000, v0;
	v1 =	vshrl.u32 v1, $0x10  }
0x14d: {  	s22 =	simm.s32 $0x80;
	v0 =	vor.u32 v0, v1  }
0x14e: {  	[tilespmem:s22+$0x4C00] =	vst v0  }
0x14f: {  	v0 =	vshll.u32 v3, $0x10;
	v1 =	vshll.u32 v5, $0x10;
	v4 =	vld [tilespmem:s30+$0xFFFFFF50]  }
0x150: {  	v0 =	vadd.f32 v1, v0;
	v1 =	vld [tilespmem:s30+$0xFFFFFFD0]  }
0x151: {  	v3 =	vand.u32 $0xFFFF0000, v3;
	v5 =	vand.u32 $0xFFFF0000, v5;
	v6 =	vshll.u32 v2, $0x10  }
0x152: {  	s24 =	simm.s32 $0x2FC0;
	v3 =	vadd.f32 v5, v3;
	v5 =	vld [tilespmem:s30+$0x50];
	v0 =	vadd.f32 v6, v0  }
0x153: {  	v2 =	vand.u32 $0xFFFF0000, v2;
	v6 =	vld [tilespmem:s24+$0xFFFFFF40]  }
0x154: {  	v7 =	vld [tilespmem:s24+$0xFFFFFFC0];
	v2 =	vadd.f32 v2, v3;
	v0 =	vshrl.u32 v0, $0x10;
	v3 =	vshll.u32 v4, $0x10  }
0x155: {  	v4 =	vand.u32 $0xFFFF0000, v4;
	v8 =	vshll.u32 v1, $0x10;
	v1 =	vand.u32 $0xFFFF0000, v1  }
0x156: {  	v2 =	vand.u32 $0xFFFF0000, v2;
	v3 =	vadd.f32 v8, v3;
	v1 =	vadd.f32 v1, v4;
	v4 =	vld [tilespmem:s24+$0x40]  }
0x157: {  	v0 =	vor.u32 v2, v0;
	v2 =	vshll.u32 v5, $0x10;
	v5 =	vand.u32 $0xFFFF0000, v5  }
0x158: {  	[tilespmem:s21+$0x4C10] =	vst v0;
	v0 =	vand.u32 $0xFFFF0000, v6;
	v2 =	vadd.f32 v2, v3;
	v1 =	vadd.f32 v5, v1  }
0x159: {  	v3 =	vshll.u32 v6, $0x10;
	v5 =	vand.u32 $0xFFFF0000, v7;
	v6 =	vshll.u32 v7, $0x10  }
0x15a: {  	v7 =	vld [tilespmem:s0+$0xFFFFFF60];
	v0 =	vadd.f32 v5, v0;
	v3 =	vadd.f32 v6, v3  }
0x15b: {  	v5 =	vld [tilespmem:s0+$0xFFFFFFE0];
	v2 =	vshrl.u32 v2, $0x10;
	v6 =	vshll.u32 v4, $0x10;
	v4 =	vand.u32 $0xFFFF0000, v4  }
0x15c: {  	v1 =	vand.u32 $0xFFFF0000, v1;
	v0 =	vadd.f32 v4, v0;
	v3 =	vadd.f32 v6, v3  }
0x15d: {  	v1 =	vor.u32 v1, v2;
	v4 =	vld [tilespmem:s0+$0x60]  }
0x15e: {  	[tilespmem:s22+$0x4C10] =	vst v1;
	v0 =	vand.u32 $0xFFFF0000, v0;
	v1 =	vshrl.u32 v3, $0x10  }
0x15f: {  	s23 =	simm.s32 $0x100;
	v2 =	vshll.u32 v7, $0x10;
	v6 =	vand.u32 $0xFFFF0000, v7;
	v7 =	vld [tilespmem:s30+$0xFFFFFFE0];
	v0 =	vor.u32 v0, v1  }
0x160: {  	v3 =	vld [tilespmem:s30+$0xFFFFFF60];
	v1 =	vshll.u32 v5, $0x10;
	v5 =	vand.u32 $0xFFFF0000, v5;
	[tilespmem:s23+$0x4C00] =	vst v0  }
0x161: {  	v0 =	vadd.f32 v1, v2;
	v1 =	vadd.f32 v5, v6;
	v2 =	vld [tilespmem:s24+$0xFFFFFF50]  }
0x162: {  	v5 =	vshll.u32 v4, $0x10;
	v4 =	vand.u32 $0xFFFF0000, v4;
	v6 =	vld [tilespmem:s24+$0xFFFFFFD0]  }
0x163: {  	s26 =	simm.s32 $0x3140;
	v0 =	vadd.f32 v5, v0;
	v1 =	vadd.f32 v4, v1;
	v4 =	vld [tilespmem:s24+$0x50]  }
0x164: {  	v5 =	vld [tilespmem:s26+$0xFFFFFF40];
	v8 =	vshll.u32 v7, $0x10  }
0x165: {  	v7 =	vand.u32 $0xFFFF0000, v7;
	v0 =	vshrl.u32 v0, $0x10;
	v1 =	vand.u32 $0xFFFF0000, v1  }
0x166: {  	v9 =	vld [tilespmem:s26+$0xFFFFFFC0];
	v0 =	vor.u32 v1, v0;
	v1 =	vshll.u32 v3, $0x10;
	v3 =	vand.u32 $0xFFFF0000, v3  }
0x167: {  	v10 =	vshll.u32 v2, $0x10;
	v11 =	vshll.u32 v6, $0x10;
	v1 =	vadd.f32 v8, v1  }
0x168: {  	v2 =	vand.u32 $0xFFFF0000, v2;
	v6 =	vand.u32 $0xFFFF0000, v6;
	v8 =	vadd.f32 v11, v10;
	v10 =	vld [tilespmem:s26+$0x40]  }
0x169: {  	[tilespmem:s21+$0x4C20] =	vst v0;
	v11 =	vld [tilespmem:s30+$0x60];
	v12 =	vshll.u32 v4, $0x10;
	v2 =	vadd.f32 v6, v2;
	v0 =	vand.u32 $0xFFFF0000, v5  }
0x16a: {  	v4 =	vand.u32 $0xFFFF0000, v4;
	v6 =	vadd.f32 v12, v8;
	v8 =	vshll.u32 v5, $0x10  }
0x16b: {  	v47 =	vld [tilespmem:s0+$0xFFFFFF70];
	v5 =	vand.u32 $0xFFFF0000, v9;
	v9 =	vshll.u32 v9, $0x10;
	v2 =	vadd.f32 v4, v2  }
0x16c: {  	v0 =	vadd.f32 v5, v0;
	v5 =	vadd.f32 v9, v8;
	v9 =	vld [tilespmem:s0+$0xFFFFFFF0];
	v6 =	vshrl.u32 v6, $0x10  }
0x16d: {  	v2 =	vand.u32 $0xFFFF0000, v2;
	v4 =	vshll.u32 v10, $0x10;
	v8 =	vand.u32 $0xFFFF0000, v10  }
0x16e: {  	v10 =	vshll.u32 v11, $0x10;
	v0 =	vadd.f32 v8, v0;
	v4 =	vadd.f32 v4, v5  }
0x16f: {  	v3 =	vadd.f32 v7, v3;
	v2 =	vor.u32 v2, v6;
	v5 =	vld [tilespmem:s0+$0x70];
	v1 =	vadd.f32 v10, v1  }
0x170: {  	[tilespmem:s23+$0x4C10] =	vst v2;
	v2 =	vshll.u32 v47, $0x10;
	v0 =	vand.u32 $0xFFFF0000, v0;
	v4 =	vshrl.u32 v4, $0x10  }
0x171: {  	v10 =	vld [tilespmem:s24+$0xFFFFFFE0];
	v6 =	vshll.u32 v9, $0x10;
	v7 =	vand.u32 $0xFFFF0000, v9;
	v9 =	vand.u32 $0xFFFF0000, v11  }
0x172: {  	s25 =	simm.s32 $0x180;
	v8 =	vand.u32 $0xFFFF0000, v47;
	v0 =	vor.u32 v0, v4;
	v4 =	vld [tilespmem:s24+$0xFFFFFF60];
	v3 =	vadd.f32 v9, v3  }
0x173: {  	[tilespmem:s25+$0x4C00] =	vst v0;
	v0 =	vadd.f32 v6, v2;
	v2 =	vadd.f32 v7, v8  }
0x174: {  	v1 =	vshrl.u32 v1, $0x10;
	v6 =	vand.u32 $0xFFFF0000, v5;
	v5 =	vshll.u32 v5, $0x10;
	v7 =	vld [tilespmem:s26+$0xFFFFFF50]  }
0x175: {  	v3 =	vand.u32 $0xFFFF0000, v3;
	v0 =	vadd.f32 v5, v0;
	v5 =	vld [tilespmem:s26+$0xFFFFFFD0];
	v2 =	vadd.f32 v6, v2  }
0x176: {  	v9 =	vld [tilespmem:s26+$0x50];
	v11 =	vshll.u32 v10, $0x10;
	v1 =	vor.u32 v3, v1  }
0x177: {  	v6 =	vld [tilespmem:s24+$0x60];
	v8 =	vshll.u32 v4, $0x10;
	v0 =	vshrl.u32 v0, $0x10;
	v2 =	vand.u32 $0xFFFF0000, v2  }
0x178: {  	[tilespmem:s22+$0x4C20] =	vst v1;
	v4 =	vand.u32 $0xFFFF0000, v4;
	v0 =	vor.u32 v2, v0;
	v2 =	vand.u32 $0xFFFF0000, v10  }
0x179: {  	v49 =	vld [tilespmem:s30+$0xFFFFFF70];
	v8 =	vadd.f32 v11, v8;
	v10 =	vshll.u32 v7, $0x10;
	[tilespmem:s21+$0x4C30] =	vst v0;
	v0 =	vand.u32 $0xFFFF0000, v7  }
0x17a: {  	v2 =	vadd.f32 v2, v4;
	v7 =	vshll.u32 v5, $0x10;
	v5 =	vand.u32 $0xFFFF0000, v5;
	v11 =	vld [tilespmem:s0+$0xFFFFFF80]  }
0x17b: {  	v7 =	vadd.f32 v7, v10;
	v0 =	vadd.f32 v5, v0;
	v5 =	vld [tilespmem:s0+$0x0]  }
0x17c: {  	v4 =	vshll.u32 v9, $0x10;
	v9 =	vand.u32 $0xFFFF0000, v9;
	v48 =	vshll.u32 v6, $0x10  }
0x17d: {  	s28 =	simm.s32 $0x32C0;
	v6 =	vand.u32 $0xFFFF0000, v6;
	v10 =	vld [tilespmem:s0+$0x80];
	v4 =	vadd.f32 v4, v7;
	v0 =	vadd.f32 v9, v0  }
0x17e: {  	v3 =	vadd.f32 v48, v8;
	v2 =	vadd.f32 v6, v2;
	v8 =	vld [tilespmem:s28+$0xFFFFFFC0];
	v14 =	vshll.u32 v49, $0x10  }
0x17f: {  	v6 =	vld [tilespmem:s28+$0xFFFFFF40];
	v4 =	vshrl.u32 v4, $0x10;
	v0 =	vand.u32 $0xFFFF0000, v0;
	v7 =	vshll.u32 v11, $0x10  }
0x180: {  	v11 =	vand.u32 $0xFFFF0000, v11;
	v9 =	vshll.u32 v5, $0x10;
	v5 =	vand.u32 $0xFFFF0000, v5  }
0x181: {  	v12 =	vand.u32 $0xFFFF0000, v49;
	v0 =	vor.u32 v0, v4;
	v4 =	vld [tilespmem:s28+$0x40];
	v1 =	vadd.f32 v5, v11  }
0x182: {  	v5 =	vadd.f32 v9, v7;
	[tilespmem:s25+$0x4C10] =	vst v0;
	v0 =	vshll.u32 v10, $0x10;
	v9 =	vand.u32 $0xFFFF0000, v10  }
0x183: {  	v11 =	vand.u32 $0xFFFF0000, v8;
	v8 =	vshll.u32 v8, $0x10;
	v10 =	vld [tilespmem:s26+$0xFFFFFF60];
	v1 =	vadd.f32 v9, v1  }
0x184: {  	v0 =	vadd.f32 v0, v5;
	v5 =	vshll.u32 v6, $0x10;
	v9 =	vld [tilespmem:s26+$0xFFFFFFE0];
	v6 =	vand.u32 $0xFFFF0000, v6  }
0x185: {  	v6 =	vadd.f32 v11, v6;
	v5 =	vadd.f32 v8, v5;
	v1 =	vand.u32 $0xFFFF0000, v1  }
0x186: {  	v11 =	vld [tilespmem:s30+$0xFFFFFFF0];
	v8 =	vshll.u32 v4, $0x10;
	v4 =	vand.u32 $0xFFFF0000, v4;
	v0 =	vshrl.u32 v0, $0x10  }
0x187: {  	v7 =	vld [tilespmem:s30+$0x70];
	v4 =	vadd.f32 v4, v6;
	v5 =	vadd.f32 v8, v5;
	v0 =	vor.u32 v1, v0  }
0x188: {  	v3 =	vshrl.u32 v3, $0x10;
	v6 =	vshll.u32 v10, $0x10;
	[tilespmem:s21+$0x4C40] =	vst v0;
	v0 =	vld [tilespmem:s26+$0x60];
	v10 =	vand.u32 $0xFFFF0000, v10  }
0x189: {  	v8 =	vshll.u32 v9, $0x10;
	v4 =	vand.u32 $0xFFFF0000, v4;
	v5 =	vshrl.u32 v5, $0x10  }
0x18a: {  	s29 =	simm.s32 $0x200;
	v13 =	vld [tilespmem:s0+$0x10];
	v9 =	vand.u32 $0xFFFF0000, v9;
	v4 =	vor.u32 v4, v5;
	v6 =	vadd.f32 v8, v6  }
0x18b: {  	v5 =	vld [tilespmem:s0+$0xFFFFFF90];
	v8 =	vadd.f32 v9, v10;
	[tilespmem:s29+$0x4C00] =	vst v4;
	v4 =	vshll.u32 v11, $0x10;
	v11 =	vand.u32 $0xFFFF0000, v11  }
0x18c: {  	v2 =	vand.u32 $0xFFFF0000, v2;
	v9 =	vld [tilespmem:s0+$0x90];
	v4 =	vadd.f32 v4, v14;
	v11 =	vadd.f32 v11, v12  }
0x18d: {  	v1 =	vand.u32 $0xFFFF0000, v7;
	v7 =	vshll.u32 v7, $0x10;
	v15 =	vld [tilespmem:s28+$0xFFFFFF50];
	v10 =	vshll.u32 v0, $0x10  }
0x18e: {  	v0 =	vand.u32 $0xFFFF0000, v0;
	v4 =	vadd.f32 v7, v4;
	v7 =	vld [tilespmem:s28+$0xFFFFFFD0];
	v1 =	vadd.f32 v1, v11  }
0x18f: {  	v2 =	vor.u32 v2, v3;
	v3 =	vadd.f32 v10, v6;
	v0 =	vadd.f32 v0, v8;
	v6 =	vld [tilespmem:s28+$0x50]  }
0x190: {  	v8 =	vshll.u32 v5, $0x10;
	v5 =	vand.u32 $0xFFFF0000, v5;
	v4 =	vshrl.u32 v4, $0x10  }
0x191: {  	v1 =	vand.u32 $0xFFFF0000, v1;
	v3 =	vshrl.u32 v3, $0x10;
	v0 =	vand.u32 $0xFFFF0000, v0  }
0x192: {  	v1 =	vor.u32 v1, v4;
	v4 =	vshll.u32 v13, $0x10;
	v10 =	vshll.u32 v15, $0x10  }
0x193: {  	v11 =	vand.u32 $0xFFFF0000, v15;
	[tilespmem:s22+$0x4C30] =	vst v1;
	v1 =	vadd.f32 v4, v8;
	v4 =	vshll.u32 v9, $0x10  }
0x194: {  	v8 =	vshll.u32 v7, $0x10;
	v50 =	vld [tilespmem:s30+$0xFFFFFF80];
	v7 =	vand.u32 $0xFFFF0000, v7;
	v51 =	vshll.u32 v6, $0x10  }
0x195: {  	v8 =	vadd.f32 v8, v10;
	v10 =	vld [tilespmem:s30+$0x0];
	v7 =	vadd.f32 v7, v11;
	v11 =	vand.u32 $0xFFFF0000, v13  }
0x196: {  	v6 =	vand.u32 $0xFFFF0000, v6;
	v1 =	vadd.f32 v4, v1;
	v5 =	vadd.f32 v11, v5  }
0x197: {  	v52 =	vld [tilespmem:s30+$0x80];
	v8 =	vadd.f32 v51, v8;
	v6 =	vadd.f32 v6, v7;
	v7 =	vand.u32 $0xFFFF0000, v9  }
0x198: {  	s31 =	simm.s32 $0x3440;
	v0 =	vor.u32 v0, v3;
	v1 =	vshrl.u32 v1, $0x10;
	v4 =	vadd.f32 v7, v5  }
0x199: {  	v53 =	vld [tilespmem:s31+$0xFFFFFFC0];
	v5 =	vshrl.u32 v8, $0x10;
	v7 =	vshll.u32 v50, $0x10;
	v11 =	vand.u32 $0xFFFF0000, v50  }
0x19a: {  	v6 =	vand.u32 $0xFFFF0000, v6;
	v8 =	vshll.u32 v10, $0x10;
	v9 =	vand.u32 $0xFFFF0000, v10;
	v10 =	vld [tilespmem:s31+$0xFFFFFF40]  }
0x19b: {  	[tilespmem:s23+$0x4C20] =	vst v2;
	v2 =	vor.u32 v6, v5;
	v9 =	vadd.f32 v9, v11;
	v7 =	vadd.f32 v8, v7;
	v8 =	vld [tilespmem:s31+$0x40]  }
0x19c: {  	v5 =	vshll.u32 v52, $0x10;
	v6 =	vand.u32 $0xFFFF0000, v52;
	v4 =	vand.u32 $0xFFFF0000, v4;
	v11 =	vld [tilespmem:s24+$0x70];
	[tilespmem:s29+$0x4C10] =	vst v2  }
0x19d: {  	v1 =	vor.u32 v4, v1;
	v3 =	vld [tilespmem:s28+$0xFFFFFF60];
	v2 =	vadd.f32 v6, v9;
	v5 =	vadd.f32 v5, v7  }
0x19e: {  	[tilespmem:s21+$0x4C50] =	vst v1;
	v6 =	vld [tilespmem:s28+$0xFFFFFFE0]  }
0x19f: {  	v16 =	vld [tilespmem:s0+$0xA0];
	v2 =	vand.u32 $0xFFFF0000, v2;
	v5 =	vshrl.u32 v5, $0x10  }
0x1a0: {  	v9 =	vand.u32 $0xFFFF0000, v53;
	v56 =	vld [tilespmem:s0+$0x20];
	v4 =	vshll.u32 v10, $0x10;
	v2 =	vor.u32 v2, v5  }
0x1a1: {  	v5 =	vld [tilespmem:s24+$0xFFFFFF70];
	v7 =	vshll.u32 v8, $0x10;
	v1 =	vand.u32 $0xFFFF0000, v8;
	v8 =	vshll.u32 v53, $0x10  }
0x1a2: {  	v54 =	vand.u32 $0xFFFF0000, v11;
	[tilespmem:s22+$0x4C40] =	vst v2;
	v2 =	vand.u32 $0xFFFF0000, v10;
	v10 =	vld [tilespmem:s28+$0x60];
	v4 =	vadd.f32 v8, v4  }
0x1a3: {  	v11 =	vshll.u32 v11, $0x10;
	v8 =	vld [tilespmem:s0+$0xFFFFFFA0];
	v2 =	vadd.f32 v9, v2;
	v55 =	vshll.u32 v6, $0x10  }
0x1a4: {  	v9 =	vld [tilespmem:s30+$0xFFFFFF90];
	v6 =	vand.u32 $0xFFFF0000, v6;
	v60 =	vshll.u32 v16, $0x10;
	v4 =	vadd.f32 v7, v4  }
0x1a5: {  	v57 =	vld [tilespmem:s30+$0x10];
	v1 =	vadd.f32 v1, v2;
	v2 =	vshll.u32 v3, $0x10;
	v3 =	vand.u32 $0xFFFF0000, v3  }
0x1a6: {  	v14 =	vand.u32 $0xFFFF0000, v56;
	v7 =	vld [tilespmem:s24+$0xFFFFFFF0];
	v2 =	vadd.f32 v55, v2;
	v3 =	vadd.f32 v6, v3  }
0x1a7: {  	v4 =	vshrl.u32 v4, $0x10;
	v1 =	vand.u32 $0xFFFF0000, v1;
	v58 =	vshll.u32 v10, $0x10  }
0x1a8: {  	v6 =	vand.u32 $0xFFFF0000, v10;
	v10 =	vshll.u32 v5, $0x10;
	v5 =	vand.u32 $0xFFFF0000, v5  }
0x1a9: {  	v2 =	vadd.f32 v58, v2;
	v1 =	vor.u32 v1, v4;
	v3 =	vadd.f32 v6, v3  }
0x1aa: {  	s2 =	simm.s32 $0x280;
	v4 =	vshll.u32 v9, $0x10;
	v6 =	vshll.u32 v56, $0x10;
	v17 =	vshll.u32 v57, $0x10  }
0x1ab: {  	[tilespmem:s2+$0x4C00] =	vst v1;
	v1 =	vshll.u32 v8, $0x10;
	v59 =	vshll.u32 v7, $0x10;
	v8 =	vand.u32 $0xFFFF0000, v8  }
0x1ac: {  	v7 =	vand.u32 $0xFFFF0000, v7;
	v2 =	vshrl.u32 v2, $0x10;
	v1 =	vadd.f32 v6, v1  }
0x1ad: {  	v6 =	vld [tilespmem:s31+$0xFFFFFF50];
	v10 =	vadd.f32 v59, v10;
	v3 =	vand.u32 $0xFFFF0000, v3;
	v5 =	vadd.f32 v7, v5  }
0x1ae: {  	v7 =	vld [tilespmem:s30+$0x90];
	v2 =	vor.u32 v3, v2;
	v3 =	vadd.f32 v14, v8;
	v1 =	vadd.f32 v60, v1  }
0x1af: {  	v8 =	vand.u32 $0xFFFF0000, v16;
	v10 =	vadd.f32 v11, v10;
	v11 =	vld [tilespmem:s31+$0xFFFFFFD0];
	v5 =	vadd.f32 v54, v5  }
0x1b0: {  	v62 =	vadd.f32 v17, v4;
	v3 =	vadd.f32 v8, v3  }
0x1b1: {  	v1 =	vshrl.u32 v1, $0x10;
	v8 =	vshrl.u32 v10, $0x10;
	v10 =	vld [tilespmem:s31+$0x50];
	v4 =	vand.u32 $0xFFFF0000, v5  }
0x1b2: {  	v61 =	vshll.u32 v6, $0x10;
	v6 =	vand.u32 $0xFFFF0000, v6;
	v3 =	vand.u32 $0xFFFF0000, v3  }
0x1b3: {  	[tilespmem:s25+$0x4C20] =	vst v0;
	v0 =	vor.u32 v4, v8;
	v5 =	vshll.u32 v7, $0x10;
	v8 =	vand.u32 $0xFFFF0000, v9  }
0x1b4: {  	v3 =	vor.u32 v3, v1;
	v1 =	vld [tilespmem:s26+$0x70];
	[tilespmem:s23+$0x4C30] =	vst v0;
	v0 =	vshll.u32 v11, $0x10;
	v4 =	vand.u32 $0xFFFF0000, v11  }
0x1b5: {  	v11 =	vld [tilespmem:s24+$0x0];
	v9 =	vadd.f32 v0, v61;
	v4 =	vadd.f32 v4, v6;
	v0 =	vand.u32 $0xFFFF0000, v57  }
0x1b6: {  	[tilespmem:s29+$0x4C20] =	vst v2;
	v6 =	vld [tilespmem:s24+$0xFFFFFF80];
	v2 =	vshll.u32 v10, $0x10;
	v10 =	vand.u32 $0xFFFF0000, v10;
	v8 =	vadd.f32 v0, v8  }
0x1b7: {  	v7 =	vand.u32 $0xFFFF0000, v7;
	[tilespmem:s21+$0x4C60] =	vst v3;
	v2 =	vadd.f32 v2, v9;
	v9 =	vadd.f32 v10, v4;
	v4 =	vld [tilespmem:s24+$0x80]  }
0x1b8: {  	v10 =	vadd.f32 v5, v62;
	v5 =	vld [tilespmem:s0+$0xFFFFFFB0];
	v8 =	vadd.f32 v7, v8  }
0x1b9: {  	v3 =	vld [tilespmem:s0+$0x30];
	v2 =	vshrl.u32 v2, $0x10;
	v7 =	vand.u32 $0xFFFF0000, v9  }
0x1ba: {  	v0 =	vld [tilespmem:s28+$0x70];
	v63 =	vor.u32 v7, v2;
	v7 =	vshrl.u32 v10, $0x10;
	v9 =	vand.u32 $0xFFFF0000, v8  }
0x1bb: {  	s12 =	simm.s32 $0xC00;
	v2 =	vld [tilespmem:s0+$0xB0];
	s0 =	simm.s32 $0x35C0;
	v8 =	vshll.u32 v6, $0x10;
	v10 =	vshll.u32 v11, $0x10;
	v11 =	vand.u32 $0xFFFF0000, v11;
	[tilespmem:s2+$0x4C10] =	vst v63  }
.LBB2_9:
0x1bc: {  	v12 =	vld [tilespmem:s0+$0xFFFFFF40];
	p0 =	sne.s32 s12, $0x1E00;
	v13 =	vshll.u32 v4, $0x10;
	v6 =	vand.u32 $0xFFFF0000, v6;
	v7 =	vor.u32 v9, v7;
	s5 =	smov.u32 s12;
	s12 =	sadd.s32 $0x200, s12  }
0x1bd: {  	v4 =	vand.u32 $0xFFFF0000, v4;
	v9 =	vld [tilespmem:s0+$0xFFFFFFC0];
	v6 =	vadd.f32 v11, v6;
	[tilespmem:s22+$0x4C50] =	vst v7;
	v7 =	vshll.u32 v5, $0x10  }
0x1be: {  	v8 =	vadd.f32 v10, v8;
	v10 =	vshll.u32 v3, $0x10;
	v5 =	vand.u32 $0xFFFF0000, v5;
	v11 =	vld [tilespmem:s0+$0x40]  }
0x1bf: {  	v14 =	vld [tilespmem:s31+$0xFFFFFF60];
	v4 =	vadd.f32 v4, v6;
	v6 =	vadd.f32 v10, v7  }
0x1c0: {  	v7 =	vadd.f32 v13, v8;
	v10 =	vshll.u32 v2, $0x10;
	v8 =	vld [tilespmem:s30+$0xA0]  }
0x1c1: {  	v3 =	vand.u32 $0xFFFF0000, v3;
	v4 =	vand.u32 $0xFFFF0000, v4;
	v6 =	vadd.f32 v10, v6  }
0x1c2: {  	v3 =	vadd.f32 v3, v5;
	v2 =	vand.u32 $0xFFFF0000, v2;
	v7 =	vshrl.u32 v7, $0x10  }
0x1c3: {  	v5 =	vshll.u32 v12, $0x10;
	v4 =	vor.u32 v4, v7;
	v10 =	vld [tilespmem:s31+$0xFFFFFFE0]  }
0x1c4: {  	v2 =	vadd.f32 v2, v3;
	v7 =	vshll.u32 v11, $0x10;
	v11 =	vand.u32 $0xFFFF0000, v11;
	v13 =	vld [tilespmem:s26+$0xFFFFFF70];
	[tilespmem:s23+$0x4C40] =	vst v4  }
0x1c5: {  	v3 =	vand.u32 $0xFFFF0000, v12;
	v6 =	vshrl.u32 v6, $0x10;
	v4 =	vand.u32 $0xFFFF0000, v9;
	v12 =	vld [tilespmem:s24+$0x10]  }
0x1c6: {  	v15 =	vand.u32 $0xFFFF0000, v1;
	v2 =	vand.u32 $0xFFFF0000, v2;
	v3 =	vadd.f32 v4, v3;
	v4 =	vld [tilespmem:s31+$0x60]  }
0x1c7: {  	v16 =	vshll.u32 v1, $0x10;
	v1 =	vmovc v0;
	v9 =	vshll.u32 v9, $0x10;
	v2 =	vor.u32 v2, v6;
	v17 =	vld [tilespmem:s24+$0xFFFFFF90]  }
0x1c8: {  	v0 =	vadd.f32 v9, v5;
	v5 =	vshll.u32 v14, $0x10;
	v3 =	vadd.f32 v11, v3;
	v6 =	vld [tilespmem:s30+$0xFFFFFFA0];
	[tilespmem:s21+$0x4C70] =	vst v2;
	s21 =	smov.u32 s22;
	s22 =	smov.u32 s23;
	s23 =	smov.u32 s25  }
0x1c9: {  	v9 =	vand.u32 $0xFFFF0000, v14;
	v2 =	vshll.u32 v10, $0x10;
	v10 =	vand.u32 $0xFFFF0000, v10;
	s25 =	smov.u32 s29;
	s29 =	smov.u32 s2  }
0x1ca: {  	v0 =	vadd.f32 v7, v0;
	s2 =	sshra.s32 s5, $0x2;
	v3 =	vand.u32 $0xFFFF0000, v3;
	v2 =	vadd.f32 v2, v5  }
0x1cb: {  	v7 =	vadd.f32 v10, v9;
	v5 =	vshll.u32 v4, $0x10;
	v4 =	vand.u32 $0xFFFF0000, v4;
	v9 =	vld [tilespmem:s30+$0x20]  }
0x1cc: {  	v0 =	vshrl.u32 v0, $0x10;
	v10 =	vshll.u32 v13, $0x10;
	v2 =	vadd.f32 v5, v2;
	v5 =	vld [tilespmem:s26+$0xFFFFFFF0]  }
0x1cd: {  	v0 =	vor.u32 v3, v0;
	v3 =	vadd.f32 v4, v7;
	v4 =	vshll.u32 v17, $0x10  }
0x1ce: {  	v7 =	vshll.u32 v8, $0x10;
	[tilespmem:s2+$0x4C00] =	vst v0;
	v0 =	vshrl.u32 v2, $0x10;
	v2 =	vshll.u32 v12, $0x10  }
0x1cf: {  	v14 =	vshll.u32 v6, $0x10;
	v6 =	vand.u32 $0xFFFF0000, v6;
	v3 =	vand.u32 $0xFFFF0000, v3;
	v11 =	vld [tilespmem:s0+$0xFFFFFF50]  }
0x1d0: {  	v0 =	vor.u32 v3, v0;
	v3 =	vshll.u32 v9, $0x10;
	v9 =	vand.u32 $0xFFFF0000, v9  }
0x1d1: {  	[tilespmem:s29+$0x4C20] =	vst v0;
	v18 =	vshll.u32 v5, $0x10;
	v5 =	vand.u32 $0xFFFF0000, v5;
	v3 =	vadd.f32 v3, v14  }
0x1d2: {  	v13 =	vand.u32 $0xFFFF0000, v13;
	v6 =	vadd.f32 v9, v6;
	v0 =	vld [tilespmem:s31+$0x70];
	v10 =	vadd.f32 v18, v10  }
0x1d3: {  	v5 =	vadd.f32 v5, v13;
	v3 =	vadd.f32 v7, v3;
	v7 =	vand.u32 $0xFFFF0000, v8  }
0x1d4: {  	v8 =	vshll.u32 v11, $0x10;
	v9 =	vand.u32 $0xFFFF0000, v11;
	v10 =	vadd.f32 v16, v10;
	v11 =	vld [tilespmem:s24+$0x90]  }
0x1d5: {  	v5 =	vadd.f32 v15, v5;
	v6 =	vadd.f32 v7, v6;
	v13 =	vld [tilespmem:s0+$0xFFFFFFD0];
	v3 =	vshrl.u32 v3, $0x10  }
0x1d6: {  	v2 =	vadd.f32 v2, v4;
	v7 =	vshrl.u32 v10, $0x10  }
0x1d7: {  	v4 =	vand.u32 $0xFFFF0000, v5;
	v5 =	vand.u32 $0xFFFF0000, v6;
	v10 =	vld [tilespmem:s0+$0x50]  }
0x1d8: {  	v4 =	vor.u32 v4, v7;
	v3 =	vor.u32 v5, v3  }
0x1d9: {  	[tilespmem:s23+$0x4C30] =	vst v4;
	v7 =	vshll.u32 v11, $0x10  }
0x1da: {  	v5 =	vshll.u32 v13, $0x10;
	v6 =	vand.u32 $0xFFFF0000, v13;
	v4 =	vld [tilespmem:s26+$0x80];
	v13 =	vand.u32 $0xFFFF0000, v17  }
0x1db: {  	v5 =	vadd.f32 v5, v8;
	v8 =	vadd.f32 v6, v9;
	v14 =	vld [tilespmem:s26+$0x0];
	v9 =	vand.u32 $0xFFFF0000, v12;
	[tilespmem:s21+$0x4C60] =	vst v3  }
0x1dc: {  	v3 =	vshll.u32 v10, $0x10;
	v10 =	vand.u32 $0xFFFF0000, v10;
	v6 =	vld [tilespmem:s26+$0xFFFFFF80];
	v9 =	vadd.f32 v9, v13  }
.Ltmp6:
0x1dd: {  	v12 =	vadd.f32 v3, v5;
	v8 =	vadd.f32 v10, v8;
	v3 =	vand.u32 $0xFFFF0000, v11;
	v5 =	vld [tilespmem:s30+$0xFFFFFFB0];
	(pc) =	sbr.rel @p0 .LBB2_9-.Ltmp6, $4  }
0x1de: {  	v7 =	vadd.f32 v7, v2;
	v9 =	vadd.f32 v3, v9;
	v3 =	vld [tilespmem:s30+$0x30]  }
0x1df: {  	v10 =	vshrl.u32 v12, $0x10;
	v8 =	vand.u32 $0xFFFF0000, v8;
	v2 =	vld [tilespmem:s30+$0xB0];
	s30 =	smov.u32 s24;
	s24 =	smov.u32 s26;
	s26 =	smov.u32 s28  }
0x1e0: {  	v7 =	vshrl.u32 v7, $0x10;
	s28 =	smov.u32 s31;
	s31 =	smov.u32 s0;
	v8 =	vor.u32 v8, v10;
	v9 =	vand.u32 $0xFFFF0000, v9  }
0x1e1: {  	s0 =	sadd.s32 $0x180, s0;
	v10 =	vshll.u32 v14, $0x10;
	v11 =	vand.u32 $0xFFFF0000, v14;
	[tilespmem:s2+$0x4C10] =	vst v8;
	v8 =	vshll.u32 v6, $0x10  }
0x1e2: {  	v6 =	vand.u32 $0xFFFF0000, v6  }
0x1e3: {  	v12 =	vshll.u32 v4, $0x10;
	v7 =	vor.u32 v9, v7;
	v57 =	vand.u32 $0xFFFF0000, v4;
	v58 =	vld [tilespmem:s31+$0xFFFFFF60]  }
0x1e4: {  	v8 =	vadd.f32 v10, v8;
	v59 =	vshll.u32 v5, $0x10;
	v61 =	vld [tilespmem:s31+$0xFFFFFFE0];
	v62 =	vand.u32 $0xFFFF0000, v5  }
0x1e5: {  	v63 =	vld [tilespmem:s26+$0xFFFFFF70];
	v22 =	vand.u32 $0xFFFF0000, v1;
	v6 =	vadd.f32 v11, v6;
	v60 =	vshll.u32 v3, $0x10  }
0x1e6: {  	v13 =	vld [tilespmem:s26+$0xFFFFFFF0];
	v23 =	vshll.u32 v1, $0x10;
	v19 =	vand.u32 $0xFFFF0000, v3;
	v10 =	vadd.f32 v60, v59  }
0x1e7: {  	v21 =	vld [tilespmem:s31+$0x60];
	v8 =	vadd.f32 v12, v8;
	v18 =	vshll.u32 v2, $0x10;
	v4 =	vadd.f32 v57, v6  }
0x1e8: {  	v56 =	vld [tilespmem:s28+$0xFFFFFF70];
	v3 =	vadd.f32 v19, v62;
	v20 =	vand.u32 $0xFFFF0000, v2;
	v10 =	vadd.f32 v18, v10  }
0x1e9: {  	[tilespmem:s22+$0x4C50] =	vst v7;
	v8 =	vshrl.u32 v8, $0x10;
	v4 =	vand.u32 $0xFFFF0000, v4;
	v24 =	vshll.u32 v58, $0x10  }
0x1ea: {  	v25 =	vld [tilespmem:s30+$0xFFFFFFA0];
	v14 =	vshll.u32 v61, $0x10;
	v9 =	vand.u32 $0xFFFF0000, v58;
	v6 =	vand.u32 $0xFFFF0000, v61  }
0x1eb: {  	v26 =	vld [tilespmem:s30+$0x20];
	v27 =	vshll.u32 v63, $0x10;
	v16 =	vshll.u32 v13, $0x10;
	v28 =	vand.u32 $0xFFFF0000, v13  }
0x1ec: {  	v15 =	vld [tilespmem:s30+$0xA0];
	v11 =	vand.u32 $0xFFFF0000, v63;
	v30 =	vshll.u32 v21, $0x10;
	v5 =	vand.u32 $0xFFFF0000, v21  }
0x1ed: {  	v21 =	vshll.u32 v56, $0x10;
	v4 =	vor.u32 v4, v8;
	v8 =	vadd.f32 v14, v24  }
0x1ee: {  	v6 =	vadd.f32 v6, v9;
	v9 =	vadd.f32 v16, v27;
	v2 =	vshrl.u32 v10, $0x10  }
0x1ef: {  	v27 =	vand.u32 $0xFFFF0000, v0;
	[tilespmem:s23+$0x4C40] =	vst v4;
	v4 =	vadd.f32 v28, v11;
	v32 =	vshll.u32 v25, $0x10  }
0x1f0: {  	v12 =	vand.u32 $0xFFFF0000, v25;
	v33 =	vshll.u32 v26, $0x10;
	v14 =	vand.u32 $0xFFFF0000, v26  }
0x1f1: {  	v58 =	vld [tilespmem:s28+$0xFFFFFFF0];
	v34 =	vshll.u32 v15, $0x10;
	v1 =	vadd.f32 v23, v9;
	v7 =	vadd.f32 v33, v32  }
0x1f2: {  	v35 =	vand.u32 $0xFFFF0000, v15;
	v12 =	vadd.f32 v14, v12;
	v38 =	vadd.f32 v30, v8  }
0x1f3: {  	v28 =	vshll.u32 v0, $0x10;
	v31 =	vld [tilespmem:s24+$0xFFFFFF90];
	v5 =	vadd.f32 v5, v6;
	v4 =	vadd.f32 v22, v4  }
0x1f4: {  	v29 =	vld [tilespmem:s24+$0x10];
	v14 =	vand.u32 $0xFFFF0000, v56;
	v1 =	vshrl.u32 v1, $0x10;
	v7 =	vadd.f32 v34, v7  }
0x1f5: {  	v37 =	vadd.f32 v35, v12;
	v5 =	vand.u32 $0xFFFF0000, v5;
	v4 =	vand.u32 $0xFFFF0000, v4  }
0x1f6: {  	v36 =	vld [tilespmem:s24+$0x90];
	v23 =	vshll.u32 v58, $0x10;
	v24 =	vand.u32 $0xFFFF0000, v58;
	v1 =	vor.u32 v4, v1  }
0x1f7: {  	v11 =	vadd.f32 v23, v21;
	v25 =	vadd.f32 v24, v14;
	v41 =	vshrl.u32 v7, $0x10;
	[tilespmem:s25+$0x4C30] =	vst v1  }
0x1f8: {  	v43 =	vand.u32 $0xFFFF0000, v37;
	v4 =	vshrl.u32 v38, $0x10;
	v39 =	vshll.u32 v31, $0x10;
	v44 =	vld [tilespmem:s26+$0x0]  }
0x1f9: {  	v40 =	vshll.u32 v29, $0x10;
	v1 =	vor.u32 v43, v41;
	v45 =	vand.u32 $0xFFFF0000, v31;
	v47 =	vld [tilespmem:s26+$0xFFFFFF80]  }
0x1fa: {  	v46 =	vand.u32 $0xFFFF0000, v29;
	v0 =	vadd.f32 v28, v11;
	v42 =	vadd.f32 v40, v39;
	v49 =	vld [tilespmem:s26+$0x80];
	[tilespmem:s22+$0x4C60] =	vst v1  }
0x1fb: {  	v48 =	vshll.u32 v36, $0x10;
	v31 =	vadd.f32 v27, v25;
	v8 =	vadd.f32 v46, v45;
	v51 =	vld [tilespmem:s30+$0xFFFFFFB0]  }
0x1fc: {  	v50 =	vand.u32 $0xFFFF0000, v36;
	v4 =	vor.u32 v5, v4;
	v53 =	vld [tilespmem:s30+$0x30];
	v6 =	vadd.f32 v48, v42  }
0x1fd: {  	[tilespmem:s2+$0x4C20] =	vst v4;
	v5 =	vld [tilespmem:s30+$0xB0];
	v0 =	vshrl.u32 v0, $0x10;
	v35 =	vand.u32 $0xFFFF0000, v31;
	v52 =	vadd.f32 v50, v8  }
0x1fe: {  	v1 =	vadd.f32 v20, v3;
	v26 =	vld [tilespmem:s31+$0xFFFFFF70];
	v0 =	vor.u32 v35, v0;
	v6 =	vshrl.u32 v6, $0x10  }
0x1ff: {  	v29 =	vld [tilespmem:s31+$0xFFFFFFF0];
	v7 =	vand.u32 $0xFFFF0000, v52;
	v54 =	vshll.u32 v47, $0x10;
	v55 =	vshll.u32 v44, $0x10  }
0x200: {  	v9 =	vand.u32 $0xFFFF0000, v44;
	v57 =	vshll.u32 v49, $0x10;
	v12 =	vand.u32 $0xFFFF0000, v47  }
0x201: {  	v32 =	vld [tilespmem:s31+$0x70];
	v6 =	vor.u32 v7, v6;
	v60 =	vand.u32 $0xFFFF0000, v49;
	v59 =	vadd.f32 v9, v12  }
0x202: {  	[tilespmem:s29+$0x4C30] =	vst v0;
	v61 =	vshll.u32 v51, $0x10;
	v10 =	vadd.f32 v55, v54;
	v62 =	vshll.u32 v53, $0x10  }
0x203: {  	v42 =	vld [tilespmem:s28+$0xFFFFFF80];
	v3 =	vand.u32 $0xFFFF0000, v51;
	v20 =	vshll.u32 v5, $0x10;
	v8 =	vand.u32 $0xFFFF0000, v53  }
0x204: {  	v43 =	vld [tilespmem:s28+$0x0];
	v37 =	vshll.u32 v26, $0x10;
	v39 =	vshll.u32 v29, $0x10;
	v40 =	vand.u32 $0xFFFF0000, v29  }
0x205: {  	v48 =	vld [tilespmem:s28+$0x80];
	[tilespmem:s23+$0x4C50] =	vst v6;
	v13 =	vand.u32 $0xFFFF0000, v26;
	v63 =	vadd.f32 v62, v61;
	v3 =	vadd.f32 v8, v3  }
0x206: {  	v44 =	vand.u32 $0xFFFF0000, v32;
	v22 =	vld [tilespmem:s24+$0xFFFFFFA0];
	v0 =	vadd.f32 v39, v37;
	v13 =	vadd.f32 v40, v13  }
0x207: {  	v12 =	vshll.u32 v32, $0x10;
	v30 =	vld [tilespmem:s24+$0x20];
	v7 =	vadd.f32 v60, v59;
	v19 =	vadd.f32 v57, v10  }
0x208: {  	v33 =	vld [tilespmem:s24+$0xA0];
	v0 =	vadd.f32 v12, v0;
	v45 =	vadd.f32 v44, v13;
	v50 =	vshll.u32 v42, $0x10  }
0x209: {  	v51 =	vshll.u32 v43, $0x10;
	v14 =	vand.u32 $0xFFFF0000, v43;
	v8 =	vand.u32 $0xFFFF0000, v42  }
0x20a: {  	v54 =	vand.u32 $0xFFFF0000, v48;
	v7 =	vand.u32 $0xFFFF0000, v7;
	v6 =	vshrl.u32 v19, $0x10  }
0x20b: {  	v8 =	vadd.f32 v14, v8;
	v6 =	vor.u32 v7, v6;
	v0 =	vshrl.u32 v0, $0x10  }
0x20c: {  	v12 =	vand.u32 $0xFFFF0000, v45;
	[tilespmem:s25+$0x4C40] =	vst v6;
	v34 =	vshll.u32 v22, $0x10;
	v4 =	vand.u32 $0xFFFF0000, v22  }
0x20d: {  	v41 =	vshll.u32 v30, $0x10;
	v16 =	vand.u32 $0xFFFF0000, v30;
	v47 =	vshll.u32 v33, $0x10;
	v36 =	vld [tilespmem:s26+$0xFFFFFF90]  }
0x20e: {  	v0 =	vor.u32 v12, v0;
	v38 =	vld [tilespmem:s26+$0x10];
	v6 =	vadd.f32 v41, v34;
	v4 =	vadd.f32 v16, v4  }
0x20f: {  	v7 =	vand.u32 $0xFFFF0000, v33;
	v8 =	vadd.f32 v54, v8;
	[tilespmem:s2+$0x4C30] =	vst v0;
	v0 =	vadd.f32 v51, v50  }
0x210: {  	v53 =	vshll.u32 v48, $0x10;
	v52 =	vld [tilespmem:s31+$0xFFFFFF80];
	v6 =	vadd.f32 v47, v6;
	v4 =	vadd.f32 v7, v4  }
0x211: {  	v9 =	vadd.f32 v20, v63;
	v55 =	vld [tilespmem:s31+$0x0];
	v0 =	vadd.f32 v53, v0  }
0x212: {  	v56 =	vld [tilespmem:s26+$0x90];
	v8 =	vand.u32 $0xFFFF0000, v8;
	v6 =	vshrl.u32 v6, $0x10;
	v4 =	vand.u32 $0xFFFF0000, v4  }
0x213: {  	v58 =	vld [tilespmem:s31+$0x80];
	v0 =	vshrl.u32 v0, $0x10;
	v46 =	vshll.u32 v36, $0x10;
	v49 =	vshll.u32 v38, $0x10  }
0x214: {  	v10 =	vand.u32 $0xFFFF0000, v36;
	v11 =	vand.u32 $0xFFFF0000, v38;
	v0 =	vor.u32 v8, v0  }
0x215: {  	v57 =	vadd.f32 v49, v46;
	v10 =	vadd.f32 v11, v10;
	v59 =	vshll.u32 v52, $0x10  }
0x216: {  	[tilespmem:s29+$0x4C40] =	vst v0;
	v60 =	vshll.u32 v55, $0x10;
	v61 =	vand.u32 $0xFFFF0000, v55;
	v12 =	vand.u32 $0xFFFF0000, v52  }
0x217: {  	v62 =	vshll.u32 v56, $0x10;
	v63 =	vld [tilespmem:s28+$0xFFFFFF90];
	v11 =	vadd.f32 v61, v12;
	v0 =	vadd.f32 v60, v59  }
0x218: {  	v20 =	vshll.u32 v58, $0x10;
	v13 =	vand.u32 $0xFFFF0000, v58;
	v19 =	vld [tilespmem:s28+$0x10];
	v7 =	vadd.f32 v62, v57  }
0x219: {  	v14 =	vand.u32 $0xFFFF0000, v56;
	v11 =	vadd.f32 v13, v11;
	v0 =	vadd.f32 v20, v0  }
0x21a: {  	v4 =	vor.u32 v4, v6;
	v22 =	vld [tilespmem:s28+$0x90];
	v21 =	vadd.f32 v14, v10  }
0x21b: {  	[tilespmem:s23+$0x4C60] =	vst v4;
	v23 =	vshrl.u32 v7, $0x10;
	v24 =	vand.u32 $0xFFFF0000, v11;
	v0 =	vshrl.u32 v0, $0x10  }
0x21c: {  	v25 =	vld [tilespmem:s24+$0xFFFFFFB0];
	v6 =	vand.u32 $0xFFFF0000, v21;
	v26 =	vshll.u32 v63, $0x10;
	v0 =	vor.u32 v24, v0  }
0x21d: {  	v27 =	vld [tilespmem:s24+$0x30];
	v28 =	vshll.u32 v19, $0x10;
	v29 =	vand.u32 $0xFFFF0000, v63;
	v8 =	vand.u32 $0xFFFF0000, v19;
	[tilespmem:s2+$0x4C40] =	vst v0  }
0x21e: {  	v30 =	vor.u32 v6, v23;
	v31 =	vadd.f32 v28, v26;
	v32 =	vadd.f32 v8, v29;
	v33 =	vld [tilespmem:s31+$0xFFFFFF90]  }
0x21f: {  	v1 =	vand.u32 $0xFFFF0000, v1;
	[tilespmem:s25+$0x4C50] =	vst v30;
	v34 =	vshll.u32 v22, $0x10;
	v35 =	vand.u32 $0xFFFF0000, v22;
	v36 =	vld [tilespmem:s31+$0x10]  }
0x220: {  	v5 =	vand.u32 $0xFFFF0000, v5;
	v37 =	vld [tilespmem:s26+$0xA0];
	v0 =	vadd.f32 v34, v31;
	v38 =	vadd.f32 v35, v32  }
0x221: {  	v1 =	vor.u32 v1, v2;
	v3 =	vadd.f32 v5, v3;
	v39 =	vshrl.u32 v9, $0x10;
	v40 =	vld [tilespmem:s31+$0x90]  }
0x222: {  	v42 =	vshll.u32 v25, $0x10;
	v41 =	vld [tilespmem:s26+$0xFFFFFFA0];
	v0 =	vshrl.u32 v0, $0x10;
	v4 =	vand.u32 $0xFFFF0000, v38  }
0x223: {  	v46 =	vshll.u32 v27, $0x10;
	v43 =	vld [tilespmem:s26+$0x20];
	v0 =	vor.u32 v4, v0;
	v44 =	vshll.u32 v33, $0x10  }
0x224: {  	v45 =	vshll.u32 v36, $0x10;
	v8 =	vand.u32 $0xFFFF0000, v33;
	v10 =	vand.u32 $0xFFFF0000, v36;
	[tilespmem:s29+$0x4C50] =	vst v0  }
0x225: {  	v11 =	vand.u32 $0xFFFF0000, v25;
	v47 =	vadd.f32 v45, v44;
	v48 =	vadd.f32 v10, v8;
	v50 =	vld [tilespmem:s28+$0xFFFFFFA0]  }
0x226: {  	v53 =	vshll.u32 v37, $0x10;
	v51 =	vshll.u32 v40, $0x10;
	v5 =	vand.u32 $0xFFFF0000, v40;
	v52 =	vld [tilespmem:s28+$0x20]  }
0x227: {  	v54 =	vshll.u32 v41, $0x10;
	v0 =	vadd.f32 v51, v47;
	v4 =	vadd.f32 v5, v48  }
0x228: {  	v55 =	vshll.u32 v43, $0x10;
	v6 =	vand.u32 $0xFFFF0000, v41;
	v13 =	vand.u32 $0xFFFF0000, v43  }
0x229: {  	v10 =	vadd.f32 v55, v54;
	v56 =	vld [tilespmem:s28+$0xA0];
	v0 =	vshrl.u32 v0, $0x10;
	v4 =	vand.u32 $0xFFFF0000, v4  }
0x22a: {  	v58 =	vand.u32 $0xFFFF0000, v37;
	v6 =	vadd.f32 v13, v6;
	v0 =	vor.u32 v4, v0  }
0x22b: {  	v19 =	vld [tilespmem:s24+$0xB0];
	v5 =	vadd.f32 v53, v10;
	v59 =	vshll.u32 v50, $0x10;
	v60 =	vshll.u32 v52, $0x10;
	[tilespmem:s2+$0x4C50] =	vst v0  }
0x22c: {  	v9 =	vand.u32 $0xFFFF0000, v50;
	v17 =	vand.u32 $0xFFFF0000, v52;
	v0 =	vadd.f32 v58, v6;
	v61 =	vld [tilespmem:s31+$0xFFFFFFA0]  }
0x22d: {  	v57 =	vand.u32 $0xFFFF0000, v27;
	v62 =	vadd.f32 v60, v59;
	v9 =	vadd.f32 v17, v9;
	v63 =	vld [tilespmem:s31+$0x20]  }
0x22e: {  	v5 =	vshrl.u32 v5, $0x10;
	v16 =	vshll.u32 v56, $0x10;
	v20 =	vand.u32 $0xFFFF0000, v56  }
0x22f: {  	v18 =	vld [tilespmem:s31+$0xA0];
	v0 =	vand.u32 $0xFFFF0000, v0;
	v6 =	vadd.f32 v16, v62;
	v21 =	vadd.f32 v20, v9  }
0x230: {  	v49 =	vadd.f32 v46, v42;
	v29 =	vshll.u32 v19, $0x10;
	v0 =	vor.u32 v0, v5  }
0x231: {  	[tilespmem:s25+$0x4C60] =	vst v0;
	v22 =	vshrl.u32 v6, $0x10;
	v0 =	vand.u32 $0xFFFF0000, v21;
	v23 =	vshll.u32 v61, $0x10  }
0x232: {  	v24 =	vld [tilespmem:s26+$0xFFFFFFB0];
	v25 =	vand.u32 $0xFFFF0000, v61;
	v26 =	vshll.u32 v63, $0x10;
	v7 =	vand.u32 $0xFFFF0000, v63  }
0x233: {  	v27 =	vld [tilespmem:s26+$0x30];
	v0 =	vor.u32 v0, v22;
	v6 =	vadd.f32 v26, v23;
	v7 =	vadd.f32 v7, v25  }
0x234: {  	v4 =	vadd.f32 v57, v11;
	v30 =	vld [tilespmem:s26+$0xB0];
	v28 =	vshll.u32 v18, $0x10;
	v10 =	vand.u32 $0xFFFF0000, v18;
	[tilespmem:s29+$0x4C60] =	vst v0  }
0x235: {  	v34 =	vand.u32 $0xFFFF0000, v19;
	v35 =	vld [tilespmem:s28+$0xFFFFFFB0];
	v31 =	vadd.f32 v28, v6;
	v32 =	vadd.f32 v10, v7  }
0x236: {  	v3 =	vand.u32 $0xFFFF0000, v3;
	v33 =	vadd.f32 v29, v49;
	v4 =	vadd.f32 v34, v4;
	v36 =	vld [tilespmem:s28+$0x30]  }
0x237: {  	v2 =	vor.u32 v3, v39;
	v40 =	vld [tilespmem:s28+$0xB0];
	v0 =	vshrl.u32 v31, $0x10;
	v5 =	vand.u32 $0xFFFF0000, v32  }
0x238: {  	v3 =	vshrl.u32 v33, $0x10;
	v4 =	vand.u32 $0xFFFF0000, v4;
	v0 =	vor.u32 v5, v0  }
0x239: {  	v3 =	vor.u32 v4, v3;
	v37 =	vshll.u32 v24, $0x10;
	v38 =	vshll.u32 v27, $0x10;
	[tilespmem:s2+$0x4C60] =	vst v0  }
0x23a: {  	v41 =	vand.u32 $0xFFFF0000, v24;
	v42 =	vshll.u32 v30, $0x10;
	v43 =	vand.u32 $0xFFFF0000, v27;
	v44 =	vld [tilespmem:s31+$0xFFFFFFB0]  }
0x23b: {  	v47 =	vand.u32 $0xFFFF0000, v30;
	v39 =	vadd.f32 v38, v37;
	v48 =	vshll.u32 v35, $0x10;
	v46 =	vld [tilespmem:s31+$0x30]  }
0x23c: {  	v49 =	vshll.u32 v36, $0x10;
	v7 =	vand.u32 $0xFFFF0000, v35;
	v52 =	vshll.u32 v40, $0x10  }
0x23d: {  	v6 =	vand.u32 $0xFFFF0000, v36;
	v0 =	vadd.f32 v43, v41;
	v50 =	vadd.f32 v49, v48;
	v51 =	vld [tilespmem:s31+$0xB0]  }
0x23e: {  	v8 =	vand.u32 $0xFFFF0000, v40;
	v45 =	vadd.f32 v42, v39;
	v6 =	vadd.f32 v6, v7  }
0x23f: {  	v0 =	vadd.f32 v47, v0;
	v9 =	vadd.f32 v52, v50;
	v53 =	vshll.u32 v44, $0x10  }
0x240: {  	v54 =	vshll.u32 v46, $0x10;
	v11 =	vand.u32 $0xFFFF0000, v44;
	v5 =	vand.u32 $0xFFFF0000, v46  }
0x241: {  	v4 =	vshrl.u32 v45, $0x10;
	v7 =	vadd.f32 v54, v53;
	v5 =	vadd.f32 v5, v11  }
0x242: {  	[tilespmem:s21+$0x4C70] =	vst v1;
	v55 =	vadd.f32 v8, v6;
	v56 =	vshll.u32 v51, $0x10;
	v57 =	vand.u32 $0xFFFF0000, v51  }
0x243: {  	p0 =	seq.s32 s19, $0x11;
	[tilespmem:s22+$0x4C70] =	vst v2;
	v0 =	vand.u32 $0xFFFF0000, v0;
	v58 =	vadd.f32 v56, v7;
	v5 =	vadd.f32 v57, v5  }
.Ltmp7:
0x244: {  	[tilespmem:s23+$0x4C70] =	vst v3;
	v59 =	vshrl.u32 v9, $0x10;
	v1 =	vand.u32 $0xFFFF0000, v55;
	v0 =	vor.u32 v0, v4;
	(pc) =	sbr.rel @p0 .LBB2_12-.Ltmp7, $4  }
0x245: {  	v60 =	vor.u32 v1, v59;
	[tilespmem:s25+$0x4C70] =	vst v0;
	v61 =	vshrl.u32 v58, $0x10;
	v62 =	vand.u32 $0xFFFF0000, v5  }
0x246: {  	s0 =	sshll.u32 s19, $0x9;
	[tilespmem:s29+$0x4C70] =	vst v60;
	v63 =	vor.u32 v62, v61  }
0x247: {  	s0 =	sadd.s32 s8, s0;
	[tilespmem:s2+$0x4C70] =	vst v63  }
0x248: {  	[hbm4b:s0+s4] =	stream.linear.scatter [tilespmem:s17], [sflag:$0x2], $0x800, $0x38;
	[tilespmem:$0x5400] =	vst v63  }
.Ltmp8:
0x249: {  	(pc) =	sbr.rel .LBB2_2-.Ltmp8, $4  }
0x24a: {  	_ = 	snop  }
0x24b: {  	s0 =	sshrl.u32 s20, $0x2  }
0x24c: {  	s19 =	sadd.s32 $0x1, s19;
	s0 =	sadd.s32 $0x180, s0  }
0x24d: {  	[tilespmem:s13], [sflag:$0x1] =	stream.indirect.gather [hbm4b:s1+s10], $0x80, s0, s10, $0xb8;
	[tilespmem:$0x5400] =	vst v63  }
.LBB2_13:
0x24e: {  	_ =	sfence.sel $0x180000  }
0x24f: {  	[bflag:$0x0] =	sbarrier.arrive $0xFFFF  }
0x250: {  	_ =	strace $0x90000047  }
0x251: {  	s0 =	stileid.u32;
	[bflag:$0x2] =	sbarrier.arrive $0xFFFF  }
0x252: {  	p0 =	sne.s32 s0, $0x0;
	s0 =	rddreg [dreg:$0x3]  }
0x253: {  	s0 =	sadd.s32 @!p0 $0x100000, s0  }
0x254: {  	[sflag:s0] =	ssyncadd.tile.s32 @!p0 $0x1;
	_ =	shalt  }
.Lfunc_end2:
_tile_overlayer_lowered:
.L_overlay_start_2:
0x255: {  	(tag) =	ssettag $0x2  }
0x256: {  	s0 =	rddreg [dreg:$0x0];
	s2 =	stileid.u32  }
0x257: {  	s1 =	rddreg [dreg:$0x1];
	p0 =	sne.s32 s2, $0x0  }
0x258: {  	s3 =	rddreg [dreg:$0x2];
	[bflag:$0x3] =	sbarrier.arrive $0xFFFF;
	s2 =	simm.s32 @!p0 $0x1C03  }
0x259: {  	[timem:s3], [sflag:s2] =	dma.local @!p0 [hbm:s0], s1  }
0x25a: {  	s0 =	simm.s32 @!p0 $0x3  }
0x25b: {  	_ =	swait.ge @!p0 [sflag:s0], s1  }
0x25c: {  	s1 =	ssub.s32 @!p0 $0x0, s1;
	[sflag:s0] =	ssyncset.done @!p0 $0x0  }
0x25d: {  	[sflag:s0] =	ssyncadd.s32 @!p0 s1  }
0x25e: {  	[bflag:$0x3] =	sbarrier.arrive $0xFFFF  }
0x25f: {  	_ =	shalt  }

</sc_bundles>
